<compile_context>
chip_gen: v7x
topology: tpu7x:2x2x1
jax: 0.10.2.dev20260603
libtpu: 0.0.44.dev20260713+nightly
codegen_flags: <defaults>
</compile_context>

<pallas_src>
import functools

import jax
import jax.numpy as jnp
from jax import lax
from jax.experimental import pallas as pl
from jax.experimental.pallas import tpu as pltpu
from jax.experimental.pallas import tpu_sc as plsc

N = 10000
F = 128
H = 64
G = 64

N_PAD = 10240
BLK = 512
CHUNK = 128
CW = 16
NC = 2
NS = 16
NW = NC * NS
RPT = N_PAD // NS



NBUF = 4


def _seg_body_l1(nchunks, p2_hbm, src_hbm, dst_hbm, zh, z16, ones_hbm,
                 out_acc, out_cnt,
                 idx_s, idx_d, rows_v, ones_v, acc_sh, cnt_sh, gsem, ssem, csem):
    cid = lax.axis_index("c")
    sid = lax.axis_index("s")
    base = sid * RPT
    chalf = nchunks // 2
    pltpu.sync_copy(zh.at[pl.ds(base, RPT)], acc_sh.at[pl.ds(base, RPT)])
    pltpu.sync_copy(z16.at[pl.ds(base, RPT)], cnt_sh.at[pl.ds(base, RPT)])
    pltpu.sync_copy(src_hbm.at[sid], idx_s)
    pltpu.sync_copy(dst_hbm.at[sid], idx_d)
    pltpu.sync_copy(ones_hbm, ones_v)
    plsc.subcore_barrier()

    ptab = p2_hbm.at[cid]
    pltpu.async_copy(ptab.at[idx_s.at[0]], rows_v.at[0], gsem.at[0])
    pltpu.async_copy(ptab.at[idx_s.at[1]], rows_v.at[1], gsem.at[1])

    def group(g, carry):
        for b in range(NBUF):
            j = g * NBUF + b
            bg = (b + 2) % NBUF

            pltpu.make_async_copy(ptab.at[idx_s.at[j]], rows_v.at[b],
                                  gsem.at[b]).wait()
            pltpu.async_copy(rows_v.at[b], acc_sh.at[idx_d.at[j]],
                             ssem.at[b], add=True)
            mine = ((cid == 0) & (j < chalf)) | ((cid == 1) & (j >= chalf))

            @pl.when(mine)
            def _():
                pltpu.async_copy(ones_v, cnt_sh.at[idx_d.at[j]], csem, add=True)

            @pl.when(j >= 2)
            def _():
                pltpu.make_async_copy(rows_v.at[bg], acc_sh.at[idx_d.at[0]],
                                      ssem.at[bg]).wait()

            @pl.when(j + 2 < nchunks)
            def _():
                pltpu.async_copy(ptab.at[idx_s.at[j + 2]], rows_v.at[bg],
                                 gsem.at[bg])
        return carry

    lax.fori_loop(0, nchunks // NBUF, group, 0)
    for jt in (nchunks - 2, nchunks - 1):
        bt = jt % NBUF
        pltpu.make_async_copy(rows_v.at[bt], acc_sh.at[idx_d.at[0]],
                              ssem.at[bt]).wait()

    def drain(j, carry):
        pltpu.make_async_copy(ones_v, cnt_sh.at[idx_d.at[0]], csem).wait()
        return carry

    lax.fori_loop(0, chalf, drain, 0)
    plsc.subcore_barrier()
    pltpu.sync_copy(acc_sh.at[pl.ds(base, RPT)], out_acc.at[cid, pl.ds(base, RPT)])
    pltpu.sync_copy(cnt_sh.at[pl.ds(base, RPT)], out_cnt.at[cid, pl.ds(base, RPT)])


def _seg_body_nocnt(nchunks, p_hbm, src_hbm, dst_hbm, z64,
                    out_acc,
                    idx_s, idx_d, rows_v, acc_sh, gsem, ssem):
    cid = lax.axis_index("c")
    sid = lax.axis_index("s")
    wid = sid * NC + cid
    base = sid * RPT
    pltpu.sync_copy(z64.at[pl.ds(base, RPT)], acc_sh.at[pl.ds(base, RPT)])
    pltpu.sync_copy(src_hbm.at[wid], idx_s)
    pltpu.sync_copy(dst_hbm.at[wid], idx_d)
    plsc.subcore_barrier()

    ptab = p_hbm
    pltpu.async_copy(ptab.at[idx_s.at[0]], rows_v.at[0], gsem.at[0])
    pltpu.async_copy(ptab.at[idx_s.at[1]], rows_v.at[1], gsem.at[1])

    def group(g, carry):
        for b in range(NBUF):
            j = g * NBUF + b
            bg = (b + 2) % NBUF

            pltpu.make_async_copy(ptab.at[idx_s.at[j]], rows_v.at[b],
                                  gsem.at[b]).wait()
            pltpu.async_copy(rows_v.at[b], acc_sh.at[idx_d.at[j]],
                             ssem.at[b], add=True)

            @pl.when(j >= 2)
            def _():
                pltpu.make_async_copy(rows_v.at[bg], acc_sh.at[idx_d.at[0]],
                                      ssem.at[bg]).wait()

            @pl.when(j + 2 < nchunks)
            def _():
                pltpu.async_copy(ptab.at[idx_s.at[j + 2]], rows_v.at[bg],
                                 gsem.at[bg])
        return carry

    lax.fori_loop(0, nchunks // NBUF, group, 0)
    for jt in (nchunks - 2, nchunks - 1):
        bt = jt % NBUF
        pltpu.make_async_copy(rows_v.at[bt], acc_sh.at[idx_d.at[0]],
                              ssem.at[bt]).wait()
    plsc.subcore_barrier()
    pltpu.sync_copy(acc_sh.at[pl.ds(base, RPT)], out_acc.at[cid, pl.ds(base, RPT)])


def _seg_sum_l1(x2, src2, dst2, zh, z16, ones, nchunks):
    mesh = plsc.VectorSubcoreMesh(core_axis_name="c", subcore_axis_name="s")
    kern = pl.kernel(
        functools.partial(_seg_body_l1, nchunks),
        mesh=mesh,
        compiler_params=pltpu.CompilerParams(use_tc_tiling_on_sc=False),
        out_type=[
            jax.ShapeDtypeStruct((NC, N_PAD, H), jnp.float32),
            jax.ShapeDtypeStruct((NC, N_PAD, CW), jnp.float32),
        ],
        scratch_types=[
            pltpu.VMEM((nchunks, CHUNK), jnp.int32),
            pltpu.VMEM((nchunks, CHUNK), jnp.int32),
            pltpu.VMEM((NBUF, CHUNK, H), jnp.float32),
            pltpu.VMEM((CHUNK, CW), jnp.float32),
            pltpu.VMEM_SHARED((N_PAD, H), jnp.float32),
            pltpu.VMEM_SHARED((N_PAD, CW), jnp.float32),
            pltpu.SemaphoreType.DMA((NBUF,)),
            pltpu.SemaphoreType.DMA((NBUF,)),
            pltpu.SemaphoreType.DMA,
        ],
    )
    return kern(x2, src2, dst2, zh, z16, ones)


def _seg_sum_nocnt(p, src3, dst3, zacc, nchunks, width):
    mesh = plsc.VectorSubcoreMesh(core_axis_name="c", subcore_axis_name="s")
    kern = pl.kernel(
        functools.partial(_seg_body_nocnt, nchunks),
        mesh=mesh,
        compiler_params=pltpu.CompilerParams(use_tc_tiling_on_sc=False),
        out_type=jax.ShapeDtypeStruct((NC, N_PAD, width), jnp.float32),
        scratch_types=[
            pltpu.VMEM((nchunks, CHUNK), jnp.int32),
            pltpu.VMEM((nchunks, CHUNK), jnp.int32),
            pltpu.VMEM((NBUF, CHUNK, width), jnp.float32),
            pltpu.VMEM_SHARED((N_PAD, width), jnp.float32),
            pltpu.SemaphoreType.DMA((NBUF,)),
            pltpu.SemaphoreType.DMA((NBUF,)),
        ],
    )
    return kern(p, src3, dst3, zacc)



def _layer1_body(acc_ref, cnt_ref, x_ref, wl_ref, wr_ref, b_ref, h_ref):
    a = jnp.concatenate([acc_ref[0], acc_ref[1]], axis=1)
    c = cnt_ref[0, :, :1] + cnt_ref[1, :, :1]
    mean = a / jnp.maximum(c, 1.0)
    h = jnp.maximum(
        jnp.dot(mean, wl_ref[...], preferred_element_type=jnp.float32)
        + b_ref[...]
        + jnp.dot(x_ref[...], wr_ref[...], preferred_element_type=jnp.float32),
        0.0)
    h_ref[...] = h


def _layer1(acc, cnt, x_p, wlT, wrT, b2d):
    return pl.pallas_call(
        _layer1_body,
        grid=(N_PAD // BLK,),
        in_specs=[
            pl.BlockSpec((NC, BLK, H), lambda i: (0, i, 0)),
            pl.BlockSpec((NC, BLK, CW), lambda i: (0, i, 0)),
            pl.BlockSpec((BLK, F), lambda i: (i, 0)),
            pl.BlockSpec((F, H), lambda i: (0, 0)),
            pl.BlockSpec((F, H), lambda i: (0, 0)),
            pl.BlockSpec((1, H), lambda i: (0, 0)),
        ],
        out_specs=pl.BlockSpec((BLK, H), lambda i: (i, 0)),
        out_shape=jax.ShapeDtypeStruct((N_PAD, H), jnp.float32),
    )(acc, cnt, x_p, wlT, wrT, b2d)


def _final_body(acc_ref, cnt_ref, h1_ref, wl_ref, wr_ref, b_ref, batch_ref,
                wa1_ref, ba1_ref, wa2_ref, ba2_ref,
                wc1_ref, bc1_ref, wc2_ref, bc2_ref,
                mu_ref, val_ref, sums_ref, cnts_ref):
    i = pl.program_id(0)

    @pl.when(i == 0)
    def _():
        sums_ref[...] = jnp.zeros_like(sums_ref)
        cnts_ref[...] = jnp.zeros_like(cnts_ref)

    a = acc_ref[0] + acc_ref[1]
    c = cnt_ref[0, :, :1] + cnt_ref[1, :, :1]
    mean = a / jnp.maximum(c, 1.0)
    h = jnp.maximum(
        jnp.dot(mean, wl_ref[...], preferred_element_type=jnp.float32)
        + b_ref[...]
        + jnp.dot(h1_ref[...], wr_ref[...], preferred_element_type=jnp.float32),
        0.0)
    oh = (batch_ref[...] == lax.broadcasted_iota(jnp.int32, (G, BLK), 0)
          ).astype(jnp.float32)
    sums_ref[...] += jnp.dot(oh, h, preferred_element_type=jnp.float32,
                             precision=lax.Precision.HIGHEST)
    cnts_ref[...] += jnp.sum(oh, axis=1, keepdims=True)

    @pl.when(i == pl.num_programs(0) - 1)
    def _():
        pooled = sums_ref[...] / jnp.maximum(cnts_ref[...], 1.0)
        ha = jnp.maximum(
            jnp.dot(pooled, wa1_ref[...], preferred_element_type=jnp.float32)
            + ba1_ref[...], 0.0)
        mu_ref[...] = (jnp.dot(ha, wa2_ref[...], preferred_element_type=jnp.float32)
                       + ba2_ref[...])
        hc = jnp.maximum(
            jnp.dot(pooled, wc1_ref[...], preferred_element_type=jnp.float32)
            + bc1_ref[...], 0.0)
        val_ref[...] = (jnp.dot(hc, wc2_ref[...], preferred_element_type=jnp.float32)
                        + bc2_ref[...])


def _final(acc, cnt, h1, wlT, wrT, b2d, batch_row,
           wa1T, ba1, wa2T, ba2, wc1T, bc1, wc2T, bc2):
    A = wa2T.shape[1]
    const = lambda shape: pl.BlockSpec(shape, lambda i: tuple(0 for _ in shape))
    return pl.pallas_call(
        _final_body,
        grid=(N_PAD // BLK,),
        in_specs=[
            pl.BlockSpec((NC, BLK, H), lambda i: (0, i, 0)),
            pl.BlockSpec((NC, BLK, CW), lambda i: (0, i, 0)),
            pl.BlockSpec((BLK, H), lambda i: (i, 0)),
            const((H, H)), const((H, H)), const((1, H)),
            pl.BlockSpec((1, BLK), lambda i: (0, i)),
            const((H, H)), const((1, H)), const((H, A)), const((1, A)),
            const((H, H)), const((1, H)), const((H, 1)), const((1, 1)),
        ],
        out_specs=[
            pl.BlockSpec((G, A), lambda i: (0, 0)),
            pl.BlockSpec((G, 1), lambda i: (0, 0)),
        ],
        out_shape=[
            jax.ShapeDtypeStruct((G, A), jnp.float32),
            jax.ShapeDtypeStruct((G, 1), jnp.float32),
        ],
        scratch_shapes=[
            pltpu.VMEM((G, H), jnp.float32),
            pltpu.VMEM((G, 1), jnp.float32),
        ],
    )(acc, cnt, h1, wlT, wrT, b2d, batch_row, wa1T, ba1, wa2T, ba2, wc1T, bc1, wc2T, bc2)



def kernel(x, edge_index, batch, W1l, b1l, W1r, W2l, b2l, W2r,
           Wa1, ba1, Wa2, ba2, Wc1, bc1, Wc2, bc2):
    E = edge_index.shape[1]

    def pad_edges(nparts):
        nch = -(-E // (nparts * CHUNK))
        nch = -(-nch // NBUF) * NBUF
        per = nch * CHUNK
        er = -(-E // nparts)
        spread = N + jnp.arange(nparts * per - E, dtype=jnp.int32) % (N_PAD - N)

        def shard(e):
            flat = jnp.concatenate([e, spread[: nparts * er - E]])
            body = flat.reshape(nparts, er)
            tail = spread[nparts * er - E:].reshape(nparts, per - er)
            return jnp.concatenate([body, tail], axis=1).reshape(nparts, nch, CHUNK)

        return shard(edge_index[0]), shard(edge_index[1]), nch

    src1, dst1, nch1 = pad_edges(NS)
    src2, dst2, nch2 = pad_edges(NW)
    x_p = jnp.pad(x, ((0, N_PAD - N), (0, 0)))
    x2 = jnp.stack([x_p[:, :H], x_p[:, H:]])
    batch_row = jnp.pad(batch, (0, N_PAD - N), constant_values=G).reshape(1, N_PAD)

    zH = jnp.zeros((N_PAD, H), jnp.float32)
    z16 = jnp.zeros((N_PAD, CW), jnp.float32)
    ones = jnp.ones((CHUNK, CW), jnp.float32)

    acc1, cnt = _seg_sum_l1(x2, src1, dst1, zH, z16, ones, nch1)
    h1 = _layer1(acc1, cnt, x_p, W1l.T, W1r.T, b1l.reshape(1, H))
    acc2 = _seg_sum_nocnt(h1, src2, dst2, zH, nch2, H)
    mu, value = _final(acc2, cnt, h1, W2l.T, W2r.T, b2l.reshape(1, H), batch_row,
                       Wa1.T, ba1.reshape(1, -1), Wa2.T, ba2.reshape(1, -1),
                       Wc1.T, bc1.reshape(1, -1), Wc2.T, bc2.reshape(1, -1))
    return (mu, value)

# --- scband reference (transcript-rebuilt; emitter-appended) ---
"""Pipeline reference for scband-actor-critic-gnn-16819091931152 (READ-ONLY COPY).

The authoritative reference and input builder live on the scoring server;
editing this copy changes nothing except your own understanding.
"""

import jax, jax.numpy as jnp
import numpy as np

N = 10000
E = 320000
F = 128
H = 64
A = 8
G = 64


def setup_inputs(seed: int = 0) -> dict:
    key = jax.random.key(seed)
    ks = jax.random.split(key, 20)
    x = jax.random.normal(ks[0], (N, F), dtype=jnp.float32)
    edge_index = jax.random.randint(ks[1], (2, E), 0, N, dtype=jnp.int32)
    batch = jnp.sort(jax.random.randint(ks[2], (N,), 0, G, dtype=jnp.int32))
    s = 0.05
    return {
        "x": x,
        "edge_index": edge_index,
        "batch": batch,
        # SAGEConv1: lin_l (aggregated neighbors, with bias), lin_r (root, no bias)
        "W1l": jax.random.normal(ks[3], (H, F), dtype=jnp.float32) * s,
        "b1l": jnp.zeros((H,), dtype=jnp.float32),
        "W1r": jax.random.normal(ks[4], (H, F), dtype=jnp.float32) * s,
        # SAGEConv2
        "W2l": jax.random.normal(ks[5], (H, H), dtype=jnp.float32) * s,
        "b2l": jnp.zeros((H,), dtype=jnp.float32),
        "W2r": jax.random.normal(ks[6], (H, H), dtype=jnp.float32) * s,
        # actor head
        "Wa1": jax.random.normal(ks[7], (H, H), dtype=jnp.float32) * s,
        "ba1": jnp.zeros((H,), dtype=jnp.float32),
        "Wa2": jax.random.normal(ks[8], (A, H), dtype=jnp.float32) * s,
        "ba2": jnp.zeros((A,), dtype=jnp.float32),
        # critic head
        "Wc1": jax.random.normal(ks[9], (H, H), dtype=jnp.float32) * s,
        "bc1": jnp.zeros((H,), dtype=jnp.float32),
        "Wc2": jax.random.normal(ks[10], (1, H), dtype=jnp.float32) * s,
        "bc2": jnp.zeros((1,), dtype=jnp.float32),
    }


def _sage_conv(x, src, dst, Wl, bl, Wr):
    # PyG SAGEConv with mean aggregation:
    # out[i] = lin_l(mean_{j:(j,i) in E} x_j) + lin_r(x_i)
    msgs = jnp.take(x, src, axis=0)
    summed = jax.ops.segment_sum(msgs, dst, num_segments=N)
    cnt = jax.ops.segment_sum(jnp.ones((src.shape[0], 1), x.dtype), dst, num_segments=N)
    mean = summed / jnp.maximum(cnt, 1.0)
    return mean @ Wl.T + bl + x @ Wr.T


def reference(x, edge_index, batch, W1l, b1l, W1r, W2l, b2l, W2r, Wa1, ba1, Wa2, ba2, Wc1, bc1, Wc2, bc2):
    src = edge_index[0]
    dst = edge_index[1]
    h = jax.nn.relu(_sage_conv(x, src, dst, W1l, b1l, W1r))
    h = jax.nn.relu(_sage_conv(h, src, dst, W2l, b2l, W2r))
    # global_mean_pool over graph ids
    sums = jax.ops.segment_sum(h, batch, num_segments=G)
    cnts = jax.ops.segment_sum(jnp.ones((N, 1), h.dtype), batch, num_segments=G)
    pooled = sums / jnp.maximum(cnts, 1.0)
    mu = jax.nn.relu(pooled @ Wa1.T + ba1) @ Wa2.T + ba2
    value = jax.nn.relu(pooled @ Wc1.T + bc1) @ Wc2.T + bc2
    return (mu, value)

if __name__ == "__main__":
    import jax
    _d = setup_inputs()
    print(jax.jit(kernel)(*tuple(_d.values())))

</pallas_src>

<mosaic_0001>
#map = affine_map<(d0, d1) -> (0, 0, 0)>
#map1 = affine_map<(d0, d1) -> (0, 0)>
module attributes {stable_mosaic.version = 14 : i64} {
  func.func @_seg_body_l1(%arg0: i32, %arg1: i32, %arg2: memref<2x10240x64xf32, #tpu.memory_space<hbm>>, %arg3: memref<16x160x128xi32, #tpu.memory_space<hbm>>, %arg4: memref<16x160x128xi32, #tpu.memory_space<hbm>>, %arg5: memref<10240x64xf32, #tpu.memory_space<hbm>>, %arg6: memref<10240x16xf32, #tpu.memory_space<hbm>>, %arg7: memref<128x16xf32, #tpu.memory_space<hbm>>, %arg8: memref<2x10240x64xf32, #tpu.memory_space<hbm>>, %arg9: memref<2x10240x16xf32, #tpu.memory_space<hbm>>, %arg10: memref<160x128xi32, #tpu.memory_space<vmem>>, %arg11: memref<160x128xi32, #tpu.memory_space<vmem>>, %arg12: memref<4x128x64xf32, #tpu.memory_space<vmem>>, %arg13: memref<128x16xf32, #tpu.memory_space<vmem>>, %arg14: memref<10240x64xf32, #tpu.memory_space<vmem_shared>>, %arg15: memref<10240x16xf32, #tpu.memory_space<vmem_shared>>, %arg16: memref<4x!tpu.dma_semaphore, #tpu.memory_space<semaphore_mem>>, %arg17: memref<4x!tpu.dma_semaphore, #tpu.memory_space<semaphore_mem>>, %arg18: memref<!tpu.dma_semaphore, #tpu.memory_space<semaphore_mem>>) attributes {dimension_semantics = [#tpu.dimension_semantics<core_parallel>, #tpu.dimension_semantics<subcore_parallel>], iteration_bounds = array<i64: 2, 16>, scalar_prefetch = 0 : i64, scratch_operands = 9 : i64, tpu.core_type = #tpu.core_type<sc_vector_subcore>, window_params = [{transform_indices = #map}, {transform_indices = #map}, {transform_indices = #map}, {transform_indices = #map1}, {transform_indices = #map1}, {transform_indices = #map1}, {transform_indices = #map}, {transform_indices = #map}]} {
    %mul3A = arith.constant 640 : i32
    %mul3A_0 = arith.muli %arg1, %mul3A : i32
    "tpu.region"() ({
      %run_scoped3A = tpu.sem_alloc : memref<!tpu.dma_semaphore, #tpu.memory_space<semaphore_mem>>
      %dma_start3A_79 = arith.constant 0 : i32
      %dma_start3A_80 = tpu.memref_slice %arg14[%mul3A_0, %dma_start3A_79] : memref<10240x64xf32, #tpu.memory_space<vmem_shared>> -> memref<640x64xf32, #tpu.memory_space<vmem_shared>>
      %dma_start3A_81 = arith.constant 0 : i32
      %dma_start3A_82 = tpu.memref_slice %arg5[%mul3A_0, %dma_start3A_81] : memref<10240x64xf32, #tpu.memory_space<hbm>> -> memref<640x64xf32, #tpu.memory_space<hbm>>
      tpu.enqueue_dma source(%dma_start3A_82 : memref<640x64xf32, #tpu.memory_space<hbm>>) target(%dma_start3A_80 : memref<640x64xf32, #tpu.memory_space<vmem_shared>>) target_semaphore(%run_scoped3A : memref<!tpu.dma_semaphore, #tpu.memory_space<semaphore_mem>>)
      %dma_wait3A_83 = arith.constant 0 : i32
      %dma_wait3A_84 = tpu.memref_slice %arg14[%mul3A_0, %dma_wait3A_83] : memref<10240x64xf32, #tpu.memory_space<vmem_shared>> -> memref<640x64xf32, #tpu.memory_space<vmem_shared>>
      %dma_wait3A_85 = arith.constant 0 : i32
      %dma_wait3A_86 = tpu.memref_slice %arg5[%mul3A_0, %dma_wait3A_85] : memref<10240x64xf32, #tpu.memory_space<hbm>> -> memref<640x64xf32, #tpu.memory_space<hbm>>
      tpu.wait_dma2 semaphore(%run_scoped3A : memref<!tpu.dma_semaphore, #tpu.memory_space<semaphore_mem>>) src(%dma_wait3A_86 : memref<640x64xf32, #tpu.memory_space<hbm>>) dst(%dma_wait3A_84 : memref<640x64xf32, #tpu.memory_space<vmem_shared>>)
      tpu.yield
    }) : () -> ()
    "tpu.region"() ({
      %run_scoped3A = tpu.sem_alloc : memref<!tpu.dma_semaphore, #tpu.memory_space<semaphore_mem>>
      %dma_start3A_79 = arith.constant 0 : i32
      %dma_start3A_80 = tpu.memref_slice %arg15[%mul3A_0, %dma_start3A_79] : memref<10240x16xf32, #tpu.memory_space<vmem_shared>> -> memref<640x16xf32, #tpu.memory_space<vmem_shared>>
      %dma_start3A_81 = arith.constant 0 : i32
      %dma_start3A_82 = tpu.memref_slice %arg6[%mul3A_0, %dma_start3A_81] : memref<10240x16xf32, #tpu.memory_space<hbm>> -> memref<640x16xf32, #tpu.memory_space<hbm>>
      tpu.enqueue_dma source(%dma_start3A_82 : memref<640x16xf32, #tpu.memory_space<hbm>>) target(%dma_start3A_80 : memref<640x16xf32, #tpu.memory_space<vmem_shared>>) target_semaphore(%run_scoped3A : memref<!tpu.dma_semaphore, #tpu.memory_space<semaphore_mem>>)
      %dma_wait3A_83 = arith.constant 0 : i32
      %dma_wait3A_84 = tpu.memref_slice %arg15[%mul3A_0, %dma_wait3A_83] : memref<10240x16xf32, #tpu.memory_space<vmem_shared>> -> memref<640x16xf32, #tpu.memory_space<vmem_shared>>
      %dma_wait3A_85 = arith.constant 0 : i32
      %dma_wait3A_86 = tpu.memref_slice %arg6[%mul3A_0, %dma_wait3A_85] : memref<10240x16xf32, #tpu.memory_space<hbm>> -> memref<640x16xf32, #tpu.memory_space<hbm>>
      tpu.wait_dma2 semaphore(%run_scoped3A : memref<!tpu.dma_semaphore, #tpu.memory_space<semaphore_mem>>) src(%dma_wait3A_86 : memref<640x16xf32, #tpu.memory_space<hbm>>) dst(%dma_wait3A_84 : memref<640x16xf32, #tpu.memory_space<vmem_shared>>)
      tpu.yield
    }) : () -> ()
    "tpu.region"() ({
      %run_scoped3A = tpu.sem_alloc : memref<!tpu.dma_semaphore, #tpu.memory_space<semaphore_mem>>
      %dma_start3A_79 = arith.constant 0 : i32
      %dma_start3A_80 = arith.constant 0 : i32
      %dma_start3A_81 = tpu.memref_slice %arg3[%arg1, %dma_start3A_79, %dma_start3A_80] : memref<16x160x128xi32, #tpu.memory_space<hbm>> -> memref<1x160x128xi32, #tpu.memory_space<hbm>>
      %dma_start3A_82 = tpu.memref_squeeze %dma_start3A_81 : memref<1x160x128xi32, #tpu.memory_space<hbm>> -> memref<160x128xi32, #tpu.memory_space<hbm>>
      %dma_start3A_83 = arith.constant 0 : i32
      %dma_start3A_84 = arith.constant 0 : i32
      %dma_start3A_85 = tpu.memref_slice %arg3[%arg1, %dma_start3A_83, %dma_start3A_84] : memref<16x160x128xi32, #tpu.memory_space<hbm>> -> memref<1x160x128xi32, #tpu.memory_space<hbm>>
      %dma_start3A_86 = tpu.memref_squeeze %dma_start3A_85 : memref<1x160x128xi32, #tpu.memory_space<hbm>> -> memref<160x128xi32, #tpu.memory_space<hbm>>
      tpu.enqueue_dma source(%dma_start3A_86 : memref<160x128xi32, #tpu.memory_space<hbm>>) target(%arg10 : memref<160x128xi32, #tpu.memory_space<vmem>>) target_semaphore(%run_scoped3A : memref<!tpu.dma_semaphore, #tpu.memory_space<semaphore_mem>>)
      %dma_wait3A_87 = arith.constant 0 : i32
      %dma_wait3A_88 = arith.constant 0 : i32
      %dma_wait3A_89 = tpu.memref_slice %arg3[%arg1, %dma_wait3A_87, %dma_wait3A_88] : memref<16x160x128xi32, #tpu.memory_space<hbm>> -> memref<1x160x128xi32, #tpu.memory_space<hbm>>
      %dma_wait3A_90 = tpu.memref_squeeze %dma_wait3A_89 : memref<1x160x128xi32, #tpu.memory_space<hbm>> -> memref<160x128xi32, #tpu.memory_space<hbm>>
      %dma_wait3A_91 = arith.constant 0 : i32
      %dma_wait3A_92 = arith.constant 0 : i32
      %dma_wait3A_93 = tpu.memref_slice %arg3[%arg1, %dma_wait3A_91, %dma_wait3A_92] : memref<16x160x128xi32, #tpu.memory_space<hbm>> -> memref<1x160x128xi32, #tpu.memory_space<hbm>>
      %dma_wait3A_94 = tpu.memref_squeeze %dma_wait3A_93 : memref<1x160x128xi32, #tpu.memory_space<hbm>> -> memref<160x128xi32, #tpu.memory_space<hbm>>
      tpu.wait_dma2 semaphore(%run_scoped3A : memref<!tpu.dma_semaphore, #tpu.memory_space<semaphore_mem>>) src(%dma_wait3A_94 : memref<160x128xi32, #tpu.memory_space<hbm>>) dst(%arg10 : memref<160x128xi32, #tpu.memory_space<vmem>>)
      tpu.yield
    }) : () -> ()
    "tpu.region"() ({
      %run_scoped3A = tpu.sem_alloc : memref<!tpu.dma_semaphore, #tpu.memory_space<semaphore_mem>>
      %dma_start3A_79 = arith.constant 0 : i32
      %dma_start3A_80 = arith.constant 0 : i32
      %dma_start3A_81 = tpu.memref_slice %arg4[%arg1, %dma_start3A_79, %dma_start3A_80] : memref<16x160x128xi32, #tpu.memory_space<hbm>> -> memref<1x160x128xi32, #tpu.memory_space<hbm>>
      %dma_start3A_82 = tpu.memref_squeeze %dma_start3A_81 : memref<1x160x128xi32, #tpu.memory_space<hbm>> -> memref<160x128xi32, #tpu.memory_space<hbm>>
      %dma_start3A_83 = arith.constant 0 : i32
      %dma_start3A_84 = arith.constant 0 : i32
      %dma_start3A_85 = tpu.memref_slice %arg4[%arg1, %dma_start3A_83, %dma_start3A_84] : memref<16x160x128xi32, #tpu.memory_space<hbm>> -> memref<1x160x128xi32, #tpu.memory_space<hbm>>
      %dma_start3A_86 = tpu.memref_squeeze %dma_start3A_85 : memref<1x160x128xi32, #tpu.memory_space<hbm>> -> memref<160x128xi32, #tpu.memory_space<hbm>>
      tpu.enqueue_dma source(%dma_start3A_86 : memref<160x128xi32, #tpu.memory_space<hbm>>) target(%arg11 : memref<160x128xi32, #tpu.memory_space<vmem>>) target_semaphore(%run_scoped3A : memref<!tpu.dma_semaphore, #tpu.memory_space<semaphore_mem>>)
      %dma_wait3A_87 = arith.constant 0 : i32
      %dma_wait3A_88 = arith.constant 0 : i32
      %dma_wait3A_89 = tpu.memref_slice %arg4[%arg1, %dma_wait3A_87, %dma_wait3A_88] : memref<16x160x128xi32, #tpu.memory_space<hbm>> -> memref<1x160x128xi32, #tpu.memory_space<hbm>>
      %dma_wait3A_90 = tpu.memref_squeeze %dma_wait3A_89 : memref<1x160x128xi32, #tpu.memory_space<hbm>> -> memref<160x128xi32, #tpu.memory_space<hbm>>
      %dma_wait3A_91 = arith.constant 0 : i32
      %dma_wait3A_92 = arith.constant 0 : i32
      %dma_wait3A_93 = tpu.memref_slice %arg4[%arg1, %dma_wait3A_91, %dma_wait3A_92] : memref<16x160x128xi32, #tpu.memory_space<hbm>> -> memref<1x160x128xi32, #tpu.memory_space<hbm>>
      %dma_wait3A_94 = tpu.memref_squeeze %dma_wait3A_93 : memref<1x160x128xi32, #tpu.memory_space<hbm>> -> memref<160x128xi32, #tpu.memory_space<hbm>>
      tpu.wait_dma2 semaphore(%run_scoped3A : memref<!tpu.dma_semaphore, #tpu.memory_space<semaphore_mem>>) src(%dma_wait3A_94 : memref<160x128xi32, #tpu.memory_space<hbm>>) dst(%arg11 : memref<160x128xi32, #tpu.memory_space<vmem>>)
      tpu.yield
    }) : () -> ()
    "tpu.region"() ({
      %run_scoped3A = tpu.sem_alloc : memref<!tpu.dma_semaphore, #tpu.memory_space<semaphore_mem>>
      tpu.enqueue_dma source(%arg7 : memref<128x16xf32, #tpu.memory_space<hbm>>) target(%arg13 : memref<128x16xf32, #tpu.memory_space<vmem>>) target_semaphore(%run_scoped3A : memref<!tpu.dma_semaphore, #tpu.memory_space<semaphore_mem>>)
      tpu.wait_dma2 semaphore(%run_scoped3A : memref<!tpu.dma_semaphore, #tpu.memory_space<semaphore_mem>>) src(%arg7 : memref<128x16xf32, #tpu.memory_space<hbm>>) dst(%arg13 : memref<128x16xf32, #tpu.memory_space<vmem>>)
      tpu.yield
    }) : () -> ()
    %barrier3A = arith.constant 0 : index
    tpu.barrier barrier_id(%barrier3A)
    %dma_start3A = arith.constant 0 : i32
    %dma_start3A_1 = arith.constant 0 : i32
    %dma_start3A_2 = arith.constant 0 : i32
    %dma_start3A_3 = arith.constant 0 : i32
    %dma_start3A_4 = arith.constant 0 : i32
    %dma_start3A_5 = tpu.memref_slice %arg12[%dma_start3A_1, %dma_start3A_3, %dma_start3A_4] : memref<4x128x64xf32, #tpu.memory_space<vmem>> -> memref<1x128x64xf32, #tpu.memory_space<vmem>>
    %dma_start3A_6 = tpu.memref_squeeze %dma_start3A_5 : memref<1x128x64xf32, #tpu.memory_space<vmem>> -> memref<128x64xf32, #tpu.memory_space<vmem>>
    %dma_start3A_7 = arith.constant 0 : i32
    %dma_start3A_8 = tpu.memref_slice %arg10[%dma_start3A, %dma_start3A_7] : memref<160x128xi32, #tpu.memory_space<vmem>> -> memref<1x128xi32, #tpu.memory_space<vmem>>
    %dma_start3A_9 = tpu.memref_squeeze %dma_start3A_8 : memref<1x128xi32, #tpu.memory_space<vmem>> -> memref<128xi32, #tpu.memory_space<vmem>>
    %dma_start3A_10 = arith.constant 0 : i32
    %dma_start3A_11 = arith.constant 0 : i32
    %dma_start3A_12 = tpu.memref_slice %arg2[%arg0, %dma_start3A_10, %dma_start3A_11] : memref<2x10240x64xf32, #tpu.memory_space<hbm>> -> memref<1x10240x64xf32, #tpu.memory_space<hbm>>
    %dma_start3A_13 = tpu.memref_squeeze %dma_start3A_12 : memref<1x10240x64xf32, #tpu.memory_space<hbm>> -> memref<10240x64xf32, #tpu.memory_space<hbm>>
    %dma_start3A_14 = arith.constant 0 : i32
    %dma_start3A_15 = arith.constant 0 : i32
    %dma_start3A_16 = tpu.memref_slice %dma_start3A_13[%dma_start3A_14, %dma_start3A_15] : memref<10240x64xf32, #tpu.memory_space<hbm>> -> memref<10240x64xf32, #tpu.memory_space<hbm>>
    %dma_start3A_17 = tpu.memref_slice %arg16[%dma_start3A_2] : memref<4x!tpu.dma_semaphore, #tpu.memory_space<semaphore_mem>> -> memref<1x!tpu.dma_semaphore, #tpu.memory_space<semaphore_mem>>
    %dma_start3A_18 = tpu.memref_squeeze %dma_start3A_17 : memref<1x!tpu.dma_semaphore, #tpu.memory_space<semaphore_mem>> -> memref<!tpu.dma_semaphore, #tpu.memory_space<semaphore_mem>>
    tpu.enqueue_indirect_dma source(%dma_start3A_16 : memref<10240x64xf32, #tpu.memory_space<hbm>>) target(%dma_start3A_6 : memref<128x64xf32, #tpu.memory_space<vmem>>) offsets(%dma_start3A_9 : memref<128xi32, #tpu.memory_space<vmem>>) semaphore(%dma_start3A_18 : memref<!tpu.dma_semaphore, #tpu.memory_space<semaphore_mem>>)
    %dma_start3A_19 = arith.constant 1 : i32
    %dma_start3A_20 = arith.constant 1 : i32
    %dma_start3A_21 = arith.constant 1 : i32
    %dma_start3A_22 = arith.constant 0 : i32
    %dma_start3A_23 = arith.constant 0 : i32
    %dma_start3A_24 = tpu.memref_slice %arg12[%dma_start3A_20, %dma_start3A_22, %dma_start3A_23] : memref<4x128x64xf32, #tpu.memory_space<vmem>> -> memref<1x128x64xf32, #tpu.memory_space<vmem>>
    %dma_start3A_25 = tpu.memref_squeeze %dma_start3A_24 : memref<1x128x64xf32, #tpu.memory_space<vmem>> -> memref<128x64xf32, #tpu.memory_space<vmem>>
    %dma_start3A_26 = arith.constant 0 : i32
    %dma_start3A_27 = tpu.memref_slice %arg10[%dma_start3A_19, %dma_start3A_26] : memref<160x128xi32, #tpu.memory_space<vmem>> -> memref<1x128xi32, #tpu.memory_space<vmem>>
    %dma_start3A_28 = tpu.memref_squeeze %dma_start3A_27 : memref<1x128xi32, #tpu.memory_space<vmem>> -> memref<128xi32, #tpu.memory_space<vmem>>
    %dma_start3A_29 = arith.constant 0 : i32
    %dma_start3A_30 = arith.constant 0 : i32
    %dma_start3A_31 = tpu.memref_slice %arg2[%arg0, %dma_start3A_29, %dma_start3A_30] : memref<2x10240x64xf32, #tpu.memory_space<hbm>> -> memref<1x10240x64xf32, #tpu.memory_space<hbm>>
    %dma_start3A_32 = tpu.memref_squeeze %dma_start3A_31 : memref<1x10240x64xf32, #tpu.memory_space<hbm>> -> memref<10240x64xf32, #tpu.memory_space<hbm>>
    %dma_start3A_33 = arith.constant 0 : i32
    %dma_start3A_34 = arith.constant 0 : i32
    %dma_start3A_35 = tpu.memref_slice %dma_start3A_32[%dma_start3A_33, %dma_start3A_34] : memref<10240x64xf32, #tpu.memory_space<hbm>> -> memref<10240x64xf32, #tpu.memory_space<hbm>>
    %dma_start3A_36 = tpu.memref_slice %arg16[%dma_start3A_21] : memref<4x!tpu.dma_semaphore, #tpu.memory_space<semaphore_mem>> -> memref<1x!tpu.dma_semaphore, #tpu.memory_space<semaphore_mem>>
    %dma_start3A_37 = tpu.memref_squeeze %dma_start3A_36 : memref<1x!tpu.dma_semaphore, #tpu.memory_space<semaphore_mem>> -> memref<!tpu.dma_semaphore, #tpu.memory_space<semaphore_mem>>
    tpu.enqueue_indirect_dma source(%dma_start3A_35 : memref<10240x64xf32, #tpu.memory_space<hbm>>) target(%dma_start3A_25 : memref<128x64xf32, #tpu.memory_space<vmem>>) offsets(%dma_start3A_28 : memref<128xi32, #tpu.memory_space<vmem>>) semaphore(%dma_start3A_37 : memref<!tpu.dma_semaphore, #tpu.memory_space<semaphore_mem>>)
    %scan3A = arith.constant 0 : i32
    %scan3A_38 = arith.constant 0 : i32
    %scan3A_39 = arith.constant 40 : i32
    %scan3A_40 = arith.addi %scan3A_38, %scan3A_39 : i32
    %scan3A_41 = arith.constant 1 : i32
    scf.for %scan3A_79 = %scan3A_38 to %scan3A_40 step %scan3A_41  : i32 {
      %mul3A_80 = arith.constant 4 : i32
      %mul3A_81 = arith.muli %scan3A_79, %mul3A_80 : i32
      %add3A = arith.constant 0 : i32
      %add3A_82 = arith.addi %mul3A_81, %add3A : i32
      %dma_wait3A_83 = arith.constant 0 : i32
      %dma_wait3A_84 = arith.constant 0 : i32
      %dma_wait3A_85 = arith.constant 0 : i32
      %dma_wait3A_86 = arith.constant 0 : i32
      %dma_wait3A_87 = tpu.memref_slice %arg12[%dma_wait3A_83, %dma_wait3A_85, %dma_wait3A_86] : memref<4x128x64xf32, #tpu.memory_space<vmem>> -> memref<1x128x64xf32, #tpu.memory_space<vmem>>
      %dma_wait3A_88 = tpu.memref_squeeze %dma_wait3A_87 : memref<1x128x64xf32, #tpu.memory_space<vmem>> -> memref<128x64xf32, #tpu.memory_space<vmem>>
      %dma_wait3A_89 = arith.constant 0 : i32
      %dma_wait3A_90 = tpu.memref_slice %arg10[%add3A_82, %dma_wait3A_89] : memref<160x128xi32, #tpu.memory_space<vmem>> -> memref<1x128xi32, #tpu.memory_space<vmem>>
      %dma_wait3A_91 = tpu.memref_squeeze %dma_wait3A_90 : memref<1x128xi32, #tpu.memory_space<vmem>> -> memref<128xi32, #tpu.memory_space<vmem>>
      %dma_wait3A_92 = arith.constant 0 : i32
      %dma_wait3A_93 = arith.constant 0 : i32
      %dma_wait3A_94 = tpu.memref_slice %arg2[%arg0, %dma_wait3A_92, %dma_wait3A_93] : memref<2x10240x64xf32, #tpu.memory_space<hbm>> -> memref<1x10240x64xf32, #tpu.memory_space<hbm>>
      %dma_wait3A_95 = tpu.memref_squeeze %dma_wait3A_94 : memref<1x10240x64xf32, #tpu.memory_space<hbm>> -> memref<10240x64xf32, #tpu.memory_space<hbm>>
      %dma_wait3A_96 = arith.constant 0 : i32
      %dma_wait3A_97 = arith.constant 0 : i32
      %dma_wait3A_98 = tpu.memref_slice %dma_wait3A_95[%dma_wait3A_96, %dma_wait3A_97] : memref<10240x64xf32, #tpu.memory_space<hbm>> -> memref<10240x64xf32, #tpu.memory_space<hbm>>
      %dma_wait3A_99 = tpu.memref_slice %arg16[%dma_wait3A_84] : memref<4x!tpu.dma_semaphore, #tpu.memory_space<semaphore_mem>> -> memref<1x!tpu.dma_semaphore, #tpu.memory_space<semaphore_mem>>
      %dma_wait3A_100 = tpu.memref_squeeze %dma_wait3A_99 : memref<1x!tpu.dma_semaphore, #tpu.memory_space<semaphore_mem>> -> memref<!tpu.dma_semaphore, #tpu.memory_space<semaphore_mem>>
      tpu.wait_indirect_dma semaphore(%dma_wait3A_100 : memref<!tpu.dma_semaphore, #tpu.memory_space<semaphore_mem>>) src(%dma_wait3A_98 : memref<10240x64xf32, #tpu.memory_space<hbm>>) dst(%dma_wait3A_88 : memref<128x64xf32, #tpu.memory_space<vmem>>)
      %dma_start3A_101 = arith.constant 0 : i32
      %dma_start3A_102 = arith.constant 0 : i32
      %dma_start3A_103 = arith.constant 0 : i32
      %dma_start3A_104 = arith.constant 0 : i32
      %dma_start3A_105 = tpu.memref_slice %arg12[%dma_start3A_101, %dma_start3A_103, %dma_start3A_104] : memref<4x128x64xf32, #tpu.memory_space<vmem>> -> memref<1x128x64xf32, #tpu.memory_space<vmem>>
      %dma_start3A_106 = tpu.memref_squeeze %dma_start3A_105 : memref<1x128x64xf32, #tpu.memory_space<vmem>> -> memref<128x64xf32, #tpu.memory_space<vmem>>
      %dma_start3A_107 = arith.constant 0 : i32
      %dma_start3A_108 = tpu.memref_slice %arg11[%add3A_82, %dma_start3A_107] : memref<160x128xi32, #tpu.memory_space<vmem>> -> memref<1x128xi32, #tpu.memory_space<vmem>>
      %dma_start3A_109 = tpu.memref_squeeze %dma_start3A_108 : memref<1x128xi32, #tpu.memory_space<vmem>> -> memref<128xi32, #tpu.memory_space<vmem>>
      %dma_start3A_110 = arith.constant 0 : i32
      %dma_start3A_111 = arith.constant 0 : i32
      %dma_start3A_112 = tpu.memref_slice %arg14[%dma_start3A_110, %dma_start3A_111] : memref<10240x64xf32, #tpu.memory_space<vmem_shared>> -> memref<10240x64xf32, #tpu.memory_space<vmem_shared>>
      %dma_start3A_113 = tpu.memref_slice %arg17[%dma_start3A_102] : memref<4x!tpu.dma_semaphore, #tpu.memory_space<semaphore_mem>> -> memref<1x!tpu.dma_semaphore, #tpu.memory_space<semaphore_mem>>
      %dma_start3A_114 = tpu.memref_squeeze %dma_start3A_113 : memref<1x!tpu.dma_semaphore, #tpu.memory_space<semaphore_mem>> -> memref<!tpu.dma_semaphore, #tpu.memory_space<semaphore_mem>>
      tpu.enqueue_indirect_dma source(%dma_start3A_106 : memref<128x64xf32, #tpu.memory_space<vmem>>) target(%dma_start3A_112 : memref<10240x64xf32, #tpu.memory_space<vmem_shared>>) offsets(%dma_start3A_109 : memref<128xi32, #tpu.memory_space<vmem>>) semaphore(%dma_start3A_114 : memref<!tpu.dma_semaphore, #tpu.memory_space<semaphore_mem>>) {add = true}
      %eq3A = arith.constant 0 : i32
      %eq3A_115 = arith.cmpi eq, %arg0, %eq3A : i32
      %lt3A = arith.constant 80 : i32
      %lt3A_116 = arith.cmpi slt, %add3A_82, %lt3A : i32
      %and3A = arith.andi %eq3A_115, %lt3A_116 : i1
      %eq3A_117 = arith.constant 1 : i32
      %eq3A_118 = arith.cmpi eq, %arg0, %eq3A_117 : i32
      %ge3A = arith.constant 80 : i32
      %ge3A_119 = arith.cmpi sge, %add3A_82, %ge3A : i32
      %and3A_120 = arith.andi %eq3A_118, %ge3A_119 : i1
      %or3A = arith.ori %and3A, %and3A_120 : i1
      %convert_element_type3A = arith.extui %or3A : i1 to i32
      %cond3A = arith.constant 0 : i32
      %cond3A_121 = arith.cmpi ne, %convert_element_type3A, %cond3A : i32
      scf.if %cond3A_121 {
        %dma_start3A_320 = arith.constant 0 : i32
        %dma_start3A_321 = tpu.memref_slice %arg11[%add3A_82, %dma_start3A_320] : memref<160x128xi32, #tpu.memory_space<vmem>> -> memref<1x128xi32, #tpu.memory_space<vmem>>
        %dma_start3A_322 = tpu.memref_squeeze %dma_start3A_321 : memref<1x128xi32, #tpu.memory_space<vmem>> -> memref<128xi32, #tpu.memory_space<vmem>>
        %dma_start3A_323 = arith.constant 0 : i32
        %dma_start3A_324 = arith.constant 0 : i32
        %dma_start3A_325 = tpu.memref_slice %arg15[%dma_start3A_323, %dma_start3A_324] : memref<10240x16xf32, #tpu.memory_space<vmem_shared>> -> memref<10240x16xf32, #tpu.memory_space<vmem_shared>>
        tpu.enqueue_indirect_dma source(%arg13 : memref<128x16xf32, #tpu.memory_space<vmem>>) target(%dma_start3A_325 : memref<10240x16xf32, #tpu.memory_space<vmem_shared>>) offsets(%dma_start3A_322 : memref<128xi32, #tpu.memory_space<vmem>>) semaphore(%arg18 : memref<!tpu.dma_semaphore, #tpu.memory_space<semaphore_mem>>) {add = true}
      } else {
      }
      %ge3A_122 = arith.constant 2 : i32
      %ge3A_123 = arith.cmpi sge, %add3A_82, %ge3A_122 : i32
      %convert_element_type3A_124 = arith.extui %ge3A_123 : i1 to i32
      %cond3A_125 = arith.constant 0 : i32
      %cond3A_126 = arith.cmpi ne, %convert_element_type3A_124, %cond3A_125 : i32
      scf.if %cond3A_126 {
        %dma_wait3A_320 = arith.constant 2 : i32
        %dma_wait3A_321 = arith.constant 0 : i32
        %dma_wait3A_322 = arith.constant 2 : i32
        %dma_wait3A_323 = arith.constant 0 : i32
        %dma_wait3A_324 = arith.constant 0 : i32
        %dma_wait3A_325 = tpu.memref_slice %arg12[%dma_wait3A_320, %dma_wait3A_323, %dma_wait3A_324] : memref<4x128x64xf32, #tpu.memory_space<vmem>> -> memref<1x128x64xf32, #tpu.memory_space<vmem>>
        %dma_wait3A_326 = tpu.memref_squeeze %dma_wait3A_325 : memref<1x128x64xf32, #tpu.memory_space<vmem>> -> memref<128x64xf32, #tpu.memory_space<vmem>>
        %dma_wait3A_327 = arith.constant 0 : i32
        %dma_wait3A_328 = tpu.memref_slice %arg11[%dma_wait3A_321, %dma_wait3A_327] : memref<160x128xi32, #tpu.memory_space<vmem>> -> memref<1x128xi32, #tpu.memory_space<vmem>>
        %dma_wait3A_329 = tpu.memref_squeeze %dma_wait3A_328 : memref<1x128xi32, #tpu.memory_space<vmem>> -> memref<128xi32, #tpu.memory_space<vmem>>
        %dma_wait3A_330 = arith.constant 0 : i32
        %dma_wait3A_331 = arith.constant 0 : i32
        %dma_wait3A_332 = tpu.memref_slice %arg14[%dma_wait3A_330, %dma_wait3A_331] : memref<10240x64xf32, #tpu.memory_space<vmem_shared>> -> memref<10240x64xf32, #tpu.memory_space<vmem_shared>>
        %dma_wait3A_333 = tpu.memref_slice %arg17[%dma_wait3A_322] : memref<4x!tpu.dma_semaphore, #tpu.memory_space<semaphore_mem>> -> memref<1x!tpu.dma_semaphore, #tpu.memory_space<semaphore_mem>>
        %dma_wait3A_334 = tpu.memref_squeeze %dma_wait3A_333 : memref<1x!tpu.dma_semaphore, #tpu.memory_space<semaphore_mem>> -> memref<!tpu.dma_semaphore, #tpu.memory_space<semaphore_mem>>
        tpu.wait_indirect_dma semaphore(%dma_wait3A_334 : memref<!tpu.dma_semaphore, #tpu.memory_space<semaphore_mem>>) src(%dma_wait3A_326 : memref<128x64xf32, #tpu.memory_space<vmem>>) dst(%dma_wait3A_332 : memref<10240x64xf32, #tpu.memory_space<vmem_shared>>)
      } else {
      }
      %add3A_127 = arith.constant 2 : i32
      %add3A_128 = arith.addi %add3A_82, %add3A_127 : i32
      %lt3A_129 = arith.constant 160 : i32
      %lt3A_130 = arith.cmpi slt, %add3A_128, %lt3A_129 : i32
      %convert_element_type3A_131 = arith.extui %lt3A_130 : i1 to i32
      %cond3A_132 = arith.constant 0 : i32
      %cond3A_133 = arith.cmpi ne, %convert_element_type3A_131, %cond3A_132 : i32
      scf.if %cond3A_133 {
        %add3A_320 = arith.constant 2 : i32
        %add3A_321 = arith.addi %add3A_82, %add3A_320 : i32
        %dma_start3A_322 = arith.constant 2 : i32
        %dma_start3A_323 = arith.constant 2 : i32
        %dma_start3A_324 = arith.constant 0 : i32
        %dma_start3A_325 = arith.constant 0 : i32
        %dma_start3A_326 = tpu.memref_slice %arg12[%dma_start3A_322, %dma_start3A_324, %dma_start3A_325] : memref<4x128x64xf32, #tpu.memory_space<vmem>> -> memref<1x128x64xf32, #tpu.memory_space<vmem>>
        %dma_start3A_327 = tpu.memref_squeeze %dma_start3A_326 : memref<1x128x64xf32, #tpu.memory_space<vmem>> -> memref<128x64xf32, #tpu.memory_space<vmem>>
        %dma_start3A_328 = arith.constant 0 : i32
        %dma_start3A_329 = tpu.memref_slice %arg10[%add3A_321, %dma_start3A_328] : memref<160x128xi32, #tpu.memory_space<vmem>> -> memref<1x128xi32, #tpu.memory_space<vmem>>
        %dma_start3A_330 = tpu.memref_squeeze %dma_start3A_329 : memref<1x128xi32, #tpu.memory_space<vmem>> -> memref<128xi32, #tpu.memory_space<vmem>>
        %dma_start3A_331 = arith.constant 0 : i32
        %dma_start3A_332 = arith.constant 0 : i32
        %dma_start3A_333 = tpu.memref_slice %arg2[%arg0, %dma_start3A_331, %dma_start3A_332] : memref<2x10240x64xf32, #tpu.memory_space<hbm>> -> memref<1x10240x64xf32, #tpu.memory_space<hbm>>
        %dma_start3A_334 = tpu.memref_squeeze %dma_start3A_333 : memref<1x10240x64xf32, #tpu.memory_space<hbm>> -> memref<10240x64xf32, #tpu.memory_space<hbm>>
        %dma_start3A_335 = arith.constant 0 : i32
        %dma_start3A_336 = arith.constant 0 : i32
        %dma_start3A_337 = tpu.memref_slice %dma_start3A_334[%dma_start3A_335, %dma_start3A_336] : memref<10240x64xf32, #tpu.memory_space<hbm>> -> memref<10240x64xf32, #tpu.memory_space<hbm>>
        %dma_start3A_338 = tpu.memref_slice %arg16[%dma_start3A_323] : memref<4x!tpu.dma_semaphore, #tpu.memory_space<semaphore_mem>> -> memref<1x!tpu.dma_semaphore, #tpu.memory_space<semaphore_mem>>
        %dma_start3A_339 = tpu.memref_squeeze %dma_start3A_338 : memref<1x!tpu.dma_semaphore, #tpu.memory_space<semaphore_mem>> -> memref<!tpu.dma_semaphore, #tpu.memory_space<semaphore_mem>>
        tpu.enqueue_indirect_dma source(%dma_start3A_337 : memref<10240x64xf32, #tpu.memory_space<hbm>>) target(%dma_start3A_327 : memref<128x64xf32, #tpu.memory_space<vmem>>) offsets(%dma_start3A_330 : memref<128xi32, #tpu.memory_space<vmem>>) semaphore(%dma_start3A_339 : memref<!tpu.dma_semaphore, #tpu.memory_space<semaphore_mem>>)
      } else {
      }
      %mul3A_134 = arith.constant 4 : i32
      %mul3A_135 = arith.muli %scan3A_79, %mul3A_134 : i32
      %add3A_136 = arith.constant 1 : i32
      %add3A_137 = arith.addi %mul3A_135, %add3A_136 : i32
      %dma_wait3A_138 = arith.constant 1 : i32
      %dma_wait3A_139 = arith.constant 1 : i32
      %dma_wait3A_140 = arith.constant 0 : i32
      %dma_wait3A_141 = arith.constant 0 : i32
      %dma_wait3A_142 = tpu.memref_slice %arg12[%dma_wait3A_138, %dma_wait3A_140, %dma_wait3A_141] : memref<4x128x64xf32, #tpu.memory_space<vmem>> -> memref<1x128x64xf32, #tpu.memory_space<vmem>>
      %dma_wait3A_143 = tpu.memref_squeeze %dma_wait3A_142 : memref<1x128x64xf32, #tpu.memory_space<vmem>> -> memref<128x64xf32, #tpu.memory_space<vmem>>
      %dma_wait3A_144 = arith.constant 0 : i32
      %dma_wait3A_145 = tpu.memref_slice %arg10[%add3A_137, %dma_wait3A_144] : memref<160x128xi32, #tpu.memory_space<vmem>> -> memref<1x128xi32, #tpu.memory_space<vmem>>
      %dma_wait3A_146 = tpu.memref_squeeze %dma_wait3A_145 : memref<1x128xi32, #tpu.memory_space<vmem>> -> memref<128xi32, #tpu.memory_space<vmem>>
      %dma_wait3A_147 = arith.constant 0 : i32
      %dma_wait3A_148 = arith.constant 0 : i32
      %dma_wait3A_149 = tpu.memref_slice %arg2[%arg0, %dma_wait3A_147, %dma_wait3A_148] : memref<2x10240x64xf32, #tpu.memory_space<hbm>> -> memref<1x10240x64xf32, #tpu.memory_space<hbm>>
      %dma_wait3A_150 = tpu.memref_squeeze %dma_wait3A_149 : memref<1x10240x64xf32, #tpu.memory_space<hbm>> -> memref<10240x64xf32, #tpu.memory_space<hbm>>
      %dma_wait3A_151 = arith.constant 0 : i32
      %dma_wait3A_152 = arith.constant 0 : i32
      %dma_wait3A_153 = tpu.memref_slice %dma_wait3A_150[%dma_wait3A_151, %dma_wait3A_152] : memref<10240x64xf32, #tpu.memory_space<hbm>> -> memref<10240x64xf32, #tpu.memory_space<hbm>>
      %dma_wait3A_154 = tpu.memref_slice %arg16[%dma_wait3A_139] : memref<4x!tpu.dma_semaphore, #tpu.memory_space<semaphore_mem>> -> memref<1x!tpu.dma_semaphore, #tpu.memory_space<semaphore_mem>>
      %dma_wait3A_155 = tpu.memref_squeeze %dma_wait3A_154 : memref<1x!tpu.dma_semaphore, #tpu.memory_space<semaphore_mem>> -> memref<!tpu.dma_semaphore, #tpu.memory_space<semaphore_mem>>
      tpu.wait_indirect_dma semaphore(%dma_wait3A_155 : memref<!tpu.dma_semaphore, #tpu.memory_space<semaphore_mem>>) src(%dma_wait3A_153 : memref<10240x64xf32, #tpu.memory_space<hbm>>) dst(%dma_wait3A_143 : memref<128x64xf32, #tpu.memory_space<vmem>>)
      %dma_start3A_156 = arith.constant 1 : i32
      %dma_start3A_157 = arith.constant 1 : i32
      %dma_start3A_158 = arith.constant 0 : i32
      %dma_start3A_159 = arith.constant 0 : i32
      %dma_start3A_160 = tpu.memref_slice %arg12[%dma_start3A_156, %dma_start3A_158, %dma_start3A_159] : memref<4x128x64xf32, #tpu.memory_space<vmem>> -> memref<1x128x64xf32, #tpu.memory_space<vmem>>
      %dma_start3A_161 = tpu.memref_squeeze %dma_start3A_160 : memref<1x128x64xf32, #tpu.memory_space<vmem>> -> memref<128x64xf32, #tpu.memory_space<vmem>>
      %dma_start3A_162 = arith.constant 0 : i32
      %dma_start3A_163 = tpu.memref_slice %arg11[%add3A_137, %dma_start3A_162] : memref<160x128xi32, #tpu.memory_space<vmem>> -> memref<1x128xi32, #tpu.memory_space<vmem>>
      %dma_start3A_164 = tpu.memref_squeeze %dma_start3A_163 : memref<1x128xi32, #tpu.memory_space<vmem>> -> memref<128xi32, #tpu.memory_space<vmem>>
      %dma_start3A_165 = arith.constant 0 : i32
      %dma_start3A_166 = arith.constant 0 : i32
      %dma_start3A_167 = tpu.memref_slice %arg14[%dma_start3A_165, %dma_start3A_166] : memref<10240x64xf32, #tpu.memory_space<vmem_shared>> -> memref<10240x64xf32, #tpu.memory_space<vmem_shared>>
      %dma_start3A_168 = tpu.memref_slice %arg17[%dma_start3A_157] : memref<4x!tpu.dma_semaphore, #tpu.memory_space<semaphore_mem>> -> memref<1x!tpu.dma_semaphore, #tpu.memory_space<semaphore_mem>>
      %dma_start3A_169 = tpu.memref_squeeze %dma_start3A_168 : memref<1x!tpu.dma_semaphore, #tpu.memory_space<semaphore_mem>> -> memref<!tpu.dma_semaphore, #tpu.memory_space<semaphore_mem>>
      tpu.enqueue_indirect_dma source(%dma_start3A_161 : memref<128x64xf32, #tpu.memory_space<vmem>>) target(%dma_start3A_167 : memref<10240x64xf32, #tpu.memory_space<vmem_shared>>) offsets(%dma_start3A_164 : memref<128xi32, #tpu.memory_space<vmem>>) semaphore(%dma_start3A_169 : memref<!tpu.dma_semaphore, #tpu.memory_space<semaphore_mem>>) {add = true}
      %eq3A_170 = arith.constant 0 : i32
      %eq3A_171 = arith.cmpi eq, %arg0, %eq3A_170 : i32
      %lt3A_172 = arith.constant 80 : i32
      %lt3A_173 = arith.cmpi slt, %add3A_137, %lt3A_172 : i32
      %and3A_174 = arith.andi %eq3A_171, %lt3A_173 : i1
      %eq3A_175 = arith.constant 1 : i32
      %eq3A_176 = arith.cmpi eq, %arg0, %eq3A_175 : i32
      %ge3A_177 = arith.constant 80 : i32
      %ge3A_178 = arith.cmpi sge, %add3A_137, %ge3A_177 : i32
      %and3A_179 = arith.andi %eq3A_176, %ge3A_178 : i1
      %or3A_180 = arith.ori %and3A_174, %and3A_179 : i1
      %convert_element_type3A_181 = arith.extui %or3A_180 : i1 to i32
      %cond3A_182 = arith.constant 0 : i32
      %cond3A_183 = arith.cmpi ne, %convert_element_type3A_181, %cond3A_182 : i32
      scf.if %cond3A_183 {
        %dma_start3A_320 = arith.constant 0 : i32
        %dma_start3A_321 = tpu.memref_slice %arg11[%add3A_137, %dma_start3A_320] : memref<160x128xi32, #tpu.memory_space<vmem>> -> memref<1x128xi32, #tpu.memory_space<vmem>>
        %dma_start3A_322 = tpu.memref_squeeze %dma_start3A_321 : memref<1x128xi32, #tpu.memory_space<vmem>> -> memref<128xi32, #tpu.memory_space<vmem>>
        %dma_start3A_323 = arith.constant 0 : i32
        %dma_start3A_324 = arith.constant 0 : i32
        %dma_start3A_325 = tpu.memref_slice %arg15[%dma_start3A_323, %dma_start3A_324] : memref<10240x16xf32, #tpu.memory_space<vmem_shared>> -> memref<10240x16xf32, #tpu.memory_space<vmem_shared>>
        tpu.enqueue_indirect_dma source(%arg13 : memref<128x16xf32, #tpu.memory_space<vmem>>) target(%dma_start3A_325 : memref<10240x16xf32, #tpu.memory_space<vmem_shared>>) offsets(%dma_start3A_322 : memref<128xi32, #tpu.memory_space<vmem>>) semaphore(%arg18 : memref<!tpu.dma_semaphore, #tpu.memory_space<semaphore_mem>>) {add = true}
      } else {
      }
      %ge3A_184 = arith.constant 2 : i32
      %ge3A_185 = arith.cmpi sge, %add3A_137, %ge3A_184 : i32
      %convert_element_type3A_186 = arith.extui %ge3A_185 : i1 to i32
      %cond3A_187 = arith.constant 0 : i32
      %cond3A_188 = arith.cmpi ne, %convert_element_type3A_186, %cond3A_187 : i32
      scf.if %cond3A_188 {
        %dma_wait3A_320 = arith.constant 3 : i32
        %dma_wait3A_321 = arith.constant 0 : i32
        %dma_wait3A_322 = arith.constant 3 : i32
        %dma_wait3A_323 = arith.constant 0 : i32
        %dma_wait3A_324 = arith.constant 0 : i32
        %dma_wait3A_325 = tpu.memref_slice %arg12[%dma_wait3A_320, %dma_wait3A_323, %dma_wait3A_324] : memref<4x128x64xf32, #tpu.memory_space<vmem>> -> memref<1x128x64xf32, #tpu.memory_space<vmem>>
        %dma_wait3A_326 = tpu.memref_squeeze %dma_wait3A_325 : memref<1x128x64xf32, #tpu.memory_space<vmem>> -> memref<128x64xf32, #tpu.memory_space<vmem>>
        %dma_wait3A_327 = arith.constant 0 : i32
        %dma_wait3A_328 = tpu.memref_slice %arg11[%dma_wait3A_321, %dma_wait3A_327] : memref<160x128xi32, #tpu.memory_space<vmem>> -> memref<1x128xi32, #tpu.memory_space<vmem>>
        %dma_wait3A_329 = tpu.memref_squeeze %dma_wait3A_328 : memref<1x128xi32, #tpu.memory_space<vmem>> -> memref<128xi32, #tpu.memory_space<vmem>>
        %dma_wait3A_330 = arith.constant 0 : i32
        %dma_wait3A_331 = arith.constant 0 : i32
        %dma_wait3A_332 = tpu.memref_slice %arg14[%dma_wait3A_330, %dma_wait3A_331] : memref<10240x64xf32, #tpu.memory_space<vmem_shared>> -> memref<10240x64xf32, #tpu.memory_space<vmem_shared>>
        %dma_wait3A_333 = tpu.memref_slice %arg17[%dma_wait3A_322] : memref<4x!tpu.dma_semaphore, #tpu.memory_space<semaphore_mem>> -> memref<1x!tpu.dma_semaphore, #tpu.memory_space<semaphore_mem>>
        %dma_wait3A_334 = tpu.memref_squeeze %dma_wait3A_333 : memref<1x!tpu.dma_semaphore, #tpu.memory_space<semaphore_mem>> -> memref<!tpu.dma_semaphore, #tpu.memory_space<semaphore_mem>>
        tpu.wait_indirect_dma semaphore(%dma_wait3A_334 : memref<!tpu.dma_semaphore, #tpu.memory_space<semaphore_mem>>) src(%dma_wait3A_326 : memref<128x64xf32, #tpu.memory_space<vmem>>) dst(%dma_wait3A_332 : memref<10240x64xf32, #tpu.memory_space<vmem_shared>>)
      } else {
      }
      %add3A_189 = arith.constant 2 : i32
      %add3A_190 = arith.addi %add3A_137, %add3A_189 : i32
      %lt3A_191 = arith.constant 160 : i32
      %lt3A_192 = arith.cmpi slt, %add3A_190, %lt3A_191 : i32
      %convert_element_type3A_193 = arith.extui %lt3A_192 : i1 to i32
      %cond3A_194 = arith.constant 0 : i32
      %cond3A_195 = arith.cmpi ne, %convert_element_type3A_193, %cond3A_194 : i32
      scf.if %cond3A_195 {
        %add3A_320 = arith.constant 2 : i32
        %add3A_321 = arith.addi %add3A_137, %add3A_320 : i32
        %dma_start3A_322 = arith.constant 3 : i32
        %dma_start3A_323 = arith.constant 3 : i32
        %dma_start3A_324 = arith.constant 0 : i32
        %dma_start3A_325 = arith.constant 0 : i32
        %dma_start3A_326 = tpu.memref_slice %arg12[%dma_start3A_322, %dma_start3A_324, %dma_start3A_325] : memref<4x128x64xf32, #tpu.memory_space<vmem>> -> memref<1x128x64xf32, #tpu.memory_space<vmem>>
        %dma_start3A_327 = tpu.memref_squeeze %dma_start3A_326 : memref<1x128x64xf32, #tpu.memory_space<vmem>> -> memref<128x64xf32, #tpu.memory_space<vmem>>
        %dma_start3A_328 = arith.constant 0 : i32
        %dma_start3A_329 = tpu.memref_slice %arg10[%add3A_321, %dma_start3A_328] : memref<160x128xi32, #tpu.memory_space<vmem>> -> memref<1x128xi32, #tpu.memory_space<vmem>>
        %dma_start3A_330 = tpu.memref_squeeze %dma_start3A_329 : memref<1x128xi32, #tpu.memory_space<vmem>> -> memref<128xi32, #tpu.memory_space<vmem>>
        %dma_start3A_331 = arith.constant 0 : i32
        %dma_start3A_332 = arith.constant 0 : i32
        %dma_start3A_333 = tpu.memref_slice %arg2[%arg0, %dma_start3A_331, %dma_start3A_332] : memref<2x10240x64xf32, #tpu.memory_space<hbm>> -> memref<1x10240x64xf32, #tpu.memory_space<hbm>>
        %dma_start3A_334 = tpu.memref_squeeze %dma_start3A_333 : memref<1x10240x64xf32, #tpu.memory_space<hbm>> -> memref<10240x64xf32, #tpu.memory_space<hbm>>
        %dma_start3A_335 = arith.constant 0 : i32
        %dma_start3A_336 = arith.constant 0 : i32
        %dma_start3A_337 = tpu.memref_slice %dma_start3A_334[%dma_start3A_335, %dma_start3A_336] : memref<10240x64xf32, #tpu.memory_space<hbm>> -> memref<10240x64xf32, #tpu.memory_space<hbm>>
        %dma_start3A_338 = tpu.memref_slice %arg16[%dma_start3A_323] : memref<4x!tpu.dma_semaphore, #tpu.memory_space<semaphore_mem>> -> memref<1x!tpu.dma_semaphore, #tpu.memory_space<semaphore_mem>>
        %dma_start3A_339 = tpu.memref_squeeze %dma_start3A_338 : memref<1x!tpu.dma_semaphore, #tpu.memory_space<semaphore_mem>> -> memref<!tpu.dma_semaphore, #tpu.memory_space<semaphore_mem>>
        tpu.enqueue_indirect_dma source(%dma_start3A_337 : memref<10240x64xf32, #tpu.memory_space<hbm>>) target(%dma_start3A_327 : memref<128x64xf32, #tpu.memory_space<vmem>>) offsets(%dma_start3A_330 : memref<128xi32, #tpu.memory_space<vmem>>) semaphore(%dma_start3A_339 : memref<!tpu.dma_semaphore, #tpu.memory_space<semaphore_mem>>)
      } else {
      }
      %mul3A_196 = arith.constant 4 : i32
      %mul3A_197 = arith.muli %scan3A_79, %mul3A_196 : i32
      %add3A_198 = arith.constant 2 : i32
      %add3A_199 = arith.addi %mul3A_197, %add3A_198 : i32
      %dma_wait3A_200 = arith.constant 2 : i32
      %dma_wait3A_201 = arith.constant 2 : i32
      %dma_wait3A_202 = arith.constant 0 : i32
      %dma_wait3A_203 = arith.constant 0 : i32
      %dma_wait3A_204 = tpu.memref_slice %arg12[%dma_wait3A_200, %dma_wait3A_202, %dma_wait3A_203] : memref<4x128x64xf32, #tpu.memory_space<vmem>> -> memref<1x128x64xf32, #tpu.memory_space<vmem>>
      %dma_wait3A_205 = tpu.memref_squeeze %dma_wait3A_204 : memref<1x128x64xf32, #tpu.memory_space<vmem>> -> memref<128x64xf32, #tpu.memory_space<vmem>>
      %dma_wait3A_206 = arith.constant 0 : i32
      %dma_wait3A_207 = tpu.memref_slice %arg10[%add3A_199, %dma_wait3A_206] : memref<160x128xi32, #tpu.memory_space<vmem>> -> memref<1x128xi32, #tpu.memory_space<vmem>>
      %dma_wait3A_208 = tpu.memref_squeeze %dma_wait3A_207 : memref<1x128xi32, #tpu.memory_space<vmem>> -> memref<128xi32, #tpu.memory_space<vmem>>
      %dma_wait3A_209 = arith.constant 0 : i32
      %dma_wait3A_210 = arith.constant 0 : i32
      %dma_wait3A_211 = tpu.memref_slice %arg2[%arg0, %dma_wait3A_209, %dma_wait3A_210] : memref<2x10240x64xf32, #tpu.memory_space<hbm>> -> memref<1x10240x64xf32, #tpu.memory_space<hbm>>
      %dma_wait3A_212 = tpu.memref_squeeze %dma_wait3A_211 : memref<1x10240x64xf32, #tpu.memory_space<hbm>> -> memref<10240x64xf32, #tpu.memory_space<hbm>>
      %dma_wait3A_213 = arith.constant 0 : i32
      %dma_wait3A_214 = arith.constant 0 : i32
      %dma_wait3A_215 = tpu.memref_slice %dma_wait3A_212[%dma_wait3A_213, %dma_wait3A_214] : memref<10240x64xf32, #tpu.memory_space<hbm>> -> memref<10240x64xf32, #tpu.memory_space<hbm>>
      %dma_wait3A_216 = tpu.memref_slice %arg16[%dma_wait3A_201] : memref<4x!tpu.dma_semaphore, #tpu.memory_space<semaphore_mem>> -> memref<1x!tpu.dma_semaphore, #tpu.memory_space<semaphore_mem>>
      %dma_wait3A_217 = tpu.memref_squeeze %dma_wait3A_216 : memref<1x!tpu.dma_semaphore, #tpu.memory_space<semaphore_mem>> -> memref<!tpu.dma_semaphore, #tpu.memory_space<semaphore_mem>>
      tpu.wait_indirect_dma semaphore(%dma_wait3A_217 : memref<!tpu.dma_semaphore, #tpu.memory_space<semaphore_mem>>) src(%dma_wait3A_215 : memref<10240x64xf32, #tpu.memory_space<hbm>>) dst(%dma_wait3A_205 : memref<128x64xf32, #tpu.memory_space<vmem>>)
      %dma_start3A_218 = arith.constant 2 : i32
      %dma_start3A_219 = arith.constant 2 : i32
      %dma_start3A_220 = arith.constant 0 : i32
      %dma_start3A_221 = arith.constant 0 : i32
      %dma_start3A_222 = tpu.memref_slice %arg12[%dma_start3A_218, %dma_start3A_220, %dma_start3A_221] : memref<4x128x64xf32, #tpu.memory_space<vmem>> -> memref<1x128x64xf32, #tpu.memory_space<vmem>>
      %dma_start3A_223 = tpu.memref_squeeze %dma_start3A_222 : memref<1x128x64xf32, #tpu.memory_space<vmem>> -> memref<128x64xf32, #tpu.memory_space<vmem>>
      %dma_start3A_224 = arith.constant 0 : i32
      %dma_start3A_225 = tpu.memref_slice %arg11[%add3A_199, %dma_start3A_224] : memref<160x128xi32, #tpu.memory_space<vmem>> -> memref<1x128xi32, #tpu.memory_space<vmem>>
      %dma_start3A_226 = tpu.memref_squeeze %dma_start3A_225 : memref<1x128xi32, #tpu.memory_space<vmem>> -> memref<128xi32, #tpu.memory_space<vmem>>
      %dma_start3A_227 = arith.constant 0 : i32
      %dma_start3A_228 = arith.constant 0 : i32
      %dma_start3A_229 = tpu.memref_slice %arg14[%dma_start3A_227, %dma_start3A_228] : memref<10240x64xf32, #tpu.memory_space<vmem_shared>> -> memref<10240x64xf32, #tpu.memory_space<vmem_shared>>
      %dma_start3A_230 = tpu.memref_slice %arg17[%dma_start3A_219] : memref<4x!tpu.dma_semaphore, #tpu.memory_space<semaphore_mem>> -> memref<1x!tpu.dma_semaphore, #tpu.memory_space<semaphore_mem>>
      %dma_start3A_231 = tpu.memref_squeeze %dma_start3A_230 : memref<1x!tpu.dma_semaphore, #tpu.memory_space<semaphore_mem>> -> memref<!tpu.dma_semaphore, #tpu.memory_space<semaphore_mem>>
      tpu.enqueue_indirect_dma source(%dma_start3A_223 : memref<128x64xf32, #tpu.memory_space<vmem>>) target(%dma_start3A_229 : memref<10240x64xf32, #tpu.memory_space<vmem_shared>>) offsets(%dma_start3A_226 : memref<128xi32, #tpu.memory_space<vmem>>) semaphore(%dma_start3A_231 : memref<!tpu.dma_semaphore, #tpu.memory_space<semaphore_mem>>) {add = true}
      %eq3A_232 = arith.constant 0 : i32
      %eq3A_233 = arith.cmpi eq, %arg0, %eq3A_232 : i32
      %lt3A_234 = arith.constant 80 : i32
      %lt3A_235 = arith.cmpi slt, %add3A_199, %lt3A_234 : i32
      %and3A_236 = arith.andi %eq3A_233, %lt3A_235 : i1
      %eq3A_237 = arith.constant 1 : i32
      %eq3A_238 = arith.cmpi eq, %arg0, %eq3A_237 : i32
      %ge3A_239 = arith.constant 80 : i32
      %ge3A_240 = arith.cmpi sge, %add3A_199, %ge3A_239 : i32
      %and3A_241 = arith.andi %eq3A_238, %ge3A_240 : i1
      %or3A_242 = arith.ori %and3A_236, %and3A_241 : i1
      %convert_element_type3A_243 = arith.extui %or3A_242 : i1 to i32
      %cond3A_244 = arith.constant 0 : i32
      %cond3A_245 = arith.cmpi ne, %convert_element_type3A_243, %cond3A_244 : i32
      scf.if %cond3A_245 {
        %dma_start3A_320 = arith.constant 0 : i32
        %dma_start3A_321 = tpu.memref_slice %arg11[%add3A_199, %dma_start3A_320] : memref<160x128xi32, #tpu.memory_space<vmem>> -> memref<1x128xi32, #tpu.memory_space<vmem>>
        %dma_start3A_322 = tpu.memref_squeeze %dma_start3A_321 : memref<1x128xi32, #tpu.memory_space<vmem>> -> memref<128xi32, #tpu.memory_space<vmem>>
        %dma_start3A_323 = arith.constant 0 : i32
        %dma_start3A_324 = arith.constant 0 : i32
        %dma_start3A_325 = tpu.memref_slice %arg15[%dma_start3A_323, %dma_start3A_324] : memref<10240x16xf32, #tpu.memory_space<vmem_shared>> -> memref<10240x16xf32, #tpu.memory_space<vmem_shared>>
        tpu.enqueue_indirect_dma source(%arg13 : memref<128x16xf32, #tpu.memory_space<vmem>>) target(%dma_start3A_325 : memref<10240x16xf32, #tpu.memory_space<vmem_shared>>) offsets(%dma_start3A_322 : memref<128xi32, #tpu.memory_space<vmem>>) semaphore(%arg18 : memref<!tpu.dma_semaphore, #tpu.memory_space<semaphore_mem>>) {add = true}
      } else {
      }
      %ge3A_246 = arith.constant 2 : i32
      %ge3A_247 = arith.cmpi sge, %add3A_199, %ge3A_246 : i32
      %convert_element_type3A_248 = arith.extui %ge3A_247 : i1 to i32
      %cond3A_249 = arith.constant 0 : i32
      %cond3A_250 = arith.cmpi ne, %convert_element_type3A_248, %cond3A_249 : i32
      scf.if %cond3A_250 {
        %dma_wait3A_320 = arith.constant 0 : i32
        %dma_wait3A_321 = arith.constant 0 : i32
        %dma_wait3A_322 = arith.constant 0 : i32
        %dma_wait3A_323 = arith.constant 0 : i32
        %dma_wait3A_324 = arith.constant 0 : i32
        %dma_wait3A_325 = tpu.memref_slice %arg12[%dma_wait3A_320, %dma_wait3A_323, %dma_wait3A_324] : memref<4x128x64xf32, #tpu.memory_space<vmem>> -> memref<1x128x64xf32, #tpu.memory_space<vmem>>
        %dma_wait3A_326 = tpu.memref_squeeze %dma_wait3A_325 : memref<1x128x64xf32, #tpu.memory_space<vmem>> -> memref<128x64xf32, #tpu.memory_space<vmem>>
        %dma_wait3A_327 = arith.constant 0 : i32
        %dma_wait3A_328 = tpu.memref_slice %arg11[%dma_wait3A_321, %dma_wait3A_327] : memref<160x128xi32, #tpu.memory_space<vmem>> -> memref<1x128xi32, #tpu.memory_space<vmem>>
        %dma_wait3A_329 = tpu.memref_squeeze %dma_wait3A_328 : memref<1x128xi32, #tpu.memory_space<vmem>> -> memref<128xi32, #tpu.memory_space<vmem>>
        %dma_wait3A_330 = arith.constant 0 : i32
        %dma_wait3A_331 = arith.constant 0 : i32
        %dma_wait3A_332 = tpu.memref_slice %arg14[%dma_wait3A_330, %dma_wait3A_331] : memref<10240x64xf32, #tpu.memory_space<vmem_shared>> -> memref<10240x64xf32, #tpu.memory_space<vmem_shared>>
        %dma_wait3A_333 = tpu.memref_slice %arg17[%dma_wait3A_322] : memref<4x!tpu.dma_semaphore, #tpu.memory_space<semaphore_mem>> -> memref<1x!tpu.dma_semaphore, #tpu.memory_space<semaphore_mem>>
        %dma_wait3A_334 = tpu.memref_squeeze %dma_wait3A_333 : memref<1x!tpu.dma_semaphore, #tpu.memory_space<semaphore_mem>> -> memref<!tpu.dma_semaphore, #tpu.memory_space<semaphore_mem>>
        tpu.wait_indirect_dma semaphore(%dma_wait3A_334 : memref<!tpu.dma_semaphore, #tpu.memory_space<semaphore_mem>>) src(%dma_wait3A_326 : memref<128x64xf32, #tpu.memory_space<vmem>>) dst(%dma_wait3A_332 : memref<10240x64xf32, #tpu.memory_space<vmem_shared>>)
      } else {
      }
      %add3A_251 = arith.constant 2 : i32
      %add3A_252 = arith.addi %add3A_199, %add3A_251 : i32
      %lt3A_253 = arith.constant 160 : i32
      %lt3A_254 = arith.cmpi slt, %add3A_252, %lt3A_253 : i32
      %convert_element_type3A_255 = arith.extui %lt3A_254 : i1 to i32
      %cond3A_256 = arith.constant 0 : i32
      %cond3A_257 = arith.cmpi ne, %convert_element_type3A_255, %cond3A_256 : i32
      scf.if %cond3A_257 {
        %add3A_320 = arith.constant 2 : i32
        %add3A_321 = arith.addi %add3A_199, %add3A_320 : i32
        %dma_start3A_322 = arith.constant 0 : i32
        %dma_start3A_323 = arith.constant 0 : i32
        %dma_start3A_324 = arith.constant 0 : i32
        %dma_start3A_325 = arith.constant 0 : i32
        %dma_start3A_326 = tpu.memref_slice %arg12[%dma_start3A_322, %dma_start3A_324, %dma_start3A_325] : memref<4x128x64xf32, #tpu.memory_space<vmem>> -> memref<1x128x64xf32, #tpu.memory_space<vmem>>
        %dma_start3A_327 = tpu.memref_squeeze %dma_start3A_326 : memref<1x128x64xf32, #tpu.memory_space<vmem>> -> memref<128x64xf32, #tpu.memory_space<vmem>>
        %dma_start3A_328 = arith.constant 0 : i32
        %dma_start3A_329 = tpu.memref_slice %arg10[%add3A_321, %dma_start3A_328] : memref<160x128xi32, #tpu.memory_space<vmem>> -> memref<1x128xi32, #tpu.memory_space<vmem>>
        %dma_start3A_330 = tpu.memref_squeeze %dma_start3A_329 : memref<1x128xi32, #tpu.memory_space<vmem>> -> memref<128xi32, #tpu.memory_space<vmem>>
        %dma_start3A_331 = arith.constant 0 : i32
        %dma_start3A_332 = arith.constant 0 : i32
        %dma_start3A_333 = tpu.memref_slice %arg2[%arg0, %dma_start3A_331, %dma_start3A_332] : memref<2x10240x64xf32, #tpu.memory_space<hbm>> -> memref<1x10240x64xf32, #tpu.memory_space<hbm>>
        %dma_start3A_334 = tpu.memref_squeeze %dma_start3A_333 : memref<1x10240x64xf32, #tpu.memory_space<hbm>> -> memref<10240x64xf32, #tpu.memory_space<hbm>>
        %dma_start3A_335 = arith.constant 0 : i32
        %dma_start3A_336 = arith.constant 0 : i32
        %dma_start3A_337 = tpu.memref_slice %dma_start3A_334[%dma_start3A_335, %dma_start3A_336] : memref<10240x64xf32, #tpu.memory_space<hbm>> -> memref<10240x64xf32, #tpu.memory_space<hbm>>
        %dma_start3A_338 = tpu.memref_slice %arg16[%dma_start3A_323] : memref<4x!tpu.dma_semaphore, #tpu.memory_space<semaphore_mem>> -> memref<1x!tpu.dma_semaphore, #tpu.memory_space<semaphore_mem>>
        %dma_start3A_339 = tpu.memref_squeeze %dma_start3A_338 : memref<1x!tpu.dma_semaphore, #tpu.memory_space<semaphore_mem>> -> memref<!tpu.dma_semaphore, #tpu.memory_space<semaphore_mem>>
        tpu.enqueue_indirect_dma source(%dma_start3A_337 : memref<10240x64xf32, #tpu.memory_space<hbm>>) target(%dma_start3A_327 : memref<128x64xf32, #tpu.memory_space<vmem>>) offsets(%dma_start3A_330 : memref<128xi32, #tpu.memory_space<vmem>>) semaphore(%dma_start3A_339 : memref<!tpu.dma_semaphore, #tpu.memory_space<semaphore_mem>>)
      } else {
      }
      %mul3A_258 = arith.constant 4 : i32
      %mul3A_259 = arith.muli %scan3A_79, %mul3A_258 : i32
      %add3A_260 = arith.constant 3 : i32
      %add3A_261 = arith.addi %mul3A_259, %add3A_260 : i32
      %dma_wait3A_262 = arith.constant 3 : i32
      %dma_wait3A_263 = arith.constant 3 : i32
      %dma_wait3A_264 = arith.constant 0 : i32
      %dma_wait3A_265 = arith.constant 0 : i32
      %dma_wait3A_266 = tpu.memref_slice %arg12[%dma_wait3A_262, %dma_wait3A_264, %dma_wait3A_265] : memref<4x128x64xf32, #tpu.memory_space<vmem>> -> memref<1x128x64xf32, #tpu.memory_space<vmem>>
      %dma_wait3A_267 = tpu.memref_squeeze %dma_wait3A_266 : memref<1x128x64xf32, #tpu.memory_space<vmem>> -> memref<128x64xf32, #tpu.memory_space<vmem>>
      %dma_wait3A_268 = arith.constant 0 : i32
      %dma_wait3A_269 = tpu.memref_slice %arg10[%add3A_261, %dma_wait3A_268] : memref<160x128xi32, #tpu.memory_space<vmem>> -> memref<1x128xi32, #tpu.memory_space<vmem>>
      %dma_wait3A_270 = tpu.memref_squeeze %dma_wait3A_269 : memref<1x128xi32, #tpu.memory_space<vmem>> -> memref<128xi32, #tpu.memory_space<vmem>>
      %dma_wait3A_271 = arith.constant 0 : i32
      %dma_wait3A_272 = arith.constant 0 : i32
      %dma_wait3A_273 = tpu.memref_slice %arg2[%arg0, %dma_wait3A_271, %dma_wait3A_272] : memref<2x10240x64xf32, #tpu.memory_space<hbm>> -> memref<1x10240x64xf32, #tpu.memory_space<hbm>>
      %dma_wait3A_274 = tpu.memref_squeeze %dma_wait3A_273 : memref<1x10240x64xf32, #tpu.memory_space<hbm>> -> memref<10240x64xf32, #tpu.memory_space<hbm>>
      %dma_wait3A_275 = arith.constant 0 : i32
      %dma_wait3A_276 = arith.constant 0 : i32
      %dma_wait3A_277 = tpu.memref_slice %dma_wait3A_274[%dma_wait3A_275, %dma_wait3A_276] : memref<10240x64xf32, #tpu.memory_space<hbm>> -> memref<10240x64xf32, #tpu.memory_space<hbm>>
      %dma_wait3A_278 = tpu.memref_slice %arg16[%dma_wait3A_263] : memref<4x!tpu.dma_semaphore, #tpu.memory_space<semaphore_mem>> -> memref<1x!tpu.dma_semaphore, #tpu.memory_space<semaphore_mem>>
      %dma_wait3A_279 = tpu.memref_squeeze %dma_wait3A_278 : memref<1x!tpu.dma_semaphore, #tpu.memory_space<semaphore_mem>> -> memref<!tpu.dma_semaphore, #tpu.memory_space<semaphore_mem>>
      tpu.wait_indirect_dma semaphore(%dma_wait3A_279 : memref<!tpu.dma_semaphore, #tpu.memory_space<semaphore_mem>>) src(%dma_wait3A_277 : memref<10240x64xf32, #tpu.memory_space<hbm>>) dst(%dma_wait3A_267 : memref<128x64xf32, #tpu.memory_space<vmem>>)
      %dma_start3A_280 = arith.constant 3 : i32
      %dma_start3A_281 = arith.constant 3 : i32
      %dma_start3A_282 = arith.constant 0 : i32
      %dma_start3A_283 = arith.constant 0 : i32
      %dma_start3A_284 = tpu.memref_slice %arg12[%dma_start3A_280, %dma_start3A_282, %dma_start3A_283] : memref<4x128x64xf32, #tpu.memory_space<vmem>> -> memref<1x128x64xf32, #tpu.memory_space<vmem>>
      %dma_start3A_285 = tpu.memref_squeeze %dma_start3A_284 : memref<1x128x64xf32, #tpu.memory_space<vmem>> -> memref<128x64xf32, #tpu.memory_space<vmem>>
      %dma_start3A_286 = arith.constant 0 : i32
      %dma_start3A_287 = tpu.memref_slice %arg11[%add3A_261, %dma_start3A_286] : memref<160x128xi32, #tpu.memory_space<vmem>> -> memref<1x128xi32, #tpu.memory_space<vmem>>
      %dma_start3A_288 = tpu.memref_squeeze %dma_start3A_287 : memref<1x128xi32, #tpu.memory_space<vmem>> -> memref<128xi32, #tpu.memory_space<vmem>>
      %dma_start3A_289 = arith.constant 0 : i32
      %dma_start3A_290 = arith.constant 0 : i32
      %dma_start3A_291 = tpu.memref_slice %arg14[%dma_start3A_289, %dma_start3A_290] : memref<10240x64xf32, #tpu.memory_space<vmem_shared>> -> memref<10240x64xf32, #tpu.memory_space<vmem_shared>>
      %dma_start3A_292 = tpu.memref_slice %arg17[%dma_start3A_281] : memref<4x!tpu.dma_semaphore, #tpu.memory_space<semaphore_mem>> -> memref<1x!tpu.dma_semaphore, #tpu.memory_space<semaphore_mem>>
      %dma_start3A_293 = tpu.memref_squeeze %dma_start3A_292 : memref<1x!tpu.dma_semaphore, #tpu.memory_space<semaphore_mem>> -> memref<!tpu.dma_semaphore, #tpu.memory_space<semaphore_mem>>
      tpu.enqueue_indirect_dma source(%dma_start3A_285 : memref<128x64xf32, #tpu.memory_space<vmem>>) target(%dma_start3A_291 : memref<10240x64xf32, #tpu.memory_space<vmem_shared>>) offsets(%dma_start3A_288 : memref<128xi32, #tpu.memory_space<vmem>>) semaphore(%dma_start3A_293 : memref<!tpu.dma_semaphore, #tpu.memory_space<semaphore_mem>>) {add = true}
      %eq3A_294 = arith.constant 0 : i32
      %eq3A_295 = arith.cmpi eq, %arg0, %eq3A_294 : i32
      %lt3A_296 = arith.constant 80 : i32
      %lt3A_297 = arith.cmpi slt, %add3A_261, %lt3A_296 : i32
      %and3A_298 = arith.andi %eq3A_295, %lt3A_297 : i1
      %eq3A_299 = arith.constant 1 : i32
      %eq3A_300 = arith.cmpi eq, %arg0, %eq3A_299 : i32
      %ge3A_301 = arith.constant 80 : i32
      %ge3A_302 = arith.cmpi sge, %add3A_261, %ge3A_301 : i32
      %and3A_303 = arith.andi %eq3A_300, %ge3A_302 : i1
      %or3A_304 = arith.ori %and3A_298, %and3A_303 : i1
      %convert_element_type3A_305 = arith.extui %or3A_304 : i1 to i32
      %cond3A_306 = arith.constant 0 : i32
      %cond3A_307 = arith.cmpi ne, %convert_element_type3A_305, %cond3A_306 : i32
      scf.if %cond3A_307 {
        %dma_start3A_320 = arith.constant 0 : i32
        %dma_start3A_321 = tpu.memref_slice %arg11[%add3A_261, %dma_start3A_320] : memref<160x128xi32, #tpu.memory_space<vmem>> -> memref<1x128xi32, #tpu.memory_space<vmem>>
        %dma_start3A_322 = tpu.memref_squeeze %dma_start3A_321 : memref<1x128xi32, #tpu.memory_space<vmem>> -> memref<128xi32, #tpu.memory_space<vmem>>
        %dma_start3A_323 = arith.constant 0 : i32
        %dma_start3A_324 = arith.constant 0 : i32
        %dma_start3A_325 = tpu.memref_slice %arg15[%dma_start3A_323, %dma_start3A_324] : memref<10240x16xf32, #tpu.memory_space<vmem_shared>> -> memref<10240x16xf32, #tpu.memory_space<vmem_shared>>
        tpu.enqueue_indirect_dma source(%arg13 : memref<128x16xf32, #tpu.memory_space<vmem>>) target(%dma_start3A_325 : memref<10240x16xf32, #tpu.memory_space<vmem_shared>>) offsets(%dma_start3A_322 : memref<128xi32, #tpu.memory_space<vmem>>) semaphore(%arg18 : memref<!tpu.dma_semaphore, #tpu.memory_space<semaphore_mem>>) {add = true}
      } else {
      }
      %ge3A_308 = arith.constant 2 : i32
      %ge3A_309 = arith.cmpi sge, %add3A_261, %ge3A_308 : i32
      %convert_element_type3A_310 = arith.extui %ge3A_309 : i1 to i32
      %cond3A_311 = arith.constant 0 : i32
      %cond3A_312 = arith.cmpi ne, %convert_element_type3A_310, %cond3A_311 : i32
      scf.if %cond3A_312 {
        %dma_wait3A_320 = arith.constant 1 : i32
        %dma_wait3A_321 = arith.constant 0 : i32
        %dma_wait3A_322 = arith.constant 1 : i32
        %dma_wait3A_323 = arith.constant 0 : i32
        %dma_wait3A_324 = arith.constant 0 : i32
        %dma_wait3A_325 = tpu.memref_slice %arg12[%dma_wait3A_320, %dma_wait3A_323, %dma_wait3A_324] : memref<4x128x64xf32, #tpu.memory_space<vmem>> -> memref<1x128x64xf32, #tpu.memory_space<vmem>>
        %dma_wait3A_326 = tpu.memref_squeeze %dma_wait3A_325 : memref<1x128x64xf32, #tpu.memory_space<vmem>> -> memref<128x64xf32, #tpu.memory_space<vmem>>
        %dma_wait3A_327 = arith.constant 0 : i32
        %dma_wait3A_328 = tpu.memref_slice %arg11[%dma_wait3A_321, %dma_wait3A_327] : memref<160x128xi32, #tpu.memory_space<vmem>> -> memref<1x128xi32, #tpu.memory_space<vmem>>
        %dma_wait3A_329 = tpu.memref_squeeze %dma_wait3A_328 : memref<1x128xi32, #tpu.memory_space<vmem>> -> memref<128xi32, #tpu.memory_space<vmem>>
        %dma_wait3A_330 = arith.constant 0 : i32
        %dma_wait3A_331 = arith.constant 0 : i32
        %dma_wait3A_332 = tpu.memref_slice %arg14[%dma_wait3A_330, %dma_wait3A_331] : memref<10240x64xf32, #tpu.memory_space<vmem_shared>> -> memref<10240x64xf32, #tpu.memory_space<vmem_shared>>
        %dma_wait3A_333 = tpu.memref_slice %arg17[%dma_wait3A_322] : memref<4x!tpu.dma_semaphore, #tpu.memory_space<semaphore_mem>> -> memref<1x!tpu.dma_semaphore, #tpu.memory_space<semaphore_mem>>
        %dma_wait3A_334 = tpu.memref_squeeze %dma_wait3A_333 : memref<1x!tpu.dma_semaphore, #tpu.memory_space<semaphore_mem>> -> memref<!tpu.dma_semaphore, #tpu.memory_space<semaphore_mem>>
        tpu.wait_indirect_dma semaphore(%dma_wait3A_334 : memref<!tpu.dma_semaphore, #tpu.memory_space<semaphore_mem>>) src(%dma_wait3A_326 : memref<128x64xf32, #tpu.memory_space<vmem>>) dst(%dma_wait3A_332 : memref<10240x64xf32, #tpu.memory_space<vmem_shared>>)
      } else {
      }
      %add3A_313 = arith.constant 2 : i32
      %add3A_314 = arith.addi %add3A_261, %add3A_313 : i32
      %lt3A_315 = arith.constant 160 : i32
      %lt3A_316 = arith.cmpi slt, %add3A_314, %lt3A_315 : i32
      %convert_element_type3A_317 = arith.extui %lt3A_316 : i1 to i32
      %cond3A_318 = arith.constant 0 : i32
      %cond3A_319 = arith.cmpi ne, %convert_element_type3A_317, %cond3A_318 : i32
      scf.if %cond3A_319 {
        %add3A_320 = arith.constant 2 : i32
        %add3A_321 = arith.addi %add3A_261, %add3A_320 : i32
        %dma_start3A_322 = arith.constant 1 : i32
        %dma_start3A_323 = arith.constant 1 : i32
        %dma_start3A_324 = arith.constant 0 : i32
        %dma_start3A_325 = arith.constant 0 : i32
        %dma_start3A_326 = tpu.memref_slice %arg12[%dma_start3A_322, %dma_start3A_324, %dma_start3A_325] : memref<4x128x64xf32, #tpu.memory_space<vmem>> -> memref<1x128x64xf32, #tpu.memory_space<vmem>>
        %dma_start3A_327 = tpu.memref_squeeze %dma_start3A_326 : memref<1x128x64xf32, #tpu.memory_space<vmem>> -> memref<128x64xf32, #tpu.memory_space<vmem>>
        %dma_start3A_328 = arith.constant 0 : i32
        %dma_start3A_329 = tpu.memref_slice %arg10[%add3A_321, %dma_start3A_328] : memref<160x128xi32, #tpu.memory_space<vmem>> -> memref<1x128xi32, #tpu.memory_space<vmem>>
        %dma_start3A_330 = tpu.memref_squeeze %dma_start3A_329 : memref<1x128xi32, #tpu.memory_space<vmem>> -> memref<128xi32, #tpu.memory_space<vmem>>
        %dma_start3A_331 = arith.constant 0 : i32
        %dma_start3A_332 = arith.constant 0 : i32
        %dma_start3A_333 = tpu.memref_slice %arg2[%arg0, %dma_start3A_331, %dma_start3A_332] : memref<2x10240x64xf32, #tpu.memory_space<hbm>> -> memref<1x10240x64xf32, #tpu.memory_space<hbm>>
        %dma_start3A_334 = tpu.memref_squeeze %dma_start3A_333 : memref<1x10240x64xf32, #tpu.memory_space<hbm>> -> memref<10240x64xf32, #tpu.memory_space<hbm>>
        %dma_start3A_335 = arith.constant 0 : i32
        %dma_start3A_336 = arith.constant 0 : i32
        %dma_start3A_337 = tpu.memref_slice %dma_start3A_334[%dma_start3A_335, %dma_start3A_336] : memref<10240x64xf32, #tpu.memory_space<hbm>> -> memref<10240x64xf32, #tpu.memory_space<hbm>>
        %dma_start3A_338 = tpu.memref_slice %arg16[%dma_start3A_323] : memref<4x!tpu.dma_semaphore, #tpu.memory_space<semaphore_mem>> -> memref<1x!tpu.dma_semaphore, #tpu.memory_space<semaphore_mem>>
        %dma_start3A_339 = tpu.memref_squeeze %dma_start3A_338 : memref<1x!tpu.dma_semaphore, #tpu.memory_space<semaphore_mem>> -> memref<!tpu.dma_semaphore, #tpu.memory_space<semaphore_mem>>
        tpu.enqueue_indirect_dma source(%dma_start3A_337 : memref<10240x64xf32, #tpu.memory_space<hbm>>) target(%dma_start3A_327 : memref<128x64xf32, #tpu.memory_space<vmem>>) offsets(%dma_start3A_330 : memref<128xi32, #tpu.memory_space<vmem>>) semaphore(%dma_start3A_339 : memref<!tpu.dma_semaphore, #tpu.memory_space<semaphore_mem>>)
      } else {
      }
    }
    %scan3A_42 = arith.constant 40 : i32
    %dma_wait3A = arith.constant 2 : i32
    %dma_wait3A_43 = arith.constant 0 : i32
    %dma_wait3A_44 = arith.constant 2 : i32
    %dma_wait3A_45 = arith.constant 0 : i32
    %dma_wait3A_46 = arith.constant 0 : i32
    %dma_wait3A_47 = tpu.memref_slice %arg12[%dma_wait3A, %dma_wait3A_45, %dma_wait3A_46] : memref<4x128x64xf32, #tpu.memory_space<vmem>> -> memref<1x128x64xf32, #tpu.memory_space<vmem>>
    %dma_wait3A_48 = tpu.memref_squeeze %dma_wait3A_47 : memref<1x128x64xf32, #tpu.memory_space<vmem>> -> memref<128x64xf32, #tpu.memory_space<vmem>>
    %dma_wait3A_49 = arith.constant 0 : i32
    %dma_wait3A_50 = tpu.memref_slice %arg11[%dma_wait3A_43, %dma_wait3A_49] : memref<160x128xi32, #tpu.memory_space<vmem>> -> memref<1x128xi32, #tpu.memory_space<vmem>>
    %dma_wait3A_51 = tpu.memref_squeeze %dma_wait3A_50 : memref<1x128xi32, #tpu.memory_space<vmem>> -> memref<128xi32, #tpu.memory_space<vmem>>
    %dma_wait3A_52 = arith.constant 0 : i32
    %dma_wait3A_53 = arith.constant 0 : i32
    %dma_wait3A_54 = tpu.memref_slice %arg14[%dma_wait3A_52, %dma_wait3A_53] : memref<10240x64xf32, #tpu.memory_space<vmem_shared>> -> memref<10240x64xf32, #tpu.memory_space<vmem_shared>>
    %dma_wait3A_55 = tpu.memref_slice %arg17[%dma_wait3A_44] : memref<4x!tpu.dma_semaphore, #tpu.memory_space<semaphore_mem>> -> memref<1x!tpu.dma_semaphore, #tpu.memory_space<semaphore_mem>>
    %dma_wait3A_56 = tpu.memref_squeeze %dma_wait3A_55 : memref<1x!tpu.dma_semaphore, #tpu.memory_space<semaphore_mem>> -> memref<!tpu.dma_semaphore, #tpu.memory_space<semaphore_mem>>
    tpu.wait_indirect_dma semaphore(%dma_wait3A_56 : memref<!tpu.dma_semaphore, #tpu.memory_space<semaphore_mem>>) src(%dma_wait3A_48 : memref<128x64xf32, #tpu.memory_space<vmem>>) dst(%dma_wait3A_54 : memref<10240x64xf32, #tpu.memory_space<vmem_shared>>)
    %dma_wait3A_57 = arith.constant 3 : i32
    %dma_wait3A_58 = arith.constant 0 : i32
    %dma_wait3A_59 = arith.constant 3 : i32
    %dma_wait3A_60 = arith.constant 0 : i32
    %dma_wait3A_61 = arith.constant 0 : i32
    %dma_wait3A_62 = tpu.memref_slice %arg12[%dma_wait3A_57, %dma_wait3A_60, %dma_wait3A_61] : memref<4x128x64xf32, #tpu.memory_space<vmem>> -> memref<1x128x64xf32, #tpu.memory_space<vmem>>
    %dma_wait3A_63 = tpu.memref_squeeze %dma_wait3A_62 : memref<1x128x64xf32, #tpu.memory_space<vmem>> -> memref<128x64xf32, #tpu.memory_space<vmem>>
    %dma_wait3A_64 = arith.constant 0 : i32
    %dma_wait3A_65 = tpu.memref_slice %arg11[%dma_wait3A_58, %dma_wait3A_64] : memref<160x128xi32, #tpu.memory_space<vmem>> -> memref<1x128xi32, #tpu.memory_space<vmem>>
    %dma_wait3A_66 = tpu.memref_squeeze %dma_wait3A_65 : memref<1x128xi32, #tpu.memory_space<vmem>> -> memref<128xi32, #tpu.memory_space<vmem>>
    %dma_wait3A_67 = arith.constant 0 : i32
    %dma_wait3A_68 = arith.constant 0 : i32
    %dma_wait3A_69 = tpu.memref_slice %arg14[%dma_wait3A_67, %dma_wait3A_68] : memref<10240x64xf32, #tpu.memory_space<vmem_shared>> -> memref<10240x64xf32, #tpu.memory_space<vmem_shared>>
    %dma_wait3A_70 = tpu.memref_slice %arg17[%dma_wait3A_59] : memref<4x!tpu.dma_semaphore, #tpu.memory_space<semaphore_mem>> -> memref<1x!tpu.dma_semaphore, #tpu.memory_space<semaphore_mem>>
    %dma_wait3A_71 = tpu.memref_squeeze %dma_wait3A_70 : memref<1x!tpu.dma_semaphore, #tpu.memory_space<semaphore_mem>> -> memref<!tpu.dma_semaphore, #tpu.memory_space<semaphore_mem>>
    tpu.wait_indirect_dma semaphore(%dma_wait3A_71 : memref<!tpu.dma_semaphore, #tpu.memory_space<semaphore_mem>>) src(%dma_wait3A_63 : memref<128x64xf32, #tpu.memory_space<vmem>>) dst(%dma_wait3A_69 : memref<10240x64xf32, #tpu.memory_space<vmem_shared>>)
    %scan3A_72 = arith.constant 0 : i32
    %scan3A_73 = arith.constant 0 : i32
    %scan3A_74 = arith.constant 80 : i32
    %scan3A_75 = arith.addi %scan3A_73, %scan3A_74 : i32
    %scan3A_76 = arith.constant 1 : i32
    scf.for %scan3A_79 = %scan3A_73 to %scan3A_75 step %scan3A_76  : i32 {
      %dma_wait3A_80 = arith.constant 0 : i32
      %dma_wait3A_81 = arith.constant 0 : i32
      %dma_wait3A_82 = tpu.memref_slice %arg11[%dma_wait3A_80, %dma_wait3A_81] : memref<160x128xi32, #tpu.memory_space<vmem>> -> memref<1x128xi32, #tpu.memory_space<vmem>>
      %dma_wait3A_83 = tpu.memref_squeeze %dma_wait3A_82 : memref<1x128xi32, #tpu.memory_space<vmem>> -> memref<128xi32, #tpu.memory_space<vmem>>
      %dma_wait3A_84 = arith.constant 0 : i32
      %dma_wait3A_85 = arith.constant 0 : i32
      %dma_wait3A_86 = tpu.memref_slice %arg15[%dma_wait3A_84, %dma_wait3A_85] : memref<10240x16xf32, #tpu.memory_space<vmem_shared>> -> memref<10240x16xf32, #tpu.memory_space<vmem_shared>>
      tpu.wait_indirect_dma semaphore(%arg18 : memref<!tpu.dma_semaphore, #tpu.memory_space<semaphore_mem>>) src(%arg13 : memref<128x16xf32, #tpu.memory_space<vmem>>) dst(%dma_wait3A_86 : memref<10240x16xf32, #tpu.memory_space<vmem_shared>>)
    }
    %scan3A_77 = arith.constant 80 : i32
    %barrier3A_78 = arith.constant 0 : index
    tpu.barrier barrier_id(%barrier3A_78)
    "tpu.region"() ({
      %run_scoped3A = tpu.sem_alloc : memref<!tpu.dma_semaphore, #tpu.memory_space<semaphore_mem>>
      %dma_start3A_79 = arith.constant 0 : i32
      %dma_start3A_80 = tpu.memref_slice %arg8[%arg0, %mul3A_0, %dma_start3A_79] : memref<2x10240x64xf32, #tpu.memory_space<hbm>> -> memref<1x640x64xf32, #tpu.memory_space<hbm>>
      %dma_start3A_81 = tpu.memref_squeeze %dma_start3A_80 : memref<1x640x64xf32, #tpu.memory_space<hbm>> -> memref<640x64xf32, #tpu.memory_space<hbm>>
      %dma_start3A_82 = arith.constant 0 : i32
      %dma_start3A_83 = tpu.memref_slice %arg14[%mul3A_0, %dma_start3A_82] : memref<10240x64xf32, #tpu.memory_space<vmem_shared>> -> memref<640x64xf32, #tpu.memory_space<vmem_shared>>
      tpu.enqueue_dma source(%dma_start3A_83 : memref<640x64xf32, #tpu.memory_space<vmem_shared>>) target(%dma_start3A_81 : memref<640x64xf32, #tpu.memory_space<hbm>>) target_semaphore(%run_scoped3A : memref<!tpu.dma_semaphore, #tpu.memory_space<semaphore_mem>>)
      %dma_wait3A_84 = arith.constant 0 : i32
      %dma_wait3A_85 = tpu.memref_slice %arg8[%arg0, %mul3A_0, %dma_wait3A_84] : memref<2x10240x64xf32, #tpu.memory_space<hbm>> -> memref<1x640x64xf32, #tpu.memory_space<hbm>>
      %dma_wait3A_86 = tpu.memref_squeeze %dma_wait3A_85 : memref<1x640x64xf32, #tpu.memory_space<hbm>> -> memref<640x64xf32, #tpu.memory_space<hbm>>
      %dma_wait3A_87 = arith.constant 0 : i32
      %dma_wait3A_88 = tpu.memref_slice %arg14[%mul3A_0, %dma_wait3A_87] : memref<10240x64xf32, #tpu.memory_space<vmem_shared>> -> memref<640x64xf32, #tpu.memory_space<vmem_shared>>
      tpu.wait_dma2 semaphore(%run_scoped3A : memref<!tpu.dma_semaphore, #tpu.memory_space<semaphore_mem>>) src(%dma_wait3A_88 : memref<640x64xf32, #tpu.memory_space<vmem_shared>>) dst(%dma_wait3A_86 : memref<640x64xf32, #tpu.memory_space<hbm>>)
      tpu.yield
    }) : () -> ()
    "tpu.region"() ({
      %run_scoped3A = tpu.sem_alloc : memref<!tpu.dma_semaphore, #tpu.memory_space<semaphore_mem>>
      %dma_start3A_79 = arith.constant 0 : i32
      %dma_start3A_80 = tpu.memref_slice %arg9[%arg0, %mul3A_0, %dma_start3A_79] : memref<2x10240x16xf32, #tpu.memory_space<hbm>> -> memref<1x640x16xf32, #tpu.memory_space<hbm>>
      %dma_start3A_81 = tpu.memref_squeeze %dma_start3A_80 : memref<1x640x16xf32, #tpu.memory_space<hbm>> -> memref<640x16xf32, #tpu.memory_space<hbm>>
      %dma_start3A_82 = arith.constant 0 : i32
      %dma_start3A_83 = tpu.memref_slice %arg15[%mul3A_0, %dma_start3A_82] : memref<10240x16xf32, #tpu.memory_space<vmem_shared>> -> memref<640x16xf32, #tpu.memory_space<vmem_shared>>
      tpu.enqueue_dma source(%dma_start3A_83 : memref<640x16xf32, #tpu.memory_space<vmem_shared>>) target(%dma_start3A_81 : memref<640x16xf32, #tpu.memory_space<hbm>>) target_semaphore(%run_scoped3A : memref<!tpu.dma_semaphore, #tpu.memory_space<semaphore_mem>>)
      %dma_wait3A_84 = arith.constant 0 : i32
      %dma_wait3A_85 = tpu.memref_slice %arg9[%arg0, %mul3A_0, %dma_wait3A_84] : memref<2x10240x16xf32, #tpu.memory_space<hbm>> -> memref<1x640x16xf32, #tpu.memory_space<hbm>>
      %dma_wait3A_86 = tpu.memref_squeeze %dma_wait3A_85 : memref<1x640x16xf32, #tpu.memory_space<hbm>> -> memref<640x16xf32, #tpu.memory_space<hbm>>
      %dma_wait3A_87 = arith.constant 0 : i32
      %dma_wait3A_88 = tpu.memref_slice %arg15[%mul3A_0, %dma_wait3A_87] : memref<10240x16xf32, #tpu.memory_space<vmem_shared>> -> memref<640x16xf32, #tpu.memory_space<vmem_shared>>
      tpu.wait_dma2 semaphore(%run_scoped3A : memref<!tpu.dma_semaphore, #tpu.memory_space<semaphore_mem>>) src(%dma_wait3A_88 : memref<640x16xf32, #tpu.memory_space<vmem_shared>>) dst(%dma_wait3A_86 : memref<640x16xf32, #tpu.memory_space<hbm>>)
      tpu.yield
    }) : () -> ()
    return
  }
}

#map = affine_map<(d0, d1) -> (0, 0)>
#map1 = affine_map<(d0, d1) -> (0, 0, 0)>
module attributes {stable_mosaic.version = 14 : i64} {
  func.func @_seg_body_nocnt(%arg0: i32, %arg1: i32, %arg2: memref<10240x64xf32, #tpu.memory_space<hbm>>, %arg3: memref<32x80x128xi32, #tpu.memory_space<hbm>>, %arg4: memref<32x80x128xi32, #tpu.memory_space<hbm>>, %arg5: memref<10240x64xf32, #tpu.memory_space<hbm>>, %arg6: memref<2x10240x64xf32, #tpu.memory_space<hbm>>, %arg7: memref<80x128xi32, #tpu.memory_space<vmem>>, %arg8: memref<80x128xi32, #tpu.memory_space<vmem>>, %arg9: memref<4x128x64xf32, #tpu.memory_space<vmem>>, %arg10: memref<10240x64xf32, #tpu.memory_space<vmem_shared>>, %arg11: memref<4x!tpu.dma_semaphore, #tpu.memory_space<semaphore_mem>>, %arg12: memref<4x!tpu.dma_semaphore, #tpu.memory_space<semaphore_mem>>) attributes {dimension_semantics = [#tpu.dimension_semantics<core_parallel>, #tpu.dimension_semantics<subcore_parallel>], iteration_bounds = array<i64: 2, 16>, scalar_prefetch = 0 : i64, scratch_operands = 6 : i64, tpu.core_type = #tpu.core_type<sc_vector_subcore>, window_params = [{transform_indices = #map}, {transform_indices = #map1}, {transform_indices = #map1}, {transform_indices = #map}, {transform_indices = #map1}]} {
    %mul3A = arith.constant 2 : i32
    %mul3A_0 = arith.muli %arg1, %mul3A : i32
    %add3A = arith.addi %mul3A_0, %arg0 : i32
    %mul3A_1 = arith.constant 640 : i32
    %mul3A_2 = arith.muli %arg1, %mul3A_1 : i32
    "tpu.region"() ({
      %run_scoped3A = tpu.sem_alloc : memref<!tpu.dma_semaphore, #tpu.memory_space<semaphore_mem>>
      %dma_start3A_67 = arith.constant 0 : i32
      %dma_start3A_68 = tpu.memref_slice %arg10[%mul3A_2, %dma_start3A_67] : memref<10240x64xf32, #tpu.memory_space<vmem_shared>> -> memref<640x64xf32, #tpu.memory_space<vmem_shared>>
      %dma_start3A_69 = arith.constant 0 : i32
      %dma_start3A_70 = tpu.memref_slice %arg5[%mul3A_2, %dma_start3A_69] : memref<10240x64xf32, #tpu.memory_space<hbm>> -> memref<640x64xf32, #tpu.memory_space<hbm>>
      tpu.enqueue_dma source(%dma_start3A_70 : memref<640x64xf32, #tpu.memory_space<hbm>>) target(%dma_start3A_68 : memref<640x64xf32, #tpu.memory_space<vmem_shared>>) target_semaphore(%run_scoped3A : memref<!tpu.dma_semaphore, #tpu.memory_space<semaphore_mem>>)
      %dma_wait3A_71 = arith.constant 0 : i32
      %dma_wait3A_72 = tpu.memref_slice %arg10[%mul3A_2, %dma_wait3A_71] : memref<10240x64xf32, #tpu.memory_space<vmem_shared>> -> memref<640x64xf32, #tpu.memory_space<vmem_shared>>
      %dma_wait3A_73 = arith.constant 0 : i32
      %dma_wait3A_74 = tpu.memref_slice %arg5[%mul3A_2, %dma_wait3A_73] : memref<10240x64xf32, #tpu.memory_space<hbm>> -> memref<640x64xf32, #tpu.memory_space<hbm>>
      tpu.wait_dma2 semaphore(%run_scoped3A : memref<!tpu.dma_semaphore, #tpu.memory_space<semaphore_mem>>) src(%dma_wait3A_74 : memref<640x64xf32, #tpu.memory_space<hbm>>) dst(%dma_wait3A_72 : memref<640x64xf32, #tpu.memory_space<vmem_shared>>)
      tpu.yield
    }) : () -> ()
    "tpu.region"() ({
      %run_scoped3A = tpu.sem_alloc : memref<!tpu.dma_semaphore, #tpu.memory_space<semaphore_mem>>
      %dma_start3A_67 = arith.constant 0 : i32
      %dma_start3A_68 = arith.constant 0 : i32
      %dma_start3A_69 = tpu.memref_slice %arg3[%add3A, %dma_start3A_67, %dma_start3A_68] : memref<32x80x128xi32, #tpu.memory_space<hbm>> -> memref<1x80x128xi32, #tpu.memory_space<hbm>>
      %dma_start3A_70 = tpu.memref_squeeze %dma_start3A_69 : memref<1x80x128xi32, #tpu.memory_space<hbm>> -> memref<80x128xi32, #tpu.memory_space<hbm>>
      %dma_start3A_71 = arith.constant 0 : i32
      %dma_start3A_72 = arith.constant 0 : i32
      %dma_start3A_73 = tpu.memref_slice %arg3[%add3A, %dma_start3A_71, %dma_start3A_72] : memref<32x80x128xi32, #tpu.memory_space<hbm>> -> memref<1x80x128xi32, #tpu.memory_space<hbm>>
      %dma_start3A_74 = tpu.memref_squeeze %dma_start3A_73 : memref<1x80x128xi32, #tpu.memory_space<hbm>> -> memref<80x128xi32, #tpu.memory_space<hbm>>
      tpu.enqueue_dma source(%dma_start3A_74 : memref<80x128xi32, #tpu.memory_space<hbm>>) target(%arg7 : memref<80x128xi32, #tpu.memory_space<vmem>>) target_semaphore(%run_scoped3A : memref<!tpu.dma_semaphore, #tpu.memory_space<semaphore_mem>>)
      %dma_wait3A_75 = arith.constant 0 : i32
      %dma_wait3A_76 = arith.constant 0 : i32
      %dma_wait3A_77 = tpu.memref_slice %arg3[%add3A, %dma_wait3A_75, %dma_wait3A_76] : memref<32x80x128xi32, #tpu.memory_space<hbm>> -> memref<1x80x128xi32, #tpu.memory_space<hbm>>
      %dma_wait3A_78 = tpu.memref_squeeze %dma_wait3A_77 : memref<1x80x128xi32, #tpu.memory_space<hbm>> -> memref<80x128xi32, #tpu.memory_space<hbm>>
      %dma_wait3A_79 = arith.constant 0 : i32
      %dma_wait3A_80 = arith.constant 0 : i32
      %dma_wait3A_81 = tpu.memref_slice %arg3[%add3A, %dma_wait3A_79, %dma_wait3A_80] : memref<32x80x128xi32, #tpu.memory_space<hbm>> -> memref<1x80x128xi32, #tpu.memory_space<hbm>>
      %dma_wait3A_82 = tpu.memref_squeeze %dma_wait3A_81 : memref<1x80x128xi32, #tpu.memory_space<hbm>> -> memref<80x128xi32, #tpu.memory_space<hbm>>
      tpu.wait_dma2 semaphore(%run_scoped3A : memref<!tpu.dma_semaphore, #tpu.memory_space<semaphore_mem>>) src(%dma_wait3A_82 : memref<80x128xi32, #tpu.memory_space<hbm>>) dst(%arg7 : memref<80x128xi32, #tpu.memory_space<vmem>>)
      tpu.yield
    }) : () -> ()
    "tpu.region"() ({
      %run_scoped3A = tpu.sem_alloc : memref<!tpu.dma_semaphore, #tpu.memory_space<semaphore_mem>>
      %dma_start3A_67 = arith.constant 0 : i32
      %dma_start3A_68 = arith.constant 0 : i32
      %dma_start3A_69 = tpu.memref_slice %arg4[%add3A, %dma_start3A_67, %dma_start3A_68] : memref<32x80x128xi32, #tpu.memory_space<hbm>> -> memref<1x80x128xi32, #tpu.memory_space<hbm>>
      %dma_start3A_70 = tpu.memref_squeeze %dma_start3A_69 : memref<1x80x128xi32, #tpu.memory_space<hbm>> -> memref<80x128xi32, #tpu.memory_space<hbm>>
      %dma_start3A_71 = arith.constant 0 : i32
      %dma_start3A_72 = arith.constant 0 : i32
      %dma_start3A_73 = tpu.memref_slice %arg4[%add3A, %dma_start3A_71, %dma_start3A_72] : memref<32x80x128xi32, #tpu.memory_space<hbm>> -> memref<1x80x128xi32, #tpu.memory_space<hbm>>
      %dma_start3A_74 = tpu.memref_squeeze %dma_start3A_73 : memref<1x80x128xi32, #tpu.memory_space<hbm>> -> memref<80x128xi32, #tpu.memory_space<hbm>>
      tpu.enqueue_dma source(%dma_start3A_74 : memref<80x128xi32, #tpu.memory_space<hbm>>) target(%arg8 : memref<80x128xi32, #tpu.memory_space<vmem>>) target_semaphore(%run_scoped3A : memref<!tpu.dma_semaphore, #tpu.memory_space<semaphore_mem>>)
      %dma_wait3A_75 = arith.constant 0 : i32
      %dma_wait3A_76 = arith.constant 0 : i32
      %dma_wait3A_77 = tpu.memref_slice %arg4[%add3A, %dma_wait3A_75, %dma_wait3A_76] : memref<32x80x128xi32, #tpu.memory_space<hbm>> -> memref<1x80x128xi32, #tpu.memory_space<hbm>>
      %dma_wait3A_78 = tpu.memref_squeeze %dma_wait3A_77 : memref<1x80x128xi32, #tpu.memory_space<hbm>> -> memref<80x128xi32, #tpu.memory_space<hbm>>
      %dma_wait3A_79 = arith.constant 0 : i32
      %dma_wait3A_80 = arith.constant 0 : i32
      %dma_wait3A_81 = tpu.memref_slice %arg4[%add3A, %dma_wait3A_79, %dma_wait3A_80] : memref<32x80x128xi32, #tpu.memory_space<hbm>> -> memref<1x80x128xi32, #tpu.memory_space<hbm>>
      %dma_wait3A_82 = tpu.memref_squeeze %dma_wait3A_81 : memref<1x80x128xi32, #tpu.memory_space<hbm>> -> memref<80x128xi32, #tpu.memory_space<hbm>>
      tpu.wait_dma2 semaphore(%run_scoped3A : memref<!tpu.dma_semaphore, #tpu.memory_space<semaphore_mem>>) src(%dma_wait3A_82 : memref<80x128xi32, #tpu.memory_space<hbm>>) dst(%arg8 : memref<80x128xi32, #tpu.memory_space<vmem>>)
      tpu.yield
    }) : () -> ()
    %barrier3A = arith.constant 0 : index
    tpu.barrier barrier_id(%barrier3A)
    %dma_start3A = arith.constant 0 : i32
    %dma_start3A_3 = arith.constant 0 : i32
    %dma_start3A_4 = arith.constant 0 : i32
    %dma_start3A_5 = arith.constant 0 : i32
    %dma_start3A_6 = arith.constant 0 : i32
    %dma_start3A_7 = tpu.memref_slice %arg9[%dma_start3A_3, %dma_start3A_5, %dma_start3A_6] : memref<4x128x64xf32, #tpu.memory_space<vmem>> -> memref<1x128x64xf32, #tpu.memory_space<vmem>>
    %dma_start3A_8 = tpu.memref_squeeze %dma_start3A_7 : memref<1x128x64xf32, #tpu.memory_space<vmem>> -> memref<128x64xf32, #tpu.memory_space<vmem>>
    %dma_start3A_9 = arith.constant 0 : i32
    %dma_start3A_10 = tpu.memref_slice %arg7[%dma_start3A, %dma_start3A_9] : memref<80x128xi32, #tpu.memory_space<vmem>> -> memref<1x128xi32, #tpu.memory_space<vmem>>
    %dma_start3A_11 = tpu.memref_squeeze %dma_start3A_10 : memref<1x128xi32, #tpu.memory_space<vmem>> -> memref<128xi32, #tpu.memory_space<vmem>>
    %dma_start3A_12 = arith.constant 0 : i32
    %dma_start3A_13 = arith.constant 0 : i32
    %dma_start3A_14 = tpu.memref_slice %arg2[%dma_start3A_12, %dma_start3A_13] : memref<10240x64xf32, #tpu.memory_space<hbm>> -> memref<10240x64xf32, #tpu.memory_space<hbm>>
    %dma_start3A_15 = tpu.memref_slice %arg11[%dma_start3A_4] : memref<4x!tpu.dma_semaphore, #tpu.memory_space<semaphore_mem>> -> memref<1x!tpu.dma_semaphore, #tpu.memory_space<semaphore_mem>>
    %dma_start3A_16 = tpu.memref_squeeze %dma_start3A_15 : memref<1x!tpu.dma_semaphore, #tpu.memory_space<semaphore_mem>> -> memref<!tpu.dma_semaphore, #tpu.memory_space<semaphore_mem>>
    tpu.enqueue_indirect_dma source(%dma_start3A_14 : memref<10240x64xf32, #tpu.memory_space<hbm>>) target(%dma_start3A_8 : memref<128x64xf32, #tpu.memory_space<vmem>>) offsets(%dma_start3A_11 : memref<128xi32, #tpu.memory_space<vmem>>) semaphore(%dma_start3A_16 : memref<!tpu.dma_semaphore, #tpu.memory_space<semaphore_mem>>)
    %dma_start3A_17 = arith.constant 1 : i32
    %dma_start3A_18 = arith.constant 1 : i32
    %dma_start3A_19 = arith.constant 1 : i32
    %dma_start3A_20 = arith.constant 0 : i32
    %dma_start3A_21 = arith.constant 0 : i32
    %dma_start3A_22 = tpu.memref_slice %arg9[%dma_start3A_18, %dma_start3A_20, %dma_start3A_21] : memref<4x128x64xf32, #tpu.memory_space<vmem>> -> memref<1x128x64xf32, #tpu.memory_space<vmem>>
    %dma_start3A_23 = tpu.memref_squeeze %dma_start3A_22 : memref<1x128x64xf32, #tpu.memory_space<vmem>> -> memref<128x64xf32, #tpu.memory_space<vmem>>
    %dma_start3A_24 = arith.constant 0 : i32
    %dma_start3A_25 = tpu.memref_slice %arg7[%dma_start3A_17, %dma_start3A_24] : memref<80x128xi32, #tpu.memory_space<vmem>> -> memref<1x128xi32, #tpu.memory_space<vmem>>
    %dma_start3A_26 = tpu.memref_squeeze %dma_start3A_25 : memref<1x128xi32, #tpu.memory_space<vmem>> -> memref<128xi32, #tpu.memory_space<vmem>>
    %dma_start3A_27 = arith.constant 0 : i32
    %dma_start3A_28 = arith.constant 0 : i32
    %dma_start3A_29 = tpu.memref_slice %arg2[%dma_start3A_27, %dma_start3A_28] : memref<10240x64xf32, #tpu.memory_space<hbm>> -> memref<10240x64xf32, #tpu.memory_space<hbm>>
    %dma_start3A_30 = tpu.memref_slice %arg11[%dma_start3A_19] : memref<4x!tpu.dma_semaphore, #tpu.memory_space<semaphore_mem>> -> memref<1x!tpu.dma_semaphore, #tpu.memory_space<semaphore_mem>>
    %dma_start3A_31 = tpu.memref_squeeze %dma_start3A_30 : memref<1x!tpu.dma_semaphore, #tpu.memory_space<semaphore_mem>> -> memref<!tpu.dma_semaphore, #tpu.memory_space<semaphore_mem>>
    tpu.enqueue_indirect_dma source(%dma_start3A_29 : memref<10240x64xf32, #tpu.memory_space<hbm>>) target(%dma_start3A_23 : memref<128x64xf32, #tpu.memory_space<vmem>>) offsets(%dma_start3A_26 : memref<128xi32, #tpu.memory_space<vmem>>) semaphore(%dma_start3A_31 : memref<!tpu.dma_semaphore, #tpu.memory_space<semaphore_mem>>)
    %scan3A = arith.constant 0 : i32
    %scan3A_32 = arith.constant 0 : i32
    %scan3A_33 = arith.constant 20 : i32
    %scan3A_34 = arith.addi %scan3A_32, %scan3A_33 : i32
    %scan3A_35 = arith.constant 1 : i32
    scf.for %scan3A_67 = %scan3A_32 to %scan3A_34 step %scan3A_35  : i32 {
      %mul3A_68 = arith.constant 4 : i32
      %mul3A_69 = arith.muli %scan3A_67, %mul3A_68 : i32
      %add3A_70 = arith.constant 0 : i32
      %add3A_71 = arith.addi %mul3A_69, %add3A_70 : i32
      %dma_wait3A_72 = arith.constant 0 : i32
      %dma_wait3A_73 = arith.constant 0 : i32
      %dma_wait3A_74 = arith.constant 0 : i32
      %dma_wait3A_75 = arith.constant 0 : i32
      %dma_wait3A_76 = tpu.memref_slice %arg9[%dma_wait3A_72, %dma_wait3A_74, %dma_wait3A_75] : memref<4x128x64xf32, #tpu.memory_space<vmem>> -> memref<1x128x64xf32, #tpu.memory_space<vmem>>
      %dma_wait3A_77 = tpu.memref_squeeze %dma_wait3A_76 : memref<1x128x64xf32, #tpu.memory_space<vmem>> -> memref<128x64xf32, #tpu.memory_space<vmem>>
      %dma_wait3A_78 = arith.constant 0 : i32
      %dma_wait3A_79 = tpu.memref_slice %arg7[%add3A_71, %dma_wait3A_78] : memref<80x128xi32, #tpu.memory_space<vmem>> -> memref<1x128xi32, #tpu.memory_space<vmem>>
      %dma_wait3A_80 = tpu.memref_squeeze %dma_wait3A_79 : memref<1x128xi32, #tpu.memory_space<vmem>> -> memref<128xi32, #tpu.memory_space<vmem>>
      %dma_wait3A_81 = arith.constant 0 : i32
      %dma_wait3A_82 = arith.constant 0 : i32
      %dma_wait3A_83 = tpu.memref_slice %arg2[%dma_wait3A_81, %dma_wait3A_82] : memref<10240x64xf32, #tpu.memory_space<hbm>> -> memref<10240x64xf32, #tpu.memory_space<hbm>>
      %dma_wait3A_84 = tpu.memref_slice %arg11[%dma_wait3A_73] : memref<4x!tpu.dma_semaphore, #tpu.memory_space<semaphore_mem>> -> memref<1x!tpu.dma_semaphore, #tpu.memory_space<semaphore_mem>>
      %dma_wait3A_85 = tpu.memref_squeeze %dma_wait3A_84 : memref<1x!tpu.dma_semaphore, #tpu.memory_space<semaphore_mem>> -> memref<!tpu.dma_semaphore, #tpu.memory_space<semaphore_mem>>
      tpu.wait_indirect_dma semaphore(%dma_wait3A_85 : memref<!tpu.dma_semaphore, #tpu.memory_space<semaphore_mem>>) src(%dma_wait3A_83 : memref<10240x64xf32, #tpu.memory_space<hbm>>) dst(%dma_wait3A_77 : memref<128x64xf32, #tpu.memory_space<vmem>>)
      %dma_start3A_86 = arith.constant 0 : i32
      %dma_start3A_87 = arith.constant 0 : i32
      %dma_start3A_88 = arith.constant 0 : i32
      %dma_start3A_89 = arith.constant 0 : i32
      %dma_start3A_90 = tpu.memref_slice %arg9[%dma_start3A_86, %dma_start3A_88, %dma_start3A_89] : memref<4x128x64xf32, #tpu.memory_space<vmem>> -> memref<1x128x64xf32, #tpu.memory_space<vmem>>
      %dma_start3A_91 = tpu.memref_squeeze %dma_start3A_90 : memref<1x128x64xf32, #tpu.memory_space<vmem>> -> memref<128x64xf32, #tpu.memory_space<vmem>>
      %dma_start3A_92 = arith.constant 0 : i32
      %dma_start3A_93 = tpu.memref_slice %arg8[%add3A_71, %dma_start3A_92] : memref<80x128xi32, #tpu.memory_space<vmem>> -> memref<1x128xi32, #tpu.memory_space<vmem>>
      %dma_start3A_94 = tpu.memref_squeeze %dma_start3A_93 : memref<1x128xi32, #tpu.memory_space<vmem>> -> memref<128xi32, #tpu.memory_space<vmem>>
      %dma_start3A_95 = arith.constant 0 : i32
      %dma_start3A_96 = arith.constant 0 : i32
      %dma_start3A_97 = tpu.memref_slice %arg10[%dma_start3A_95, %dma_start3A_96] : memref<10240x64xf32, #tpu.memory_space<vmem_shared>> -> memref<10240x64xf32, #tpu.memory_space<vmem_shared>>
      %dma_start3A_98 = tpu.memref_slice %arg12[%dma_start3A_87] : memref<4x!tpu.dma_semaphore, #tpu.memory_space<semaphore_mem>> -> memref<1x!tpu.dma_semaphore, #tpu.memory_space<semaphore_mem>>
      %dma_start3A_99 = tpu.memref_squeeze %dma_start3A_98 : memref<1x!tpu.dma_semaphore, #tpu.memory_space<semaphore_mem>> -> memref<!tpu.dma_semaphore, #tpu.memory_space<semaphore_mem>>
      tpu.enqueue_indirect_dma source(%dma_start3A_91 : memref<128x64xf32, #tpu.memory_space<vmem>>) target(%dma_start3A_97 : memref<10240x64xf32, #tpu.memory_space<vmem_shared>>) offsets(%dma_start3A_94 : memref<128xi32, #tpu.memory_space<vmem>>) semaphore(%dma_start3A_99 : memref<!tpu.dma_semaphore, #tpu.memory_space<semaphore_mem>>) {add = true}
      %ge3A = arith.constant 2 : i32
      %ge3A_100 = arith.cmpi sge, %add3A_71, %ge3A : i32
      %convert_element_type3A = arith.extui %ge3A_100 : i1 to i32
      %cond3A = arith.constant 0 : i32
      %cond3A_101 = arith.cmpi ne, %convert_element_type3A, %cond3A : i32
      scf.if %cond3A_101 {
        %dma_wait3A_240 = arith.constant 2 : i32
        %dma_wait3A_241 = arith.constant 0 : i32
        %dma_wait3A_242 = arith.constant 2 : i32
        %dma_wait3A_243 = arith.constant 0 : i32
        %dma_wait3A_244 = arith.constant 0 : i32
        %dma_wait3A_245 = tpu.memref_slice %arg9[%dma_wait3A_240, %dma_wait3A_243, %dma_wait3A_244] : memref<4x128x64xf32, #tpu.memory_space<vmem>> -> memref<1x128x64xf32, #tpu.memory_space<vmem>>
        %dma_wait3A_246 = tpu.memref_squeeze %dma_wait3A_245 : memref<1x128x64xf32, #tpu.memory_space<vmem>> -> memref<128x64xf32, #tpu.memory_space<vmem>>
        %dma_wait3A_247 = arith.constant 0 : i32
        %dma_wait3A_248 = tpu.memref_slice %arg8[%dma_wait3A_241, %dma_wait3A_247] : memref<80x128xi32, #tpu.memory_space<vmem>> -> memref<1x128xi32, #tpu.memory_space<vmem>>
        %dma_wait3A_249 = tpu.memref_squeeze %dma_wait3A_248 : memref<1x128xi32, #tpu.memory_space<vmem>> -> memref<128xi32, #tpu.memory_space<vmem>>
        %dma_wait3A_250 = arith.constant 0 : i32
        %dma_wait3A_251 = arith.constant 0 : i32
        %dma_wait3A_252 = tpu.memref_slice %arg10[%dma_wait3A_250, %dma_wait3A_251] : memref<10240x64xf32, #tpu.memory_space<vmem_shared>> -> memref<10240x64xf32, #tpu.memory_space<vmem_shared>>
        %dma_wait3A_253 = tpu.memref_slice %arg12[%dma_wait3A_242] : memref<4x!tpu.dma_semaphore, #tpu.memory_space<semaphore_mem>> -> memref<1x!tpu.dma_semaphore, #tpu.memory_space<semaphore_mem>>
        %dma_wait3A_254 = tpu.memref_squeeze %dma_wait3A_253 : memref<1x!tpu.dma_semaphore, #tpu.memory_space<semaphore_mem>> -> memref<!tpu.dma_semaphore, #tpu.memory_space<semaphore_mem>>
        tpu.wait_indirect_dma semaphore(%dma_wait3A_254 : memref<!tpu.dma_semaphore, #tpu.memory_space<semaphore_mem>>) src(%dma_wait3A_246 : memref<128x64xf32, #tpu.memory_space<vmem>>) dst(%dma_wait3A_252 : memref<10240x64xf32, #tpu.memory_space<vmem_shared>>)
      } else {
      }
      %add3A_102 = arith.constant 2 : i32
      %add3A_103 = arith.addi %add3A_71, %add3A_102 : i32
      %lt3A = arith.constant 80 : i32
      %lt3A_104 = arith.cmpi slt, %add3A_103, %lt3A : i32
      %convert_element_type3A_105 = arith.extui %lt3A_104 : i1 to i32
      %cond3A_106 = arith.constant 0 : i32
      %cond3A_107 = arith.cmpi ne, %convert_element_type3A_105, %cond3A_106 : i32
      scf.if %cond3A_107 {
        %add3A_240 = arith.constant 2 : i32
        %add3A_241 = arith.addi %add3A_71, %add3A_240 : i32
        %dma_start3A_242 = arith.constant 2 : i32
        %dma_start3A_243 = arith.constant 2 : i32
        %dma_start3A_244 = arith.constant 0 : i32
        %dma_start3A_245 = arith.constant 0 : i32
        %dma_start3A_246 = tpu.memref_slice %arg9[%dma_start3A_242, %dma_start3A_244, %dma_start3A_245] : memref<4x128x64xf32, #tpu.memory_space<vmem>> -> memref<1x128x64xf32, #tpu.memory_space<vmem>>
        %dma_start3A_247 = tpu.memref_squeeze %dma_start3A_246 : memref<1x128x64xf32, #tpu.memory_space<vmem>> -> memref<128x64xf32, #tpu.memory_space<vmem>>
        %dma_start3A_248 = arith.constant 0 : i32
        %dma_start3A_249 = tpu.memref_slice %arg7[%add3A_241, %dma_start3A_248] : memref<80x128xi32, #tpu.memory_space<vmem>> -> memref<1x128xi32, #tpu.memory_space<vmem>>
        %dma_start3A_250 = tpu.memref_squeeze %dma_start3A_249 : memref<1x128xi32, #tpu.memory_space<vmem>> -> memref<128xi32, #tpu.memory_space<vmem>>
        %dma_start3A_251 = arith.constant 0 : i32
        %dma_start3A_252 = arith.constant 0 : i32
        %dma_start3A_253 = tpu.memref_slice %arg2[%dma_start3A_251, %dma_start3A_252] : memref<10240x64xf32, #tpu.memory_space<hbm>> -> memref<10240x64xf32, #tpu.memory_space<hbm>>
        %dma_start3A_254 = tpu.memref_slice %arg11[%dma_start3A_243] : memref<4x!tpu.dma_semaphore, #tpu.memory_space<semaphore_mem>> -> memref<1x!tpu.dma_semaphore, #tpu.memory_space<semaphore_mem>>
        %dma_start3A_255 = tpu.memref_squeeze %dma_start3A_254 : memref<1x!tpu.dma_semaphore, #tpu.memory_space<semaphore_mem>> -> memref<!tpu.dma_semaphore, #tpu.memory_space<semaphore_mem>>
        tpu.enqueue_indirect_dma source(%dma_start3A_253 : memref<10240x64xf32, #tpu.memory_space<hbm>>) target(%dma_start3A_247 : memref<128x64xf32, #tpu.memory_space<vmem>>) offsets(%dma_start3A_250 : memref<128xi32, #tpu.memory_space<vmem>>) semaphore(%dma_start3A_255 : memref<!tpu.dma_semaphore, #tpu.memory_space<semaphore_mem>>)
      } else {
      }
      %mul3A_108 = arith.constant 4 : i32
      %mul3A_109 = arith.muli %scan3A_67, %mul3A_108 : i32
      %add3A_110 = arith.constant 1 : i32
      %add3A_111 = arith.addi %mul3A_109, %add3A_110 : i32
      %dma_wait3A_112 = arith.constant 1 : i32
      %dma_wait3A_113 = arith.constant 1 : i32
      %dma_wait3A_114 = arith.constant 0 : i32
      %dma_wait3A_115 = arith.constant 0 : i32
      %dma_wait3A_116 = tpu.memref_slice %arg9[%dma_wait3A_112, %dma_wait3A_114, %dma_wait3A_115] : memref<4x128x64xf32, #tpu.memory_space<vmem>> -> memref<1x128x64xf32, #tpu.memory_space<vmem>>
      %dma_wait3A_117 = tpu.memref_squeeze %dma_wait3A_116 : memref<1x128x64xf32, #tpu.memory_space<vmem>> -> memref<128x64xf32, #tpu.memory_space<vmem>>
      %dma_wait3A_118 = arith.constant 0 : i32
      %dma_wait3A_119 = tpu.memref_slice %arg7[%add3A_111, %dma_wait3A_118] : memref<80x128xi32, #tpu.memory_space<vmem>> -> memref<1x128xi32, #tpu.memory_space<vmem>>
      %dma_wait3A_120 = tpu.memref_squeeze %dma_wait3A_119 : memref<1x128xi32, #tpu.memory_space<vmem>> -> memref<128xi32, #tpu.memory_space<vmem>>
      %dma_wait3A_121 = arith.constant 0 : i32
      %dma_wait3A_122 = arith.constant 0 : i32
      %dma_wait3A_123 = tpu.memref_slice %arg2[%dma_wait3A_121, %dma_wait3A_122] : memref<10240x64xf32, #tpu.memory_space<hbm>> -> memref<10240x64xf32, #tpu.memory_space<hbm>>
      %dma_wait3A_124 = tpu.memref_slice %arg11[%dma_wait3A_113] : memref<4x!tpu.dma_semaphore, #tpu.memory_space<semaphore_mem>> -> memref<1x!tpu.dma_semaphore, #tpu.memory_space<semaphore_mem>>
      %dma_wait3A_125 = tpu.memref_squeeze %dma_wait3A_124 : memref<1x!tpu.dma_semaphore, #tpu.memory_space<semaphore_mem>> -> memref<!tpu.dma_semaphore, #tpu.memory_space<semaphore_mem>>
      tpu.wait_indirect_dma semaphore(%dma_wait3A_125 : memref<!tpu.dma_semaphore, #tpu.memory_space<semaphore_mem>>) src(%dma_wait3A_123 : memref<10240x64xf32, #tpu.memory_space<hbm>>) dst(%dma_wait3A_117 : memref<128x64xf32, #tpu.memory_space<vmem>>)
      %dma_start3A_126 = arith.constant 1 : i32
      %dma_start3A_127 = arith.constant 1 : i32
      %dma_start3A_128 = arith.constant 0 : i32
      %dma_start3A_129 = arith.constant 0 : i32
      %dma_start3A_130 = tpu.memref_slice %arg9[%dma_start3A_126, %dma_start3A_128, %dma_start3A_129] : memref<4x128x64xf32, #tpu.memory_space<vmem>> -> memref<1x128x64xf32, #tpu.memory_space<vmem>>
      %dma_start3A_131 = tpu.memref_squeeze %dma_start3A_130 : memref<1x128x64xf32, #tpu.memory_space<vmem>> -> memref<128x64xf32, #tpu.memory_space<vmem>>
      %dma_start3A_132 = arith.constant 0 : i32
      %dma_start3A_133 = tpu.memref_slice %arg8[%add3A_111, %dma_start3A_132] : memref<80x128xi32, #tpu.memory_space<vmem>> -> memref<1x128xi32, #tpu.memory_space<vmem>>
      %dma_start3A_134 = tpu.memref_squeeze %dma_start3A_133 : memref<1x128xi32, #tpu.memory_space<vmem>> -> memref<128xi32, #tpu.memory_space<vmem>>
      %dma_start3A_135 = arith.constant 0 : i32
      %dma_start3A_136 = arith.constant 0 : i32
      %dma_start3A_137 = tpu.memref_slice %arg10[%dma_start3A_135, %dma_start3A_136] : memref<10240x64xf32, #tpu.memory_space<vmem_shared>> -> memref<10240x64xf32, #tpu.memory_space<vmem_shared>>
      %dma_start3A_138 = tpu.memref_slice %arg12[%dma_start3A_127] : memref<4x!tpu.dma_semaphore, #tpu.memory_space<semaphore_mem>> -> memref<1x!tpu.dma_semaphore, #tpu.memory_space<semaphore_mem>>
      %dma_start3A_139 = tpu.memref_squeeze %dma_start3A_138 : memref<1x!tpu.dma_semaphore, #tpu.memory_space<semaphore_mem>> -> memref<!tpu.dma_semaphore, #tpu.memory_space<semaphore_mem>>
      tpu.enqueue_indirect_dma source(%dma_start3A_131 : memref<128x64xf32, #tpu.memory_space<vmem>>) target(%dma_start3A_137 : memref<10240x64xf32, #tpu.memory_space<vmem_shared>>) offsets(%dma_start3A_134 : memref<128xi32, #tpu.memory_space<vmem>>) semaphore(%dma_start3A_139 : memref<!tpu.dma_semaphore, #tpu.memory_space<semaphore_mem>>) {add = true}
      %ge3A_140 = arith.constant 2 : i32
      %ge3A_141 = arith.cmpi sge, %add3A_111, %ge3A_140 : i32
      %convert_element_type3A_142 = arith.extui %ge3A_141 : i1 to i32
      %cond3A_143 = arith.constant 0 : i32
      %cond3A_144 = arith.cmpi ne, %convert_element_type3A_142, %cond3A_143 : i32
      scf.if %cond3A_144 {
        %dma_wait3A_240 = arith.constant 3 : i32
        %dma_wait3A_241 = arith.constant 0 : i32
        %dma_wait3A_242 = arith.constant 3 : i32
        %dma_wait3A_243 = arith.constant 0 : i32
        %dma_wait3A_244 = arith.constant 0 : i32
        %dma_wait3A_245 = tpu.memref_slice %arg9[%dma_wait3A_240, %dma_wait3A_243, %dma_wait3A_244] : memref<4x128x64xf32, #tpu.memory_space<vmem>> -> memref<1x128x64xf32, #tpu.memory_space<vmem>>
        %dma_wait3A_246 = tpu.memref_squeeze %dma_wait3A_245 : memref<1x128x64xf32, #tpu.memory_space<vmem>> -> memref<128x64xf32, #tpu.memory_space<vmem>>
        %dma_wait3A_247 = arith.constant 0 : i32
        %dma_wait3A_248 = tpu.memref_slice %arg8[%dma_wait3A_241, %dma_wait3A_247] : memref<80x128xi32, #tpu.memory_space<vmem>> -> memref<1x128xi32, #tpu.memory_space<vmem>>
        %dma_wait3A_249 = tpu.memref_squeeze %dma_wait3A_248 : memref<1x128xi32, #tpu.memory_space<vmem>> -> memref<128xi32, #tpu.memory_space<vmem>>
        %dma_wait3A_250 = arith.constant 0 : i32
        %dma_wait3A_251 = arith.constant 0 : i32
        %dma_wait3A_252 = tpu.memref_slice %arg10[%dma_wait3A_250, %dma_wait3A_251] : memref<10240x64xf32, #tpu.memory_space<vmem_shared>> -> memref<10240x64xf32, #tpu.memory_space<vmem_shared>>
        %dma_wait3A_253 = tpu.memref_slice %arg12[%dma_wait3A_242] : memref<4x!tpu.dma_semaphore, #tpu.memory_space<semaphore_mem>> -> memref<1x!tpu.dma_semaphore, #tpu.memory_space<semaphore_mem>>
        %dma_wait3A_254 = tpu.memref_squeeze %dma_wait3A_253 : memref<1x!tpu.dma_semaphore, #tpu.memory_space<semaphore_mem>> -> memref<!tpu.dma_semaphore, #tpu.memory_space<semaphore_mem>>
        tpu.wait_indirect_dma semaphore(%dma_wait3A_254 : memref<!tpu.dma_semaphore, #tpu.memory_space<semaphore_mem>>) src(%dma_wait3A_246 : memref<128x64xf32, #tpu.memory_space<vmem>>) dst(%dma_wait3A_252 : memref<10240x64xf32, #tpu.memory_space<vmem_shared>>)
      } else {
      }
      %add3A_145 = arith.constant 2 : i32
      %add3A_146 = arith.addi %add3A_111, %add3A_145 : i32
      %lt3A_147 = arith.constant 80 : i32
      %lt3A_148 = arith.cmpi slt, %add3A_146, %lt3A_147 : i32
      %convert_element_type3A_149 = arith.extui %lt3A_148 : i1 to i32
      %cond3A_150 = arith.constant 0 : i32
      %cond3A_151 = arith.cmpi ne, %convert_element_type3A_149, %cond3A_150 : i32
      scf.if %cond3A_151 {
        %add3A_240 = arith.constant 2 : i32
        %add3A_241 = arith.addi %add3A_111, %add3A_240 : i32
        %dma_start3A_242 = arith.constant 3 : i32
        %dma_start3A_243 = arith.constant 3 : i32
        %dma_start3A_244 = arith.constant 0 : i32
        %dma_start3A_245 = arith.constant 0 : i32
        %dma_start3A_246 = tpu.memref_slice %arg9[%dma_start3A_242, %dma_start3A_244, %dma_start3A_245] : memref<4x128x64xf32, #tpu.memory_space<vmem>> -> memref<1x128x64xf32, #tpu.memory_space<vmem>>
        %dma_start3A_247 = tpu.memref_squeeze %dma_start3A_246 : memref<1x128x64xf32, #tpu.memory_space<vmem>> -> memref<128x64xf32, #tpu.memory_space<vmem>>
        %dma_start3A_248 = arith.constant 0 : i32
        %dma_start3A_249 = tpu.memref_slice %arg7[%add3A_241, %dma_start3A_248] : memref<80x128xi32, #tpu.memory_space<vmem>> -> memref<1x128xi32, #tpu.memory_space<vmem>>
        %dma_start3A_250 = tpu.memref_squeeze %dma_start3A_249 : memref<1x128xi32, #tpu.memory_space<vmem>> -> memref<128xi32, #tpu.memory_space<vmem>>
        %dma_start3A_251 = arith.constant 0 : i32
        %dma_start3A_252 = arith.constant 0 : i32
        %dma_start3A_253 = tpu.memref_slice %arg2[%dma_start3A_251, %dma_start3A_252] : memref<10240x64xf32, #tpu.memory_space<hbm>> -> memref<10240x64xf32, #tpu.memory_space<hbm>>
        %dma_start3A_254 = tpu.memref_slice %arg11[%dma_start3A_243] : memref<4x!tpu.dma_semaphore, #tpu.memory_space<semaphore_mem>> -> memref<1x!tpu.dma_semaphore, #tpu.memory_space<semaphore_mem>>
        %dma_start3A_255 = tpu.memref_squeeze %dma_start3A_254 : memref<1x!tpu.dma_semaphore, #tpu.memory_space<semaphore_mem>> -> memref<!tpu.dma_semaphore, #tpu.memory_space<semaphore_mem>>
        tpu.enqueue_indirect_dma source(%dma_start3A_253 : memref<10240x64xf32, #tpu.memory_space<hbm>>) target(%dma_start3A_247 : memref<128x64xf32, #tpu.memory_space<vmem>>) offsets(%dma_start3A_250 : memref<128xi32, #tpu.memory_space<vmem>>) semaphore(%dma_start3A_255 : memref<!tpu.dma_semaphore, #tpu.memory_space<semaphore_mem>>)
      } else {
      }
      %mul3A_152 = arith.constant 4 : i32
      %mul3A_153 = arith.muli %scan3A_67, %mul3A_152 : i32
      %add3A_154 = arith.constant 2 : i32
      %add3A_155 = arith.addi %mul3A_153, %add3A_154 : i32
      %dma_wait3A_156 = arith.constant 2 : i32
      %dma_wait3A_157 = arith.constant 2 : i32
      %dma_wait3A_158 = arith.constant 0 : i32
      %dma_wait3A_159 = arith.constant 0 : i32
      %dma_wait3A_160 = tpu.memref_slice %arg9[%dma_wait3A_156, %dma_wait3A_158, %dma_wait3A_159] : memref<4x128x64xf32, #tpu.memory_space<vmem>> -> memref<1x128x64xf32, #tpu.memory_space<vmem>>
      %dma_wait3A_161 = tpu.memref_squeeze %dma_wait3A_160 : memref<1x128x64xf32, #tpu.memory_space<vmem>> -> memref<128x64xf32, #tpu.memory_space<vmem>>
      %dma_wait3A_162 = arith.constant 0 : i32
      %dma_wait3A_163 = tpu.memref_slice %arg7[%add3A_155, %dma_wait3A_162] : memref<80x128xi32, #tpu.memory_space<vmem>> -> memref<1x128xi32, #tpu.memory_space<vmem>>
      %dma_wait3A_164 = tpu.memref_squeeze %dma_wait3A_163 : memref<1x128xi32, #tpu.memory_space<vmem>> -> memref<128xi32, #tpu.memory_space<vmem>>
      %dma_wait3A_165 = arith.constant 0 : i32
      %dma_wait3A_166 = arith.constant 0 : i32
      %dma_wait3A_167 = tpu.memref_slice %arg2[%dma_wait3A_165, %dma_wait3A_166] : memref<10240x64xf32, #tpu.memory_space<hbm>> -> memref<10240x64xf32, #tpu.memory_space<hbm>>
      %dma_wait3A_168 = tpu.memref_slice %arg11[%dma_wait3A_157] : memref<4x!tpu.dma_semaphore, #tpu.memory_space<semaphore_mem>> -> memref<1x!tpu.dma_semaphore, #tpu.memory_space<semaphore_mem>>
      %dma_wait3A_169 = tpu.memref_squeeze %dma_wait3A_168 : memref<1x!tpu.dma_semaphore, #tpu.memory_space<semaphore_mem>> -> memref<!tpu.dma_semaphore, #tpu.memory_space<semaphore_mem>>
      tpu.wait_indirect_dma semaphore(%dma_wait3A_169 : memref<!tpu.dma_semaphore, #tpu.memory_space<semaphore_mem>>) src(%dma_wait3A_167 : memref<10240x64xf32, #tpu.memory_space<hbm>>) dst(%dma_wait3A_161 : memref<128x64xf32, #tpu.memory_space<vmem>>)
      %dma_start3A_170 = arith.constant 2 : i32
      %dma_start3A_171 = arith.constant 2 : i32
      %dma_start3A_172 = arith.constant 0 : i32
      %dma_start3A_173 = arith.constant 0 : i32
      %dma_start3A_174 = tpu.memref_slice %arg9[%dma_start3A_170, %dma_start3A_172, %dma_start3A_173] : memref<4x128x64xf32, #tpu.memory_space<vmem>> -> memref<1x128x64xf32, #tpu.memory_space<vmem>>
      %dma_start3A_175 = tpu.memref_squeeze %dma_start3A_174 : memref<1x128x64xf32, #tpu.memory_space<vmem>> -> memref<128x64xf32, #tpu.memory_space<vmem>>
      %dma_start3A_176 = arith.constant 0 : i32
      %dma_start3A_177 = tpu.memref_slice %arg8[%add3A_155, %dma_start3A_176] : memref<80x128xi32, #tpu.memory_space<vmem>> -> memref<1x128xi32, #tpu.memory_space<vmem>>
      %dma_start3A_178 = tpu.memref_squeeze %dma_start3A_177 : memref<1x128xi32, #tpu.memory_space<vmem>> -> memref<128xi32, #tpu.memory_space<vmem>>
      %dma_start3A_179 = arith.constant 0 : i32
      %dma_start3A_180 = arith.constant 0 : i32
      %dma_start3A_181 = tpu.memref_slice %arg10[%dma_start3A_179, %dma_start3A_180] : memref<10240x64xf32, #tpu.memory_space<vmem_shared>> -> memref<10240x64xf32, #tpu.memory_space<vmem_shared>>
      %dma_start3A_182 = tpu.memref_slice %arg12[%dma_start3A_171] : memref<4x!tpu.dma_semaphore, #tpu.memory_space<semaphore_mem>> -> memref<1x!tpu.dma_semaphore, #tpu.memory_space<semaphore_mem>>
      %dma_start3A_183 = tpu.memref_squeeze %dma_start3A_182 : memref<1x!tpu.dma_semaphore, #tpu.memory_space<semaphore_mem>> -> memref<!tpu.dma_semaphore, #tpu.memory_space<semaphore_mem>>
      tpu.enqueue_indirect_dma source(%dma_start3A_175 : memref<128x64xf32, #tpu.memory_space<vmem>>) target(%dma_start3A_181 : memref<10240x64xf32, #tpu.memory_space<vmem_shared>>) offsets(%dma_start3A_178 : memref<128xi32, #tpu.memory_space<vmem>>) semaphore(%dma_start3A_183 : memref<!tpu.dma_semaphore, #tpu.memory_space<semaphore_mem>>) {add = true}
      %ge3A_184 = arith.constant 2 : i32
      %ge3A_185 = arith.cmpi sge, %add3A_155, %ge3A_184 : i32
      %convert_element_type3A_186 = arith.extui %ge3A_185 : i1 to i32
      %cond3A_187 = arith.constant 0 : i32
      %cond3A_188 = arith.cmpi ne, %convert_element_type3A_186, %cond3A_187 : i32
      scf.if %cond3A_188 {
        %dma_wait3A_240 = arith.constant 0 : i32
        %dma_wait3A_241 = arith.constant 0 : i32
        %dma_wait3A_242 = arith.constant 0 : i32
        %dma_wait3A_243 = arith.constant 0 : i32
        %dma_wait3A_244 = arith.constant 0 : i32
        %dma_wait3A_245 = tpu.memref_slice %arg9[%dma_wait3A_240, %dma_wait3A_243, %dma_wait3A_244] : memref<4x128x64xf32, #tpu.memory_space<vmem>> -> memref<1x128x64xf32, #tpu.memory_space<vmem>>
        %dma_wait3A_246 = tpu.memref_squeeze %dma_wait3A_245 : memref<1x128x64xf32, #tpu.memory_space<vmem>> -> memref<128x64xf32, #tpu.memory_space<vmem>>
        %dma_wait3A_247 = arith.constant 0 : i32
        %dma_wait3A_248 = tpu.memref_slice %arg8[%dma_wait3A_241, %dma_wait3A_247] : memref<80x128xi32, #tpu.memory_space<vmem>> -> memref<1x128xi32, #tpu.memory_space<vmem>>
        %dma_wait3A_249 = tpu.memref_squeeze %dma_wait3A_248 : memref<1x128xi32, #tpu.memory_space<vmem>> -> memref<128xi32, #tpu.memory_space<vmem>>
        %dma_wait3A_250 = arith.constant 0 : i32
        %dma_wait3A_251 = arith.constant 0 : i32
        %dma_wait3A_252 = tpu.memref_slice %arg10[%dma_wait3A_250, %dma_wait3A_251] : memref<10240x64xf32, #tpu.memory_space<vmem_shared>> -> memref<10240x64xf32, #tpu.memory_space<vmem_shared>>
        %dma_wait3A_253 = tpu.memref_slice %arg12[%dma_wait3A_242] : memref<4x!tpu.dma_semaphore, #tpu.memory_space<semaphore_mem>> -> memref<1x!tpu.dma_semaphore, #tpu.memory_space<semaphore_mem>>
        %dma_wait3A_254 = tpu.memref_squeeze %dma_wait3A_253 : memref<1x!tpu.dma_semaphore, #tpu.memory_space<semaphore_mem>> -> memref<!tpu.dma_semaphore, #tpu.memory_space<semaphore_mem>>
        tpu.wait_indirect_dma semaphore(%dma_wait3A_254 : memref<!tpu.dma_semaphore, #tpu.memory_space<semaphore_mem>>) src(%dma_wait3A_246 : memref<128x64xf32, #tpu.memory_space<vmem>>) dst(%dma_wait3A_252 : memref<10240x64xf32, #tpu.memory_space<vmem_shared>>)
      } else {
      }
      %add3A_189 = arith.constant 2 : i32
      %add3A_190 = arith.addi %add3A_155, %add3A_189 : i32
      %lt3A_191 = arith.constant 80 : i32
      %lt3A_192 = arith.cmpi slt, %add3A_190, %lt3A_191 : i32
      %convert_element_type3A_193 = arith.extui %lt3A_192 : i1 to i32
      %cond3A_194 = arith.constant 0 : i32
      %cond3A_195 = arith.cmpi ne, %convert_element_type3A_193, %cond3A_194 : i32
      scf.if %cond3A_195 {
        %add3A_240 = arith.constant 2 : i32
        %add3A_241 = arith.addi %add3A_155, %add3A_240 : i32
        %dma_start3A_242 = arith.constant 0 : i32
        %dma_start3A_243 = arith.constant 0 : i32
        %dma_start3A_244 = arith.constant 0 : i32
        %dma_start3A_245 = arith.constant 0 : i32
        %dma_start3A_246 = tpu.memref_slice %arg9[%dma_start3A_242, %dma_start3A_244, %dma_start3A_245] : memref<4x128x64xf32, #tpu.memory_space<vmem>> -> memref<1x128x64xf32, #tpu.memory_space<vmem>>
        %dma_start3A_247 = tpu.memref_squeeze %dma_start3A_246 : memref<1x128x64xf32, #tpu.memory_space<vmem>> -> memref<128x64xf32, #tpu.memory_space<vmem>>
        %dma_start3A_248 = arith.constant 0 : i32
        %dma_start3A_249 = tpu.memref_slice %arg7[%add3A_241, %dma_start3A_248] : memref<80x128xi32, #tpu.memory_space<vmem>> -> memref<1x128xi32, #tpu.memory_space<vmem>>
        %dma_start3A_250 = tpu.memref_squeeze %dma_start3A_249 : memref<1x128xi32, #tpu.memory_space<vmem>> -> memref<128xi32, #tpu.memory_space<vmem>>
        %dma_start3A_251 = arith.constant 0 : i32
        %dma_start3A_252 = arith.constant 0 : i32
        %dma_start3A_253 = tpu.memref_slice %arg2[%dma_start3A_251, %dma_start3A_252] : memref<10240x64xf32, #tpu.memory_space<hbm>> -> memref<10240x64xf32, #tpu.memory_space<hbm>>
        %dma_start3A_254 = tpu.memref_slice %arg11[%dma_start3A_243] : memref<4x!tpu.dma_semaphore, #tpu.memory_space<semaphore_mem>> -> memref<1x!tpu.dma_semaphore, #tpu.memory_space<semaphore_mem>>
        %dma_start3A_255 = tpu.memref_squeeze %dma_start3A_254 : memref<1x!tpu.dma_semaphore, #tpu.memory_space<semaphore_mem>> -> memref<!tpu.dma_semaphore, #tpu.memory_space<semaphore_mem>>
        tpu.enqueue_indirect_dma source(%dma_start3A_253 : memref<10240x64xf32, #tpu.memory_space<hbm>>) target(%dma_start3A_247 : memref<128x64xf32, #tpu.memory_space<vmem>>) offsets(%dma_start3A_250 : memref<128xi32, #tpu.memory_space<vmem>>) semaphore(%dma_start3A_255 : memref<!tpu.dma_semaphore, #tpu.memory_space<semaphore_mem>>)
      } else {
      }
      %mul3A_196 = arith.constant 4 : i32
      %mul3A_197 = arith.muli %scan3A_67, %mul3A_196 : i32
      %add3A_198 = arith.constant 3 : i32
      %add3A_199 = arith.addi %mul3A_197, %add3A_198 : i32
      %dma_wait3A_200 = arith.constant 3 : i32
      %dma_wait3A_201 = arith.constant 3 : i32
      %dma_wait3A_202 = arith.constant 0 : i32
      %dma_wait3A_203 = arith.constant 0 : i32
      %dma_wait3A_204 = tpu.memref_slice %arg9[%dma_wait3A_200, %dma_wait3A_202, %dma_wait3A_203] : memref<4x128x64xf32, #tpu.memory_space<vmem>> -> memref<1x128x64xf32, #tpu.memory_space<vmem>>
      %dma_wait3A_205 = tpu.memref_squeeze %dma_wait3A_204 : memref<1x128x64xf32, #tpu.memory_space<vmem>> -> memref<128x64xf32, #tpu.memory_space<vmem>>
      %dma_wait3A_206 = arith.constant 0 : i32
      %dma_wait3A_207 = tpu.memref_slice %arg7[%add3A_199, %dma_wait3A_206] : memref<80x128xi32, #tpu.memory_space<vmem>> -> memref<1x128xi32, #tpu.memory_space<vmem>>
      %dma_wait3A_208 = tpu.memref_squeeze %dma_wait3A_207 : memref<1x128xi32, #tpu.memory_space<vmem>> -> memref<128xi32, #tpu.memory_space<vmem>>
      %dma_wait3A_209 = arith.constant 0 : i32
      %dma_wait3A_210 = arith.constant 0 : i32
      %dma_wait3A_211 = tpu.memref_slice %arg2[%dma_wait3A_209, %dma_wait3A_210] : memref<10240x64xf32, #tpu.memory_space<hbm>> -> memref<10240x64xf32, #tpu.memory_space<hbm>>
      %dma_wait3A_212 = tpu.memref_slice %arg11[%dma_wait3A_201] : memref<4x!tpu.dma_semaphore, #tpu.memory_space<semaphore_mem>> -> memref<1x!tpu.dma_semaphore, #tpu.memory_space<semaphore_mem>>
      %dma_wait3A_213 = tpu.memref_squeeze %dma_wait3A_212 : memref<1x!tpu.dma_semaphore, #tpu.memory_space<semaphore_mem>> -> memref<!tpu.dma_semaphore, #tpu.memory_space<semaphore_mem>>
      tpu.wait_indirect_dma semaphore(%dma_wait3A_213 : memref<!tpu.dma_semaphore, #tpu.memory_space<semaphore_mem>>) src(%dma_wait3A_211 : memref<10240x64xf32, #tpu.memory_space<hbm>>) dst(%dma_wait3A_205 : memref<128x64xf32, #tpu.memory_space<vmem>>)
      %dma_start3A_214 = arith.constant 3 : i32
      %dma_start3A_215 = arith.constant 3 : i32
      %dma_start3A_216 = arith.constant 0 : i32
      %dma_start3A_217 = arith.constant 0 : i32
      %dma_start3A_218 = tpu.memref_slice %arg9[%dma_start3A_214, %dma_start3A_216, %dma_start3A_217] : memref<4x128x64xf32, #tpu.memory_space<vmem>> -> memref<1x128x64xf32, #tpu.memory_space<vmem>>
      %dma_start3A_219 = tpu.memref_squeeze %dma_start3A_218 : memref<1x128x64xf32, #tpu.memory_space<vmem>> -> memref<128x64xf32, #tpu.memory_space<vmem>>
      %dma_start3A_220 = arith.constant 0 : i32
      %dma_start3A_221 = tpu.memref_slice %arg8[%add3A_199, %dma_start3A_220] : memref<80x128xi32, #tpu.memory_space<vmem>> -> memref<1x128xi32, #tpu.memory_space<vmem>>
      %dma_start3A_222 = tpu.memref_squeeze %dma_start3A_221 : memref<1x128xi32, #tpu.memory_space<vmem>> -> memref<128xi32, #tpu.memory_space<vmem>>
      %dma_start3A_223 = arith.constant 0 : i32
      %dma_start3A_224 = arith.constant 0 : i32
      %dma_start3A_225 = tpu.memref_slice %arg10[%dma_start3A_223, %dma_start3A_224] : memref<10240x64xf32, #tpu.memory_space<vmem_shared>> -> memref<10240x64xf32, #tpu.memory_space<vmem_shared>>
      %dma_start3A_226 = tpu.memref_slice %arg12[%dma_start3A_215] : memref<4x!tpu.dma_semaphore, #tpu.memory_space<semaphore_mem>> -> memref<1x!tpu.dma_semaphore, #tpu.memory_space<semaphore_mem>>
      %dma_start3A_227 = tpu.memref_squeeze %dma_start3A_226 : memref<1x!tpu.dma_semaphore, #tpu.memory_space<semaphore_mem>> -> memref<!tpu.dma_semaphore, #tpu.memory_space<semaphore_mem>>
      tpu.enqueue_indirect_dma source(%dma_start3A_219 : memref<128x64xf32, #tpu.memory_space<vmem>>) target(%dma_start3A_225 : memref<10240x64xf32, #tpu.memory_space<vmem_shared>>) offsets(%dma_start3A_222 : memref<128xi32, #tpu.memory_space<vmem>>) semaphore(%dma_start3A_227 : memref<!tpu.dma_semaphore, #tpu.memory_space<semaphore_mem>>) {add = true}
      %ge3A_228 = arith.constant 2 : i32
      %ge3A_229 = arith.cmpi sge, %add3A_199, %ge3A_228 : i32
      %convert_element_type3A_230 = arith.extui %ge3A_229 : i1 to i32
      %cond3A_231 = arith.constant 0 : i32
      %cond3A_232 = arith.cmpi ne, %convert_element_type3A_230, %cond3A_231 : i32
      scf.if %cond3A_232 {
        %dma_wait3A_240 = arith.constant 1 : i32
        %dma_wait3A_241 = arith.constant 0 : i32
        %dma_wait3A_242 = arith.constant 1 : i32
        %dma_wait3A_243 = arith.constant 0 : i32
        %dma_wait3A_244 = arith.constant 0 : i32
        %dma_wait3A_245 = tpu.memref_slice %arg9[%dma_wait3A_240, %dma_wait3A_243, %dma_wait3A_244] : memref<4x128x64xf32, #tpu.memory_space<vmem>> -> memref<1x128x64xf32, #tpu.memory_space<vmem>>
        %dma_wait3A_246 = tpu.memref_squeeze %dma_wait3A_245 : memref<1x128x64xf32, #tpu.memory_space<vmem>> -> memref<128x64xf32, #tpu.memory_space<vmem>>
        %dma_wait3A_247 = arith.constant 0 : i32
        %dma_wait3A_248 = tpu.memref_slice %arg8[%dma_wait3A_241, %dma_wait3A_247] : memref<80x128xi32, #tpu.memory_space<vmem>> -> memref<1x128xi32, #tpu.memory_space<vmem>>
        %dma_wait3A_249 = tpu.memref_squeeze %dma_wait3A_248 : memref<1x128xi32, #tpu.memory_space<vmem>> -> memref<128xi32, #tpu.memory_space<vmem>>
        %dma_wait3A_250 = arith.constant 0 : i32
        %dma_wait3A_251 = arith.constant 0 : i32
        %dma_wait3A_252 = tpu.memref_slice %arg10[%dma_wait3A_250, %dma_wait3A_251] : memref<10240x64xf32, #tpu.memory_space<vmem_shared>> -> memref<10240x64xf32, #tpu.memory_space<vmem_shared>>
        %dma_wait3A_253 = tpu.memref_slice %arg12[%dma_wait3A_242] : memref<4x!tpu.dma_semaphore, #tpu.memory_space<semaphore_mem>> -> memref<1x!tpu.dma_semaphore, #tpu.memory_space<semaphore_mem>>
        %dma_wait3A_254 = tpu.memref_squeeze %dma_wait3A_253 : memref<1x!tpu.dma_semaphore, #tpu.memory_space<semaphore_mem>> -> memref<!tpu.dma_semaphore, #tpu.memory_space<semaphore_mem>>
        tpu.wait_indirect_dma semaphore(%dma_wait3A_254 : memref<!tpu.dma_semaphore, #tpu.memory_space<semaphore_mem>>) src(%dma_wait3A_246 : memref<128x64xf32, #tpu.memory_space<vmem>>) dst(%dma_wait3A_252 : memref<10240x64xf32, #tpu.memory_space<vmem_shared>>)
      } else {
      }
      %add3A_233 = arith.constant 2 : i32
      %add3A_234 = arith.addi %add3A_199, %add3A_233 : i32
      %lt3A_235 = arith.constant 80 : i32
      %lt3A_236 = arith.cmpi slt, %add3A_234, %lt3A_235 : i32
      %convert_element_type3A_237 = arith.extui %lt3A_236 : i1 to i32
      %cond3A_238 = arith.constant 0 : i32
      %cond3A_239 = arith.cmpi ne, %convert_element_type3A_237, %cond3A_238 : i32
      scf.if %cond3A_239 {
        %add3A_240 = arith.constant 2 : i32
        %add3A_241 = arith.addi %add3A_199, %add3A_240 : i32
        %dma_start3A_242 = arith.constant 1 : i32
        %dma_start3A_243 = arith.constant 1 : i32
        %dma_start3A_244 = arith.constant 0 : i32
        %dma_start3A_245 = arith.constant 0 : i32
        %dma_start3A_246 = tpu.memref_slice %arg9[%dma_start3A_242, %dma_start3A_244, %dma_start3A_245] : memref<4x128x64xf32, #tpu.memory_space<vmem>> -> memref<1x128x64xf32, #tpu.memory_space<vmem>>
        %dma_start3A_247 = tpu.memref_squeeze %dma_start3A_246 : memref<1x128x64xf32, #tpu.memory_space<vmem>> -> memref<128x64xf32, #tpu.memory_space<vmem>>
        %dma_start3A_248 = arith.constant 0 : i32
        %dma_start3A_249 = tpu.memref_slice %arg7[%add3A_241, %dma_start3A_248] : memref<80x128xi32, #tpu.memory_space<vmem>> -> memref<1x128xi32, #tpu.memory_space<vmem>>
        %dma_start3A_250 = tpu.memref_squeeze %dma_start3A_249 : memref<1x128xi32, #tpu.memory_space<vmem>> -> memref<128xi32, #tpu.memory_space<vmem>>
        %dma_start3A_251 = arith.constant 0 : i32
        %dma_start3A_252 = arith.constant 0 : i32
        %dma_start3A_253 = tpu.memref_slice %arg2[%dma_start3A_251, %dma_start3A_252] : memref<10240x64xf32, #tpu.memory_space<hbm>> -> memref<10240x64xf32, #tpu.memory_space<hbm>>
        %dma_start3A_254 = tpu.memref_slice %arg11[%dma_start3A_243] : memref<4x!tpu.dma_semaphore, #tpu.memory_space<semaphore_mem>> -> memref<1x!tpu.dma_semaphore, #tpu.memory_space<semaphore_mem>>
        %dma_start3A_255 = tpu.memref_squeeze %dma_start3A_254 : memref<1x!tpu.dma_semaphore, #tpu.memory_space<semaphore_mem>> -> memref<!tpu.dma_semaphore, #tpu.memory_space<semaphore_mem>>
        tpu.enqueue_indirect_dma source(%dma_start3A_253 : memref<10240x64xf32, #tpu.memory_space<hbm>>) target(%dma_start3A_247 : memref<128x64xf32, #tpu.memory_space<vmem>>) offsets(%dma_start3A_250 : memref<128xi32, #tpu.memory_space<vmem>>) semaphore(%dma_start3A_255 : memref<!tpu.dma_semaphore, #tpu.memory_space<semaphore_mem>>)
      } else {
      }
    }
    %scan3A_36 = arith.constant 20 : i32
    %dma_wait3A = arith.constant 2 : i32
    %dma_wait3A_37 = arith.constant 0 : i32
    %dma_wait3A_38 = arith.constant 2 : i32
    %dma_wait3A_39 = arith.constant 0 : i32
    %dma_wait3A_40 = arith.constant 0 : i32
    %dma_wait3A_41 = tpu.memref_slice %arg9[%dma_wait3A, %dma_wait3A_39, %dma_wait3A_40] : memref<4x128x64xf32, #tpu.memory_space<vmem>> -> memref<1x128x64xf32, #tpu.memory_space<vmem>>
    %dma_wait3A_42 = tpu.memref_squeeze %dma_wait3A_41 : memref<1x128x64xf32, #tpu.memory_space<vmem>> -> memref<128x64xf32, #tpu.memory_space<vmem>>
    %dma_wait3A_43 = arith.constant 0 : i32
    %dma_wait3A_44 = tpu.memref_slice %arg8[%dma_wait3A_37, %dma_wait3A_43] : memref<80x128xi32, #tpu.memory_space<vmem>> -> memref<1x128xi32, #tpu.memory_space<vmem>>
    %dma_wait3A_45 = tpu.memref_squeeze %dma_wait3A_44 : memref<1x128xi32, #tpu.memory_space<vmem>> -> memref<128xi32, #tpu.memory_space<vmem>>
    %dma_wait3A_46 = arith.constant 0 : i32
    %dma_wait3A_47 = arith.constant 0 : i32
    %dma_wait3A_48 = tpu.memref_slice %arg10[%dma_wait3A_46, %dma_wait3A_47] : memref<10240x64xf32, #tpu.memory_space<vmem_shared>> -> memref<10240x64xf32, #tpu.memory_space<vmem_shared>>
    %dma_wait3A_49 = tpu.memref_slice %arg12[%dma_wait3A_38] : memref<4x!tpu.dma_semaphore, #tpu.memory_space<semaphore_mem>> -> memref<1x!tpu.dma_semaphore, #tpu.memory_space<semaphore_mem>>
    %dma_wait3A_50 = tpu.memref_squeeze %dma_wait3A_49 : memref<1x!tpu.dma_semaphore, #tpu.memory_space<semaphore_mem>> -> memref<!tpu.dma_semaphore, #tpu.memory_space<semaphore_mem>>
    tpu.wait_indirect_dma semaphore(%dma_wait3A_50 : memref<!tpu.dma_semaphore, #tpu.memory_space<semaphore_mem>>) src(%dma_wait3A_42 : memref<128x64xf32, #tpu.memory_space<vmem>>) dst(%dma_wait3A_48 : memref<10240x64xf32, #tpu.memory_space<vmem_shared>>)
    %dma_wait3A_51 = arith.constant 3 : i32
    %dma_wait3A_52 = arith.constant 0 : i32
    %dma_wait3A_53 = arith.constant 3 : i32
    %dma_wait3A_54 = arith.constant 0 : i32
    %dma_wait3A_55 = arith.constant 0 : i32
    %dma_wait3A_56 = tpu.memref_slice %arg9[%dma_wait3A_51, %dma_wait3A_54, %dma_wait3A_55] : memref<4x128x64xf32, #tpu.memory_space<vmem>> -> memref<1x128x64xf32, #tpu.memory_space<vmem>>
    %dma_wait3A_57 = tpu.memref_squeeze %dma_wait3A_56 : memref<1x128x64xf32, #tpu.memory_space<vmem>> -> memref<128x64xf32, #tpu.memory_space<vmem>>
    %dma_wait3A_58 = arith.constant 0 : i32
    %dma_wait3A_59 = tpu.memref_slice %arg8[%dma_wait3A_52, %dma_wait3A_58] : memref<80x128xi32, #tpu.memory_space<vmem>> -> memref<1x128xi32, #tpu.memory_space<vmem>>
    %dma_wait3A_60 = tpu.memref_squeeze %dma_wait3A_59 : memref<1x128xi32, #tpu.memory_space<vmem>> -> memref<128xi32, #tpu.memory_space<vmem>>
    %dma_wait3A_61 = arith.constant 0 : i32
    %dma_wait3A_62 = arith.constant 0 : i32
    %dma_wait3A_63 = tpu.memref_slice %arg10[%dma_wait3A_61, %dma_wait3A_62] : memref<10240x64xf32, #tpu.memory_space<vmem_shared>> -> memref<10240x64xf32, #tpu.memory_space<vmem_shared>>
    %dma_wait3A_64 = tpu.memref_slice %arg12[%dma_wait3A_53] : memref<4x!tpu.dma_semaphore, #tpu.memory_space<semaphore_mem>> -> memref<1x!tpu.dma_semaphore, #tpu.memory_space<semaphore_mem>>
    %dma_wait3A_65 = tpu.memref_squeeze %dma_wait3A_64 : memref<1x!tpu.dma_semaphore, #tpu.memory_space<semaphore_mem>> -> memref<!tpu.dma_semaphore, #tpu.memory_space<semaphore_mem>>
    tpu.wait_indirect_dma semaphore(%dma_wait3A_65 : memref<!tpu.dma_semaphore, #tpu.memory_space<semaphore_mem>>) src(%dma_wait3A_57 : memref<128x64xf32, #tpu.memory_space<vmem>>) dst(%dma_wait3A_63 : memref<10240x64xf32, #tpu.memory_space<vmem_shared>>)
    %barrier3A_66 = arith.constant 0 : index
    tpu.barrier barrier_id(%barrier3A_66)
    "tpu.region"() ({
      %run_scoped3A = tpu.sem_alloc : memref<!tpu.dma_semaphore, #tpu.memory_space<semaphore_mem>>
      %dma_start3A_67 = arith.constant 0 : i32
      %dma_start3A_68 = tpu.memref_slice %arg6[%arg0, %mul3A_2, %dma_start3A_67] : memref<2x10240x64xf32, #tpu.memory_space<hbm>> -> memref<1x640x64xf32, #tpu.memory_space<hbm>>
      %dma_start3A_69 = tpu.memref_squeeze %dma_start3A_68 : memref<1x640x64xf32, #tpu.memory_space<hbm>> -> memref<640x64xf32, #tpu.memory_space<hbm>>
      %dma_start3A_70 = arith.constant 0 : i32
      %dma_start3A_71 = tpu.memref_slice %arg10[%mul3A_2, %dma_start3A_70] : memref<10240x64xf32, #tpu.memory_space<vmem_shared>> -> memref<640x64xf32, #tpu.memory_space<vmem_shared>>
      tpu.enqueue_dma source(%dma_start3A_71 : memref<640x64xf32, #tpu.memory_space<vmem_shared>>) target(%dma_start3A_69 : memref<640x64xf32, #tpu.memory_space<hbm>>) target_semaphore(%run_scoped3A : memref<!tpu.dma_semaphore, #tpu.memory_space<semaphore_mem>>)
      %dma_wait3A_72 = arith.constant 0 : i32
      %dma_wait3A_73 = tpu.memref_slice %arg6[%arg0, %mul3A_2, %dma_wait3A_72] : memref<2x10240x64xf32, #tpu.memory_space<hbm>> -> memref<1x640x64xf32, #tpu.memory_space<hbm>>
      %dma_wait3A_74 = tpu.memref_squeeze %dma_wait3A_73 : memref<1x640x64xf32, #tpu.memory_space<hbm>> -> memref<640x64xf32, #tpu.memory_space<hbm>>
      %dma_wait3A_75 = arith.constant 0 : i32
      %dma_wait3A_76 = tpu.memref_slice %arg10[%mul3A_2, %dma_wait3A_75] : memref<10240x64xf32, #tpu.memory_space<vmem_shared>> -> memref<640x64xf32, #tpu.memory_space<vmem_shared>>
      tpu.wait_dma2 semaphore(%run_scoped3A : memref<!tpu.dma_semaphore, #tpu.memory_space<semaphore_mem>>) src(%dma_wait3A_76 : memref<640x64xf32, #tpu.memory_space<vmem_shared>>) dst(%dma_wait3A_74 : memref<640x64xf32, #tpu.memory_space<hbm>>)
      tpu.yield
    }) : () -> ()
    return
  }
}

module attributes {stable_mosaic.version = 14 : i64} {
  func.func @_layer1_body(%arg0: i32, %arg1: memref<2x512x64xf32, #tpu.memory_space<vmem>>, %arg2: memref<2x512x16xf32, #tpu.memory_space<vmem>>, %arg3: memref<512x128xf32, #tpu.memory_space<vmem>>, %arg4: memref<128x64xf32, #tpu.memory_space<vmem>>, %arg5: memref<128x64xf32, #tpu.memory_space<vmem>>, %arg6: memref<1x64xf32, #tpu.memory_space<vmem>>, %arg7: memref<512x64xf32, #tpu.memory_space<vmem>>) attributes {dimension_semantics = [#tpu.dimension_semantics<arbitrary>], iteration_bounds = array<i64: 20>, scalar_prefetch = 0 : i64, scratch_operands = 0 : i64, tpu.core_type = #tpu.core_type<tc>, window_params = [{transform_indices = @transform_0, window_bounds = array<i64: 2, 512, 64>}, {transform_indices = @transform_1, window_bounds = array<i64: 2, 512, 16>}, {transform_indices = @transform_2, window_bounds = array<i64: 512, 128>}, {pipeline_mode = #tpu.pipeline_mode<synchronous>, transform_indices = @transform_3, window_bounds = array<i64: 128, 64>}, {pipeline_mode = #tpu.pipeline_mode<synchronous>, transform_indices = @transform_4, window_bounds = array<i64: 128, 64>}, {pipeline_mode = #tpu.pipeline_mode<synchronous>, transform_indices = @transform_5, window_bounds = array<i64: 1, 64>}, {transform_indices = @transform_6, window_bounds = array<i64: 512, 64>}]} {
    %get3A = arith.constant 0 : index
    %get3A_0 = arith.constant 0 : index
    %get3A_1 = arith.constant 0 : index
    %get3A_2 = vector.load %arg1[%get3A, %get3A_0, %get3A_1] : memref<2x512x64xf32, #tpu.memory_space<vmem>>, vector<1x512x64xf32>
    %get3A_3 = vector.shape_cast %get3A_2 : vector<1x512x64xf32> to vector<512x64xf32>
    %get3A_4 = arith.constant 1 : index
    %get3A_5 = arith.constant 0 : index
    %get3A_6 = arith.constant 0 : index
    %get3A_7 = vector.load %arg1[%get3A_4, %get3A_5, %get3A_6] : memref<2x512x64xf32, #tpu.memory_space<vmem>>, vector<1x512x64xf32>
    %get3A_8 = vector.shape_cast %get3A_7 : vector<1x512x64xf32> to vector<512x64xf32>
    %concatenate3A = tpu.concatenate %get3A_3, %get3A_8 in 1 : vector<512x64xf32>, vector<512x64xf32> -> vector<512x128xf32>
    %get3A_9 = arith.constant 0 : index
    %get3A_10 = arith.constant 0 : index
    %get3A_11 = arith.constant 0 : index
    %get3A_12 = vector.load %arg2[%get3A_9, %get3A_10, %get3A_11] : memref<2x512x16xf32, #tpu.memory_space<vmem>>, vector<1x512x1xf32>
    %get3A_13 = vector.shape_cast %get3A_12 : vector<1x512x1xf32> to vector<512x1xf32>
    %get3A_14 = arith.constant 1 : index
    %get3A_15 = arith.constant 0 : index
    %get3A_16 = arith.constant 0 : index
    %get3A_17 = vector.load %arg2[%get3A_14, %get3A_15, %get3A_16] : memref<2x512x16xf32, #tpu.memory_space<vmem>>, vector<1x512x1xf32>
    %get3A_18 = vector.shape_cast %get3A_17 : vector<1x512x1xf32> to vector<512x1xf32>
    %add3A = arith.addf %get3A_13, %get3A_18 : vector<512x1xf32>
    %max3A = arith.constant 1.000000e+00 : f32
    %max3A_19 = vector.broadcast %max3A : f32 to vector<512x1xf32>
    %max3A_20 = arith.maximumf %add3A, %max3A_19 : vector<512x1xf32>
    %div3A = vector.broadcast %max3A_20 : vector<512x1xf32> to vector<512x128xf32>
    %div3A_21 = arith.divf %concatenate3A, %div3A : vector<512x128xf32>
    %get3A_22 = arith.constant 0 : index
    %get3A_23 = arith.constant 0 : index
    %get3A_24 = vector.load %arg4[%get3A_22, %get3A_23] : memref<128x64xf32, #tpu.memory_space<vmem>>, vector<128x64xf32>
    %dot_general3A = arith.constant dense<0.000000e+00> : vector<512x64xf32>
    %dot_general3A_25 = tpu.matmul %div3A_21, %get3A_24, %dot_general3A {dimension_numbers = #tpu.dot_dimension_numbers<[1], [0], [0], [1], [0, 0, 1, 1], [], []>, transpose_lhs_hint = false} : vector<512x128xf32>, vector<128x64xf32>, vector<512x64xf32> -> vector<512x64xf32>
    %get3A_26 = arith.constant 0 : index
    %get3A_27 = arith.constant 0 : index
    %get3A_28 = vector.load %arg6[%get3A_26, %get3A_27] : memref<1x64xf32, #tpu.memory_space<vmem>>, vector<1x64xf32>
    %add3A_29 = vector.broadcast %get3A_28 : vector<1x64xf32> to vector<512x64xf32>
    %add3A_30 = arith.addf %dot_general3A_25, %add3A_29 : vector<512x64xf32>
    %get3A_31 = arith.constant 0 : index
    %get3A_32 = arith.constant 0 : index
    %get3A_33 = vector.load %arg3[%get3A_31, %get3A_32] : memref<512x128xf32, #tpu.memory_space<vmem>>, vector<512x128xf32>
    %get3A_34 = arith.constant 0 : index
    %get3A_35 = arith.constant 0 : index
    %get3A_36 = vector.load %arg5[%get3A_34, %get3A_35] : memref<128x64xf32, #tpu.memory_space<vmem>>, vector<128x64xf32>
    %dot_general3A_37 = arith.constant dense<0.000000e+00> : vector<512x64xf32>
    %dot_general3A_38 = tpu.matmul %get3A_33, %get3A_36, %dot_general3A_37 {dimension_numbers = #tpu.dot_dimension_numbers<[1], [0], [0], [1], [0, 0, 1, 1], [], []>, transpose_lhs_hint = false} : vector<512x128xf32>, vector<128x64xf32>, vector<512x64xf32> -> vector<512x64xf32>
    %add3A_39 = arith.addf %add3A_30, %dot_general3A_38 : vector<512x64xf32>
    %max3A_40 = arith.constant 0.000000e+00 : f32
    %max3A_41 = vector.broadcast %max3A_40 : f32 to vector<512x64xf32>
    %max3A_42 = arith.maximumf %add3A_39, %max3A_41 : vector<512x64xf32>
    %swap3A = arith.constant 0 : index
    %swap3A_43 = arith.constant 0 : index
    %swap3A_44 = vector.load %arg7[%swap3A, %swap3A_43] : memref<512x64xf32, #tpu.memory_space<vmem>>, vector<512x64xf32>
    tpu.vector_store %arg7[%swap3A, %swap3A_43], %max3A_42 {strides = array<i32>} : memref<512x64xf32, #tpu.memory_space<vmem>>, vector<512x64xf32>,
    return
  }
  func.func @transform_0(%arg0: i32) -> (i32, i32, i32) {
    %c0_i32 = arith.constant 0 : i32
    %c0_i32_0 = arith.constant 0 : i32
    %c0_i32_1 = arith.constant 0 : i32
    return %c0_i32, %arg0, %c0_i32_0 : i32, i32, i32
  }
  func.func @transform_1(%arg0: i32) -> (i32, i32, i32) {
    %c0_i32 = arith.constant 0 : i32
    %c0_i32_0 = arith.constant 0 : i32
    %c0_i32_1 = arith.constant 0 : i32
    return %c0_i32, %arg0, %c0_i32_0 : i32, i32, i32
  }
  func.func @transform_2(%arg0: i32) -> (i32, i32) {
    %c0_i32 = arith.constant 0 : i32
    %c0_i32_0 = arith.constant 0 : i32
    return %arg0, %c0_i32 : i32, i32
  }
  func.func @transform_3(%arg0: i32) -> (i32, i32) {
    %c0_i32 = arith.constant 0 : i32
    %c0_i32_0 = arith.constant 0 : i32
    %c0_i32_1 = arith.constant 0 : i32
    return %c0_i32, %c0_i32_0 : i32, i32
  }
  func.func @transform_4(%arg0: i32) -> (i32, i32) {
    %c0_i32 = arith.constant 0 : i32
    %c0_i32_0 = arith.constant 0 : i32
    %c0_i32_1 = arith.constant 0 : i32
    return %c0_i32, %c0_i32_0 : i32, i32
  }
  func.func @transform_5(%arg0: i32) -> (i32, i32) {
    %c0_i32 = arith.constant 0 : i32
    %c0_i32_0 = arith.constant 0 : i32
    %c0_i32_1 = arith.constant 0 : i32
    return %c0_i32, %c0_i32_0 : i32, i32
  }
  func.func @transform_6(%arg0: i32) -> (i32, i32) {
    %c0_i32 = arith.constant 0 : i32
    %c0_i32_0 = arith.constant 0 : i32
    return %arg0, %c0_i32 : i32, i32
  }
}

module attributes {stable_mosaic.version = 14 : i64} {
  func.func @_final_body(%arg0: i32, %arg1: memref<2x512x64xf32, #tpu.memory_space<vmem>>, %arg2: memref<2x512x16xf32, #tpu.memory_space<vmem>>, %arg3: memref<512x64xf32, #tpu.memory_space<vmem>>, %arg4: memref<64x64xf32, #tpu.memory_space<vmem>>, %arg5: memref<64x64xf32, #tpu.memory_space<vmem>>, %arg6: memref<1x64xf32, #tpu.memory_space<vmem>>, %arg7: memref<1x512xi32, #tpu.memory_space<vmem>>, %arg8: memref<64x64xf32, #tpu.memory_space<vmem>>, %arg9: memref<1x64xf32, #tpu.memory_space<vmem>>, %arg10: memref<64x8xf32, #tpu.memory_space<vmem>>, %arg11: memref<1x8xf32, #tpu.memory_space<vmem>>, %arg12: memref<64x64xf32, #tpu.memory_space<vmem>>, %arg13: memref<1x64xf32, #tpu.memory_space<vmem>>, %arg14: memref<64x1xf32, #tpu.memory_space<vmem>>, %arg15: memref<1x1xf32, #tpu.memory_space<vmem>>, %arg16: memref<64x8xf32, #tpu.memory_space<vmem>>, %arg17: memref<64x1xf32, #tpu.memory_space<vmem>>, %arg18: memref<64x64xf32, #tpu.memory_space<vmem>>, %arg19: memref<64x1xf32, #tpu.memory_space<vmem>>) attributes {dimension_semantics = [#tpu.dimension_semantics<arbitrary>], iteration_bounds = array<i64: 20>, scalar_prefetch = 0 : i64, scratch_operands = 2 : i64, tpu.core_type = #tpu.core_type<tc>, window_params = [{transform_indices = @transform_0, window_bounds = array<i64: 2, 512, 64>}, {transform_indices = @transform_1, window_bounds = array<i64: 2, 512, 16>}, {transform_indices = @transform_2, window_bounds = array<i64: 512, 64>}, {pipeline_mode = #tpu.pipeline_mode<synchronous>, transform_indices = @transform_3, window_bounds = array<i64: 64, 64>}, {pipeline_mode = #tpu.pipeline_mode<synchronous>, transform_indices = @transform_4, window_bounds = array<i64: 64, 64>}, {pipeline_mode = #tpu.pipeline_mode<synchronous>, transform_indices = @transform_5, window_bounds = array<i64: 1, 64>}, {transform_indices = @transform_6, window_bounds = array<i64: 1, 512>}, {pipeline_mode = #tpu.pipeline_mode<synchronous>, transform_indices = @transform_7, window_bounds = array<i64: 64, 64>}, {pipeline_mode = #tpu.pipeline_mode<synchronous>, transform_indices = @transform_8, window_bounds = array<i64: 1, 64>}, {pipeline_mode = #tpu.pipeline_mode<synchronous>, transform_indices = @transform_9, window_bounds = array<i64: 64, 8>}, {pipeline_mode = #tpu.pipeline_mode<synchronous>, transform_indices = @transform_10, window_bounds = array<i64: 1, 8>}, {pipeline_mode = #tpu.pipeline_mode<synchronous>, transform_indices = @transform_11, window_bounds = array<i64: 64, 64>}, {pipeline_mode = #tpu.pipeline_mode<synchronous>, transform_indices = @transform_12, window_bounds = array<i64: 1, 64>}, {pipeline_mode = #tpu.pipeline_mode<synchronous>, transform_indices = @transform_13, window_bounds = array<i64: 64, 1>}, {pipeline_mode = #tpu.pipeline_mode<synchronous>, transform_indices = @transform_14, window_bounds = array<i64: 1, 1>}, {pipeline_mode = #tpu.pipeline_mode<synchronous>, transform_indices = @transform_15, window_bounds = array<i64: 64, 8>}, {pipeline_mode = #tpu.pipeline_mode<synchronous>, transform_indices = @transform_16, window_bounds = array<i64: 64, 1>}]} {
    %eq3A = arith.constant 0 : i32
    %eq3A_0 = arith.cmpi eq, %arg0, %eq3A : i32
    %convert_element_type3A = arith.extui %eq3A_0 : i1 to i32
    %cond3A = arith.constant 0 : i32
    %cond3A_1 = arith.cmpi ne, %convert_element_type3A, %cond3A : i32
    scf.if %cond3A_1 {
      %broadcast_in_dim3A_74 = arith.constant 0.000000e+00 : f32
      %broadcast_in_dim3A_75 = vector.broadcast %broadcast_in_dim3A_74 : f32 to vector<64x64xf32>
      %swap3A_76 = arith.constant 0 : index
      %swap3A_77 = arith.constant 0 : index
      %swap3A_78 = vector.load %arg18[%swap3A_76, %swap3A_77] : memref<64x64xf32, #tpu.memory_space<vmem>>, vector<64x64xf32>
      tpu.vector_store %arg18[%swap3A_76, %swap3A_77], %broadcast_in_dim3A_75 {strides = array<i32>} : memref<64x64xf32, #tpu.memory_space<vmem>>, vector<64x64xf32>,
      %broadcast_in_dim3A_79 = arith.constant 0.000000e+00 : f32
      %broadcast_in_dim3A_80 = vector.broadcast %broadcast_in_dim3A_79 : f32 to vector<64x1xf32>
      %swap3A_81 = arith.constant 0 : index
      %swap3A_82 = arith.constant 0 : index
      %swap3A_83 = vector.load %arg19[%swap3A_81, %swap3A_82] : memref<64x1xf32, #tpu.memory_space<vmem>>, vector<64x1xf32>
      tpu.vector_store %arg19[%swap3A_81, %swap3A_82], %broadcast_in_dim3A_80 {strides = array<i32>} : memref<64x1xf32, #tpu.memory_space<vmem>>, vector<64x1xf32>,
    } else {
    }
    %get3A = arith.constant 0 : index
    %get3A_2 = arith.constant 0 : index
    %get3A_3 = arith.constant 0 : index
    %get3A_4 = vector.load %arg1[%get3A, %get3A_2, %get3A_3] : memref<2x512x64xf32, #tpu.memory_space<vmem>>, vector<1x512x64xf32>
    %get3A_5 = vector.shape_cast %get3A_4 : vector<1x512x64xf32> to vector<512x64xf32>
    %get3A_6 = arith.constant 1 : index
    %get3A_7 = arith.constant 0 : index
    %get3A_8 = arith.constant 0 : index
    %get3A_9 = vector.load %arg1[%get3A_6, %get3A_7, %get3A_8] : memref<2x512x64xf32, #tpu.memory_space<vmem>>, vector<1x512x64xf32>
    %get3A_10 = vector.shape_cast %get3A_9 : vector<1x512x64xf32> to vector<512x64xf32>
    %add3A = arith.addf %get3A_5, %get3A_10 : vector<512x64xf32>
    %get3A_11 = arith.constant 0 : index
    %get3A_12 = arith.constant 0 : index
    %get3A_13 = arith.constant 0 : index
    %get3A_14 = vector.load %arg2[%get3A_11, %get3A_12, %get3A_13] : memref<2x512x16xf32, #tpu.memory_space<vmem>>, vector<1x512x1xf32>
    %get3A_15 = vector.shape_cast %get3A_14 : vector<1x512x1xf32> to vector<512x1xf32>
    %get3A_16 = arith.constant 1 : index
    %get3A_17 = arith.constant 0 : index
    %get3A_18 = arith.constant 0 : index
    %get3A_19 = vector.load %arg2[%get3A_16, %get3A_17, %get3A_18] : memref<2x512x16xf32, #tpu.memory_space<vmem>>, vector<1x512x1xf32>
    %get3A_20 = vector.shape_cast %get3A_19 : vector<1x512x1xf32> to vector<512x1xf32>
    %add3A_21 = arith.addf %get3A_15, %get3A_20 : vector<512x1xf32>
    %max3A = arith.constant 1.000000e+00 : f32
    %max3A_22 = vector.broadcast %max3A : f32 to vector<512x1xf32>
    %max3A_23 = arith.maximumf %add3A_21, %max3A_22 : vector<512x1xf32>
    %div3A = vector.broadcast %max3A_23 : vector<512x1xf32> to vector<512x64xf32>
    %div3A_24 = arith.divf %add3A, %div3A : vector<512x64xf32>
    %get3A_25 = arith.constant 0 : index
    %get3A_26 = arith.constant 0 : index
    %get3A_27 = vector.load %arg4[%get3A_25, %get3A_26] : memref<64x64xf32, #tpu.memory_space<vmem>>, vector<64x64xf32>
    %dot_general3A = arith.constant dense<0.000000e+00> : vector<512x64xf32>
    %dot_general3A_28 = tpu.matmul %div3A_24, %get3A_27, %dot_general3A {dimension_numbers = #tpu.dot_dimension_numbers<[1], [0], [0], [1], [0, 0, 1, 1], [], []>, transpose_lhs_hint = false} : vector<512x64xf32>, vector<64x64xf32>, vector<512x64xf32> -> vector<512x64xf32>
    %get3A_29 = arith.constant 0 : index
    %get3A_30 = arith.constant 0 : index
    %get3A_31 = vector.load %arg6[%get3A_29, %get3A_30] : memref<1x64xf32, #tpu.memory_space<vmem>>, vector<1x64xf32>
    %add3A_32 = vector.broadcast %get3A_31 : vector<1x64xf32> to vector<512x64xf32>
    %add3A_33 = arith.addf %dot_general3A_28, %add3A_32 : vector<512x64xf32>
    %get3A_34 = arith.constant 0 : index
    %get3A_35 = arith.constant 0 : index
    %get3A_36 = vector.load %arg3[%get3A_34, %get3A_35] : memref<512x64xf32, #tpu.memory_space<vmem>>, vector<512x64xf32>
    %get3A_37 = arith.constant 0 : index
    %get3A_38 = arith.constant 0 : index
    %get3A_39 = vector.load %arg5[%get3A_37, %get3A_38] : memref<64x64xf32, #tpu.memory_space<vmem>>, vector<64x64xf32>
    %dot_general3A_40 = arith.constant dense<0.000000e+00> : vector<512x64xf32>
    %dot_general3A_41 = tpu.matmul %get3A_36, %get3A_39, %dot_general3A_40 {dimension_numbers = #tpu.dot_dimension_numbers<[1], [0], [0], [1], [0, 0, 1, 1], [], []>, transpose_lhs_hint = false} : vector<512x64xf32>, vector<64x64xf32>, vector<512x64xf32> -> vector<512x64xf32>
    %add3A_42 = arith.addf %add3A_33, %dot_general3A_41 : vector<512x64xf32>
    %max3A_43 = arith.constant 0.000000e+00 : f32
    %max3A_44 = vector.broadcast %max3A_43 : f32 to vector<512x64xf32>
    %max3A_45 = arith.maximumf %add3A_42, %max3A_44 : vector<512x64xf32>
    %get3A_46 = arith.constant 0 : index
    %get3A_47 = arith.constant 0 : index
    %get3A_48 = vector.load %arg7[%get3A_46, %get3A_47] : memref<1x512xi32, #tpu.memory_space<vmem>>, vector<1x512xi32>
    %iota3A = tpu.iota {dimensions = array<i32: 0>} : vector<64x512xi32>
    %eq3A_49 = vector.broadcast %get3A_48 : vector<1x512xi32> to vector<64x512xi32>
    %eq3A_50 = arith.cmpi eq, %eq3A_49, %iota3A : vector<64x512xi32>
    %convert_element_type3A_51 = arith.extui %eq3A_50 : vector<64x512xi1> to vector<64x512xi32>
    %convert_element_type3A_52 = arith.sitofp %convert_element_type3A_51 : vector<64x512xi32> to vector<64x512xf32>
    %get3A_53 = arith.constant 0 : index
    %get3A_54 = arith.constant 0 : index
    %get3A_55 = vector.load %arg18[%get3A_53, %get3A_54] : memref<64x64xf32, #tpu.memory_space<vmem>>, vector<64x64xf32>
    %dot_general3A_56 = arith.constant dense<0.000000e+00> : vector<64x64xf32>
    %dot_general3A_57 = tpu.matmul %convert_element_type3A_52, %max3A_45, %dot_general3A_56 {dimension_numbers = #tpu.dot_dimension_numbers<[1], [0], [0], [1], [0, 0, 1, 1], [], []>, precision = #tpu.contract_precision<fp32>, transpose_lhs_hint = false} : vector<64x512xf32>, vector<512x64xf32>, vector<64x64xf32> -> vector<64x64xf32>
    %add3A_58 = arith.addf %get3A_55, %dot_general3A_57 : vector<64x64xf32>
    %swap3A = arith.constant 0 : index
    %swap3A_59 = arith.constant 0 : index
    %swap3A_60 = vector.load %arg18[%swap3A, %swap3A_59] : memref<64x64xf32, #tpu.memory_space<vmem>>, vector<64x64xf32>
    tpu.vector_store %arg18[%swap3A, %swap3A_59], %add3A_58 {strides = array<i32>} : memref<64x64xf32, #tpu.memory_space<vmem>>, vector<64x64xf32>,
    %get3A_61 = arith.constant 0 : index
    %get3A_62 = arith.constant 0 : index
    %get3A_63 = vector.load %arg19[%get3A_61, %get3A_62] : memref<64x1xf32, #tpu.memory_space<vmem>>, vector<64x1xf32>
    %reduce_sum3A = arith.constant dense<0.000000e+00> : vector<64xf32>
    %reduce_sum3A_64 = vector.multi_reduction <add>, %convert_element_type3A_52, %reduce_sum3A [1] : vector<64x512xf32> to vector<64xf32>
    %broadcast_in_dim3A = vector.shape_cast %reduce_sum3A_64 : vector<64xf32> to vector<64x1xf32>
    %add3A_65 = arith.addf %get3A_63, %broadcast_in_dim3A : vector<64x1xf32>
    %swap3A_66 = arith.constant 0 : index
    %swap3A_67 = arith.constant 0 : index
    %swap3A_68 = vector.load %arg19[%swap3A_66, %swap3A_67] : memref<64x1xf32, #tpu.memory_space<vmem>>, vector<64x1xf32>
    tpu.vector_store %arg19[%swap3A_66, %swap3A_67], %add3A_65 {strides = array<i32>} : memref<64x1xf32, #tpu.memory_space<vmem>>, vector<64x1xf32>,
    %eq3A_69 = arith.constant 19 : i32
    %eq3A_70 = arith.cmpi eq, %arg0, %eq3A_69 : i32
    %convert_element_type3A_71 = arith.extui %eq3A_70 : i1 to i32
    %cond3A_72 = arith.constant 0 : i32
    %cond3A_73 = arith.cmpi ne, %convert_element_type3A_71, %cond3A_72 : i32
    scf.if %cond3A_73 {
      %get3A_74 = arith.constant 0 : index
      %get3A_75 = arith.constant 0 : index
      %get3A_76 = vector.load %arg18[%get3A_74, %get3A_75] : memref<64x64xf32, #tpu.memory_space<vmem>>, vector<64x64xf32>
      %get3A_77 = arith.constant 0 : index
      %get3A_78 = arith.constant 0 : index
      %get3A_79 = vector.load %arg19[%get3A_77, %get3A_78] : memref<64x1xf32, #tpu.memory_space<vmem>>, vector<64x1xf32>
      %max3A_80 = arith.constant 1.000000e+00 : f32
      %max3A_81 = vector.broadcast %max3A_80 : f32 to vector<64x1xf32>
      %max3A_82 = arith.maximumf %get3A_79, %max3A_81 : vector<64x1xf32>
      %div3A_83 = vector.broadcast %max3A_82 : vector<64x1xf32> to vector<64x64xf32>
      %div3A_84 = arith.divf %get3A_76, %div3A_83 : vector<64x64xf32>
      %get3A_85 = arith.constant 0 : index
      %get3A_86 = arith.constant 0 : index
      %get3A_87 = vector.load %arg8[%get3A_85, %get3A_86] : memref<64x64xf32, #tpu.memory_space<vmem>>, vector<64x64xf32>
      %dot_general3A_88 = arith.constant dense<0.000000e+00> : vector<64x64xf32>
      %dot_general3A_89 = tpu.matmul %div3A_84, %get3A_87, %dot_general3A_88 {dimension_numbers = #tpu.dot_dimension_numbers<[1], [0], [0], [1], [0, 0, 1, 1], [], []>, transpose_lhs_hint = false} : vector<64x64xf32>, vector<64x64xf32>, vector<64x64xf32> -> vector<64x64xf32>
      %get3A_90 = arith.constant 0 : index
      %get3A_91 = arith.constant 0 : index
      %get3A_92 = vector.load %arg9[%get3A_90, %get3A_91] : memref<1x64xf32, #tpu.memory_space<vmem>>, vector<1x64xf32>
      %add3A_93 = vector.broadcast %get3A_92 : vector<1x64xf32> to vector<64x64xf32>
      %add3A_94 = arith.addf %dot_general3A_89, %add3A_93 : vector<64x64xf32>
      %max3A_95 = arith.constant 0.000000e+00 : f32
      %max3A_96 = vector.broadcast %max3A_95 : f32 to vector<64x64xf32>
      %max3A_97 = arith.maximumf %add3A_94, %max3A_96 : vector<64x64xf32>
      %get3A_98 = arith.constant 0 : index
      %get3A_99 = arith.constant 0 : index
      %get3A_100 = vector.load %arg10[%get3A_98, %get3A_99] : memref<64x8xf32, #tpu.memory_space<vmem>>, vector<64x8xf32>
      %dot_general3A_101 = arith.constant dense<0.000000e+00> : vector<64x8xf32>
      %dot_general3A_102 = tpu.matmul %max3A_97, %get3A_100, %dot_general3A_101 {dimension_numbers = #tpu.dot_dimension_numbers<[1], [0], [0], [1], [0, 0, 1, 1], [], []>, transpose_lhs_hint = false} : vector<64x64xf32>, vector<64x8xf32>, vector<64x8xf32> -> vector<64x8xf32>
      %get3A_103 = arith.constant 0 : index
      %get3A_104 = arith.constant 0 : index
      %get3A_105 = vector.load %arg11[%get3A_103, %get3A_104] : memref<1x8xf32, #tpu.memory_space<vmem>>, vector<1x8xf32>
      %add3A_106 = vector.broadcast %get3A_105 : vector<1x8xf32> to vector<64x8xf32>
      %add3A_107 = arith.addf %dot_general3A_102, %add3A_106 : vector<64x8xf32>
      %swap3A_108 = arith.constant 0 : index
      %swap3A_109 = arith.constant 0 : index
      %swap3A_110 = vector.load %arg16[%swap3A_108, %swap3A_109] : memref<64x8xf32, #tpu.memory_space<vmem>>, vector<64x8xf32>
      tpu.vector_store %arg16[%swap3A_108, %swap3A_109], %add3A_107 {strides = array<i32>} : memref<64x8xf32, #tpu.memory_space<vmem>>, vector<64x8xf32>,
      %get3A_111 = arith.constant 0 : index
      %get3A_112 = arith.constant 0 : index
      %get3A_113 = vector.load %arg12[%get3A_111, %get3A_112] : memref<64x64xf32, #tpu.memory_space<vmem>>, vector<64x64xf32>
      %dot_general3A_114 = arith.constant dense<0.000000e+00> : vector<64x64xf32>
      %dot_general3A_115 = tpu.matmul %div3A_84, %get3A_113, %dot_general3A_114 {dimension_numbers = #tpu.dot_dimension_numbers<[1], [0], [0], [1], [0, 0, 1, 1], [], []>, transpose_lhs_hint = false} : vector<64x64xf32>, vector<64x64xf32>, vector<64x64xf32> -> vector<64x64xf32>
      %get3A_116 = arith.constant 0 : index
      %get3A_117 = arith.constant 0 : index
      %get3A_118 = vector.load %arg13[%get3A_116, %get3A_117] : memref<1x64xf32, #tpu.memory_space<vmem>>, vector<1x64xf32>
      %add3A_119 = vector.broadcast %get3A_118 : vector<1x64xf32> to vector<64x64xf32>
      %add3A_120 = arith.addf %dot_general3A_115, %add3A_119 : vector<64x64xf32>
      %max3A_121 = arith.constant 0.000000e+00 : f32
      %max3A_122 = vector.broadcast %max3A_121 : f32 to vector<64x64xf32>
      %max3A_123 = arith.maximumf %add3A_120, %max3A_122 : vector<64x64xf32>
      %get3A_124 = arith.constant 0 : index
      %get3A_125 = arith.constant 0 : index
      %get3A_126 = vector.load %arg14[%get3A_124, %get3A_125] : memref<64x1xf32, #tpu.memory_space<vmem>>, vector<64x1xf32>
      %dot_general3A_127 = arith.constant dense<0.000000e+00> : vector<64x1xf32>
      %dot_general3A_128 = tpu.matmul %max3A_123, %get3A_126, %dot_general3A_127 {dimension_numbers = #tpu.dot_dimension_numbers<[1], [0], [0], [1], [0, 0, 1, 1], [], []>, transpose_lhs_hint = false} : vector<64x64xf32>, vector<64x1xf32>, vector<64x1xf32> -> vector<64x1xf32>
      %get3A_129 = arith.constant 0 : index
      %get3A_130 = arith.constant 0 : index
      %get3A_131 = vector.load %arg15[%get3A_129, %get3A_130] : memref<1x1xf32, #tpu.memory_space<vmem>>, vector<1x1xf32>
      %add3A_132 = vector.broadcast %get3A_131 : vector<1x1xf32> to vector<64x1xf32>
      %add3A_133 = arith.addf %dot_general3A_128, %add3A_132 : vector<64x1xf32>
      %swap3A_134 = arith.constant 0 : index
      %swap3A_135 = arith.constant 0 : index
      %swap3A_136 = vector.load %arg17[%swap3A_134, %swap3A_135] : memref<64x1xf32, #tpu.memory_space<vmem>>, vector<64x1xf32>
      tpu.vector_store %arg17[%swap3A_134, %swap3A_135], %add3A_133 {strides = array<i32>} : memref<64x1xf32, #tpu.memory_space<vmem>>, vector<64x1xf32>,
    } else {
    }
    return
  }
  func.func @transform_0(%arg0: i32) -> (i32, i32, i32) {
    %c0_i32 = arith.constant 0 : i32
    %c0_i32_0 = arith.constant 0 : i32
    %c0_i32_1 = arith.constant 0 : i32
    return %c0_i32, %arg0, %c0_i32_0 : i32, i32, i32
  }
  func.func @transform_1(%arg0: i32) -> (i32, i32, i32) {
    %c0_i32 = arith.constant 0 : i32
    %c0_i32_0 = arith.constant 0 : i32
    %c0_i32_1 = arith.constant 0 : i32
    return %c0_i32, %arg0, %c0_i32_0 : i32, i32, i32
  }
  func.func @transform_2(%arg0: i32) -> (i32, i32) {
    %c0_i32 = arith.constant 0 : i32
    %c0_i32_0 = arith.constant 0 : i32
    return %arg0, %c0_i32 : i32, i32
  }
  func.func @transform_3(%arg0: i32) -> (i32, i32) {
    %c0_i32 = arith.constant 0 : i32
    %c0_i32_0 = arith.constant 0 : i32
    %c0_i32_1 = arith.constant 0 : i32
    return %c0_i32, %c0_i32_0 : i32, i32
  }
  func.func @transform_4(%arg0: i32) -> (i32, i32) {
    %c0_i32 = arith.constant 0 : i32
    %c0_i32_0 = arith.constant 0 : i32
    %c0_i32_1 = arith.constant 0 : i32
    return %c0_i32, %c0_i32_0 : i32, i32
  }
  func.func @transform_5(%arg0: i32) -> (i32, i32) {
    %c0_i32 = arith.constant 0 : i32
    %c0_i32_0 = arith.constant 0 : i32
    %c0_i32_1 = arith.constant 0 : i32
    return %c0_i32, %c0_i32_0 : i32, i32
  }
  func.func @transform_6(%arg0: i32) -> (i32, i32) {
    %c0_i32 = arith.constant 0 : i32
    %c0_i32_0 = arith.constant 0 : i32
    return %c0_i32, %arg0 : i32, i32
  }
  func.func @transform_7(%arg0: i32) -> (i32, i32) {
    %c0_i32 = arith.constant 0 : i32
    %c0_i32_0 = arith.constant 0 : i32
    %c0_i32_1 = arith.constant 0 : i32
    return %c0_i32, %c0_i32_0 : i32, i32
  }
  func.func @transform_8(%arg0: i32) -> (i32, i32) {
    %c0_i32 = arith.constant 0 : i32
    %c0_i32_0 = arith.constant 0 : i32
    %c0_i32_1 = arith.constant 0 : i32
    return %c0_i32, %c0_i32_0 : i32, i32
  }
  func.func @transform_9(%arg0: i32) -> (i32, i32) {
    %c0_i32 = arith.constant 0 : i32
    %c0_i32_0 = arith.constant 0 : i32
    %c0_i32_1 = arith.constant 0 : i32
    return %c0_i32, %c0_i32_0 : i32, i32
  }
  func.func @transform_10(%arg0: i32) -> (i32, i32) {
    %c0_i32 = arith.constant 0 : i32
    %c0_i32_0 = arith.constant 0 : i32
    %c0_i32_1 = arith.constant 0 : i32
    return %c0_i32, %c0_i32_0 : i32, i32
  }
  func.func @transform_11(%arg0: i32) -> (i32, i32) {
    %c0_i32 = arith.constant 0 : i32
    %c0_i32_0 = arith.constant 0 : i32
    %c0_i32_1 = arith.constant 0 : i32
    return %c0_i32, %c0_i32_0 : i32, i32
  }
  func.func @transform_12(%arg0: i32) -> (i32, i32) {
    %c0_i32 = arith.constant 0 : i32
    %c0_i32_0 = arith.constant 0 : i32
    %c0_i32_1 = arith.constant 0 : i32
    return %c0_i32, %c0_i32_0 : i32, i32
  }
  func.func @transform_13(%arg0: i32) -> (i32, i32) {
    %c0_i32 = arith.constant 0 : i32
    %c0_i32_0 = arith.constant 0 : i32
    %c0_i32_1 = arith.constant 0 : i32
    return %c0_i32, %c0_i32_0 : i32, i32
  }
  func.func @transform_14(%arg0: i32) -> (i32, i32) {
    %c0_i32 = arith.constant 0 : i32
    %c0_i32_0 = arith.constant 0 : i32
    %c0_i32_1 = arith.constant 0 : i32
    return %c0_i32, %c0_i32_0 : i32, i32
  }
  func.func @transform_15(%arg0: i32) -> (i32, i32) {
    %c0_i32 = arith.constant 0 : i32
    %c0_i32_0 = arith.constant 0 : i32
    %c0_i32_1 = arith.constant 0 : i32
    return %c0_i32, %c0_i32_0 : i32, i32
  }
  func.func @transform_16(%arg0: i32) -> (i32, i32) {
    %c0_i32 = arith.constant 0 : i32
    %c0_i32_0 = arith.constant 0 : i32
    %c0_i32_1 = arith.constant 0 : i32
    return %c0_i32, %c0_i32_0 : i32, i32
  }
}

</mosaic_0001>

<sc_bundles>
// kernel: kernel.6.cloned.1.call-start
scs
__scs_entry_jumppad:
0x0: {  	(pc) =	sbr.rel $0x88, $3  }
0x1: {  	(tag) =	ssettag $0x0;
	lr =	simm.s32 $0x1  }
0x2: {  	[smem:$0x3F90] =	sst lr;
	_ =	strace $0xD0000000  }
0x3: {  	_ = 	snop  }
0x4: {  	_ = 	snop  }
0x5: {  	_ = 	snop  }
0x6: {  	_ = 	snop  }
0x7: {  	_ = 	snop  }
__scs_overlays_trampoline_lowered:
0x8: {  	[smem:$0x3F9F] =	sst s0  }
0x9: {  	[smem:$0x3FA0] =	sst s1  }
0xa: {  	[smem:$0x3FA1] =	sst s2  }
0xb: {  	[smem:$0x3FA2] =	sst s3  }
0xc: {  	[smem:$0x3FA3] =	sst s4  }
0xd: {  	[smem:$0x3FA4] =	sst s5  }
0xe: {  	[smem:$0x3FA5] =	sst s6  }
0xf: {  	[smem:$0x3FA6] =	sst s7  }
0x10: {  	[smem:$0x3FA7] =	sst s8  }
0x11: {  	[smem:$0x3FA8] =	sst s9;
	s0 =	simm.s32 @!p0 $0x0  }
0x12: {  	s1 =	sld [smem:$0x3F8E];
	s0 =	simm.s32 @p0 $0x1  }
0x13: {  	[smem:$0x3FA9] =	sst s0;
	s0 =	simm.s32 @!p1 $0x0  }
0x14: {  	s2 =	sld [smem:$0x3F8D];
	s0 =	simm.s32 @p1 $0x1  }
0x15: {  	[smem:$0x3FAA] =	sst s0;
	s0 =	simm.s32 @!p2 $0x0  }
0x16: {  	s3 =	sld [smem:$0x3FDB];
	s0 =	simm.s32 @p2 $0x1  }
0x17: {  	s4 =	simm.s32 $0x1BF5;
	[smem:$0x3FAC] =	sst s0  }
0x18: {  	s0 =	sld [smem:$0x3F8F];
	_ =	swait.ge [sflag:s4], $0x0  }
0x19: {  	s7 =	sld [smem:$0x3F90]  }
0x1a: {  	s8 =	sadd.s32 $0xFFFFE003, lr  }
0x1b: {  	s9 =	sadd.s32 $0xFFFFFEF7, lr;
	s5 =	simm.s32 $0xFFFFFFFF;
	p2 =	slt.u32 s8, $0xFFFFF086  }
0x1c: {  	p1 =	slt.u32 s9, $0xF7A;
	s5 =	simm.s32 @!p2 $0x0  }
0x1d: {  	s5 =	simm.s32 @p1 $0x1;
	p0 =	seq.s32 s7, s2  }
0x1e: {  	s7 =	smul.u32 @!p0 $0xF7A, s2;
	p2 =	seq.s32 @!p0 s5, $0x0  }
0x1f: {  	s9 =	smul.u32 $0xF7A, s1;
	s8 =	simm.s32 @!p0 $0x1BF5;
	p2 =	por !p2, p0  }
0x20: {  	[sflag:s8] =	ssyncset.s32 @!p0 $0xFFFFF086;
	s6 =	sadd.s32 @!p0 s3, s7;
	s7 =	simm.s32 @!p0 $0x108  }
0x21: {  	s3 =	sadd.s32 s3, s9;
	s6 =	sadd.s32 @!p0 $0x88, s6;
	s7 =	simm.s32 @p2 $0x1082  }
0x22: {  	[simem:s7], [sflag:s8] =	dma.local @!p0 [hbm:s6], $0xF7A  }
0x23: {  	s9 =	sor.u32 $0xD0000000, s2;
	s6 =	simm.s32 $0x108;
	_ =	swait.ge @!p0 [sflag:s8], $0x0  }
0x24: {  	s3 =	sadd.s32 $0x88, s3;
	s6 =	simm.s32 @!p1 $0x1082;
	[sflag:s4] =	ssyncset.s32 $0xFFFFF086  }
0x25: {  	[simem:s6], [sflag:s4] =	dma.local [hbm:s3], $0xF7A  }
0x26: {  	[smem:$0x3F90] =	sst s1;
	(tag) =	ssettag s2;
	_ =	strace s9  }
0x27: {  	s1 =	sld [smem:$0x3FA0]  }
0x28: {  	s2 =	sld [smem:$0x3FA1]  }
0x29: {  	s4 =	sld [smem:$0x3FA3]  }
0x2a: {  	p0 =	seq.s32 s5, $0x0;
	s5 =	sld [smem:$0x3FA4]  }
0x2b: {  	s6 =	sld [smem:$0x3FA5]  }
0x2c: {  	s7 =	sld [smem:$0x3FA6]  }
0x2d: {  	s3 =	simm.s32 $0x108;
	s8 =	sld [smem:$0x3FA7]  }
0x2e: {  	s3 =	simm.s32 @!p0 $0x1082;
	s9 =	sld [smem:$0x3FA8]  }
0x2f: {  	lr =	sadd.s32 s0, s3;
	s0 =	sld [smem:$0x3F9F]  }
0x30: {  	s3 =	sld [smem:$0x3FA2]  }
0x31: {  	[smem:$0x3FAB] =	sst s10  }
0x32: {  	s10 =	sld [smem:$0x3FA9];
	_ =	sdelay $0x3  }
0x33: {  	p0 =	seq.s32 s10, $0x1;
	s10 =	sld [smem:$0x3FAB];
	_ =	sdelay $0x3  }
0x34: {  	[smem:$0x3FAB] =	sst s10  }
0x35: {  	s10 =	sld [smem:$0x3FAA];
	_ =	sdelay $0x3  }
0x36: {  	p1 =	seq.s32 s10, $0x1;
	s10 =	sld [smem:$0x3FAB];
	_ =	sdelay $0x3  }
0x37: {  	[smem:$0x3FAB] =	sst s10  }
0x38: {  	s10 =	sld [smem:$0x3FAC]  }
0x39: {  	_ = 	snop;
	(pc) =	sbr.ind lr, $3  }
0x3a: {  	_ = 	snop  }
0x3b: {  	_ = 	snop  }
0x3c: {  	p2 =	seq.s32 s10, $0x1;
	s10 =	sld [smem:$0x3FAB]  }
0x3d: {  	_ =	shalt  }
0x3e: {  	_ =	shalt  }
0x3f: {  	_ =	shalt  }
0x40: {  	_ =	shalt  }
0x41: {  	_ =	shalt  }
0x42: {  	_ =	shalt  }
0x43: {  	_ =	shalt  }
0x44: {  	_ =	shalt  }
0x45: {  	_ =	shalt  }
0x46: {  	_ =	shalt  }
0x47: {  	_ =	shalt  }
0x48: {  	_ =	shalt  }
0x49: {  	_ =	shalt  }
0x4a: {  	_ =	shalt  }
0x4b: {  	_ =	shalt  }
0x4c: {  	_ =	shalt  }
0x4d: {  	_ =	shalt  }
0x4e: {  	_ =	shalt  }
0x4f: {  	_ =	shalt  }
0x50: {  	_ =	shalt  }
0x51: {  	_ =	shalt  }
0x52: {  	_ =	shalt  }
0x53: {  	_ =	shalt  }
0x54: {  	_ =	shalt  }
0x55: {  	_ =	shalt  }
0x56: {  	_ =	shalt  }
0x57: {  	_ =	shalt  }
0x58: {  	_ =	shalt  }
0x59: {  	_ =	shalt  }
0x5a: {  	_ =	shalt  }
0x5b: {  	_ =	shalt  }
0x5c: {  	_ =	shalt  }
0x5d: {  	_ =	shalt  }
0x5e: {  	_ =	shalt  }
0x5f: {  	_ =	shalt  }
0x60: {  	_ =	shalt  }
0x61: {  	_ =	shalt  }
0x62: {  	_ =	shalt  }
0x63: {  	_ =	shalt  }
0x64: {  	_ =	shalt  }
0x65: {  	_ =	shalt  }
0x66: {  	_ =	shalt  }
0x67: {  	_ =	shalt  }
0x68: {  	_ =	shalt  }
0x69: {  	_ =	shalt  }
0x6a: {  	_ =	shalt  }
0x6b: {  	_ =	shalt  }
0x6c: {  	_ =	shalt  }
0x6d: {  	_ =	shalt  }
0x6e: {  	_ =	shalt  }
0x6f: {  	_ =	shalt  }
0x70: {  	_ =	shalt  }
0x71: {  	_ =	shalt  }
0x72: {  	_ =	shalt  }
0x73: {  	_ =	shalt  }
0x74: {  	_ =	shalt  }
0x75: {  	_ =	shalt  }
0x76: {  	_ =	shalt  }
0x77: {  	_ =	shalt  }
0x78: {  	_ =	shalt  }
0x79: {  	_ =	shalt  }
0x7a: {  	_ =	shalt  }
0x7b: {  	_ =	shalt  }
0x7c: {  	_ =	shalt  }
0x7d: {  	_ =	shalt  }
0x7e: {  	_ =	shalt  }
0x7f: {  	_ =	shalt  }
0x80: {  	_ =	shalt  }
0x81: {  	_ =	shalt  }
0x82: {  	_ =	shalt  }
0x83: {  	_ =	shalt  }
0x84: {  	_ =	shalt  }
0x85: {  	_ =	shalt  }
0x86: {  	_ =	shalt  }
0x87: {  	_ =	shalt  }
.Lfunc_end0:
.L_simem_size_0:
called_computation_lowered:
.L_overlay_start_0:
0x88: {  	s2 =	sld [smem:$0x3FD9]  }
0x89: {  	s3 =	sld [smem:$0x3FFE];
	_ =	sdelay $0x1  }
0x8a: {  	s1 =	srdreg.scid  }
0x8b: {  	s0 =	sand.u32 $0x1, s1  }
0x8c: {  	s16 =	sshll.u32 s0, $0xA;
	s2 =	sadd.s32 s3, s2  }
0x8d: {  	s2 =	sadd.s32 s2, s16  }
0x8e: {  	[smem:$0x3FB7] =	sst s2  }
0x8f: {  	_ = 	snop  }
0x90: {  	(tm) =	ssettm $0x1  }
0x91: {  	s17 =	sld [smem:$0x3FFB];
	_ =	sdelay $0x3  }
0x92: {  	_ =	strace s17  }
0x93: {  	s2 =	sld [smem:$0x3FFC];
	_ =	sdelay $0x3  }
0x94: {  	_ =	strace s2  }
0x95: {  	s2 =	sld [smem:$0x3FFD];
	_ =	sdelay $0x3  }
0x96: {  	_ =	strace s2  }
0x97: {  	_ =	strace $0x8FFFFFFF  }
0x98: {  	s18 =	sld [smem:$0x3FDB];
	_ =	sdelay $0x1  }
0x99: {  	s19 =	simm.s32 $_scs_section_size  }
0x9a: {  	s4 =	simm.s32 $_size__tile_overlayer_lowered;
	s5 =	simm.s32 $_tile_overlayer_lowered  }
0x9b: {  	s22 =	simm.s32 $0x1BFF;
	s21 =	sshll.u32 s5, $0x1;
	s2 =	sadd.s32 s19, s18  }
0x9c: {  	s6 =	simm.s32 $0x0;
	s20 =	sshll.u32 s4, $0x1;
	s4 =	sadd.s32 s21, s2  }
0x9d: {  	[timem:s6], [sflag:s22] =	dma.local [hbm:s4], s20  }
0x9e: {  	_ =	swait.ge [sflag:s22], s20  }
0x9f: {  	s3 =	ssub.s32 $0x0, s20;
	[sflag:s22] =	ssyncset.done $0x0  }
0xa0: {  	[sflag:s22] =	ssyncadd.s32 s3;
	_ =	sdelay $0x1  }
0xa1: {  	s23 =	simm.s32 $0x1B8B  }
0xa2: {  	_ =	swait.ge [sflag:s23], $0x1  }
0xa3: {  	[sflag:s23] =	ssyncset.done $0x0  }
0xa4: {  	s25 =	simm.s32 $0x1B8E;
	s24 =	sld [smem:$0x3FFE];
	[sflag:s23] =	ssyncadd.s32 $0xFFFFFFFF  }
0xa5: {  	s26 =	simm.s32 $execute0_lowered;
	[smem:$0x3FD2] =	sst s25  }
0xa6: {  	s4 =	sshll.u32 s26, $0x1;
	_ =	strace $0x80000046;
	[dreg:$0x1] =	wrdreg $0xFFFFFFFF  }
0xa7: {  	s28 =	simm.s32 $_size_execute0_lowered;
	s2 =	sadd.s32 s2, s4;
	[dreg:$0x0] =	wrdreg $0x0  }
0xa8: {  	s4 =	sshll.u32 s28, $0x1;
	[dreg:$0x2] =	wrdreg s2  }
0xa9: {  	[dreg:$0x3] =	wrdreg s4  }
0xaa: {  	[dreg:$0x4] =	wrdreg $0xC0  }
0xab: {  	_ =	task [dreg:s6], $0x5FFFF  }
0xac: {  	[dreg:$0x1] =	wrdreg $0xFFFFFFFF  }
0xad: {  	[dreg:$0x0] =	wrdreg $0x60  }
0xae: {  	[dreg:$0x2] =	wrdreg s24  }
0xaf: {  	[dreg:$0x3] =	wrdreg $0x128000  }
0xb0: {  	[dreg:$0x4] =	wrdreg $0x1C8000  }
0xb1: {  	[dreg:$0x5] =	wrdreg $0x9  }
0xb2: {  	_ =	task.clear_ibuf [dreg:s6], $0x6FFFF;
	_ =	strace $0x90000046  }
0xb3: {  	s29 =	simm.s32 $0x9;
	_ =	strace $0x80000048  }
0xb4: {  	_ =	swait.ge [sflag:s29], $0x1  }
0xb5: {  	[sflag:s29] =	ssyncadd.s32 $0xFFFFFFFF  }
0xb6: {  	_ =	strace $0x90000048  }
0xb7: {  	_ =	sfence  }
0xb8: {  	s30 =	sld [smem:$0x0];
	_ =	sdelay $0x2  }
0xb9: {  	s31 =	sshll.u32 s1, $0xD;
	s1 =	sshrl.u32 s1, $0x2  }
0xba: {  	s3 =	sand.u32 $0x4000, s31;
	s1 =	sadd.s32 s1, s30  }
0xbb: {  	s0 =	sor.u32 s3, s0;
	s1 =	sshll.u32 s1, $0x11  }
0xbc: {  	s0 =	sor.u32 s1, s0  }
0xbd: {  	s0 =	sadd.s32 $0x8F2B, s0  }
0xbe: {  	[sflag:s0] =	ssyncadd.remote.s32 $0x1  }
0xbf: {  	_ =	sfence.sel $0xFFFF  }
0xc0: {  	[dreg:$0x0] =	wrdreg $0xFFFFFFFF;
	(pc) =	sbr.abs _section_cstart, $3  }
0xc1: {  	[dreg:$0x1] =	wrdreg $0xFFFFFFFF  }
0xc2: {  	_ =	task.clear_ibuf [dreg:s6], $0x2FFFF;
	_ =	strace $0x9FFFFFFF  }
0xc3: {  	(tm) =	ssettm $0x7FFFFFFF  }
tec
execute0_lowered:
.L_overlay_start_1:
0x0: {  	(tag) =	ssettag $0x1  }
0x1: {  	s0 =	rddreg [dreg:$0x0]  }
0x2: {  	s1 =	rddreg [dreg:$0x1];
	s2 =	srdreg.scid  }
0x3: {  	s3 =	rddreg [dreg:$0x2];
	s15 =	stileid.u32;
	s4 =	simm.s32 $0x0  }
0x4: {  	s29 =	simm.s32 $0xE000;
	s30 =	simm.s32 $0x6;
	s6 =	smul.u32 $0xA000, s15  }
0x5: {  	s28 =	simm.s32 $0x4;
	s31 =	simm.s32 $0x9;
	s8 =	smul.u32 $0x2800, s15  }
0x6: {  	s2 =	sand.u32 $0x1, s2;
	[smem:$0x7FF] =	sst s4;
	s16 =	smul.u32 $0xA00, s15  }
0x7: {  	s19 =	sadd.s32 $0x58200, s0;
	s23 =	sshll.u32 s15, $0x6;
	s5 =	smul.u32 $0xA0000, s2  }
0x8: {  	_ =	strace $0x80000047;
	s12 =	smul.u32 $0x28000, s2;
	[dreg:$0x4] =	wrdreg s19  }
0x9: {  	s21 =	ssub.s32 $0x2, s2;
	p0 =	seq.s32 s2, $0x1;
	p1 =	sne.s32 s2, $0x0  }
0xa: {  	p2 =	seq.s32 s2, $0x0;
	s2 =	simm.s32 $0x2;
	s19 =	simm.s32 $0x8  }
0xb: {  	s10 =	sshrl.u32 s6, $0x3;
	s11 =	sshrl.u32 s8, $0x3;
	s13 =	sadd.s32 s16, s0  }
0xc: {  	s22 =	sshrl.u32 s21, $0x1;
	s16 =	simm.s32 $0xA;
	s7 =	sshrl.u32 s5, $0x3  }
0xd: {  	s17 =	sadd.s32 s10, s0;
	s18 =	sadd.s32 s11, s0;
	s5 =	sadd.s32 s6, s5  }
0xe: {  	s20 =	sadd.s32 s8, s12;
	s14 =	ssub.s32 s21, s22;
	s6 =	sadd.s32 s6, s1  }
0xf: {  	s8 =	sadd.s32 s8, s3;
	s24 =	sadd.s32 $0xD200, s13;
	s25 =	sadd.s32 $0x3200, s13  }
0x10: {  	s21 =	simm.s32 $0xA000;
	s22 =	simm.s32 $0xC000;
	s9 =	sadd.s32 s7, s0  }
0x11: {  	s5 =	sshrl.u32 s5, $0x3;
	s11 =	sshrl.u32 s20, $0x3;
	[dreg:$0x7] =	wrdreg s24  }
0x12: {  	s7 =	sadd.s32 $0x3F200, s17;
	s10 =	sadd.s32 $0x53200, s18;
	[dreg:$0x8] =	wrdreg s25  }
0x13: {  	s26 =	smax.u32 s14, $0x1;
	s15 =	sshrl.u32 s6, $0x3;
	s17 =	sshrl.u32 s8, $0x3  }
0x14: {  	s20 =	simm.s32 $0x80;
	s25 =	simm.s32 $0x10000;
	s24 =	simm.s32 $0x5  }
0x15: {  	s5 =	sadd.s32 s5, s0;
	s0 =	sadd.s32 s11, s0;
	[dreg:$0x5] =	wrdreg s7  }
0x16: {  	s7 =	sor.u32 $0x1C0A, s23;
	[dreg:$0x6] =	wrdreg s10;
	s11 =	sadd.s32 $0x17200, s9  }
0x17: {  	[dreg:$0xb] =	wrdreg s26;
	s23 =	simm.s32 $0x1;
	s5 =	sadd.s32 $0x62400, s5  }
0x18: {  	s26 =	simm.s32 $0x3;
	s0 =	sadd.s32 $0x58400, s0;
	[dreg:$0x9] =	wrdreg s5  }
0x19: {  	[dreg:$0xa] =	wrdreg s0;
	s0 =	simm.s32 $0x7;
	s5 =	simm.s32 $0x0  }
.LBB2_1:
0x1a: {  	s6 =	rddreg [dreg:$0x5]  }
0x1b: {  	[spmem:s15], [sflag:s7] =	dma.local [hbm:s6], $0x1400  }
0x1c: {  	_ =	swait.ge [sflag:s16], $0x1400  }
0x1d: {  	[sflag:s16] =	ssyncset.done $0x0  }
0x1e: {  	s8 =	rddreg [dreg:$0x6];
	[sflag:s16] =	ssyncadd.s32 $0xFFFFEC00  }
0x1f: {  	[spmem:s17], [sflag:s7] =	dma.local [hbm:s8], $0x500  }
0x20: {  	_ =	swait.ge [sflag:s16], $0x500  }
0x21: {  	[sflag:s16] =	ssyncset.done $0x0  }
0x22: {  	s9 =	rddreg [dreg:$0x7];
	[sflag:s16] =	ssyncadd.s32 $0xFFFFFB00  }
0x23: {  	[tilespmem:s4], [sflag:$0xA] =	stream.linear.gather [hbm4b:s9+s4], $0x5000, $0x38;
	[tilespmem:$0x1F000] =	vst v63  }
0x24: {  	_ =	swait.ge [sflag:s16], $0x5000  }
0x25: {  	[sflag:s16] =	ssyncset.done $0x0  }
0x26: {  	s8 =	simm.s32 $0x5000;
	s10 =	rddreg [dreg:$0x8];
	[sflag:s16] =	ssyncadd.s32 $0xFFFFB000  }
0x27: {  	[tilespmem:s8], [sflag:$0xA] =	stream.linear.gather [hbm4b:s10+s4], $0x5000, $0x38;
	[tilespmem:$0x1F000] =	vst v63  }
0x28: {  	_ =	swait.ge [sflag:s16], $0x5000  }
0x29: {  	[sflag:s16] =	ssyncset.done $0x0  }
0x2a: {  	s9 =	simm.s32 $0x12000;
	s12 =	rddreg [dreg:$0x4];
	[sflag:s16] =	ssyncadd.s32 $0xFFFFB000  }
0x2b: {  	[tilespmem:s9], [sflag:$0xA] =	stream.linear.gather [hbm4b:s12+s4], $0x800, $0x38;
	[tilespmem:$0x1F000] =	vst v63  }
0x2c: {  	_ =	swait.ge [sflag:s16], $0x800  }
0x2d: {  	[sflag:s16] =	ssyncset.done $0x0  }
0x2e: {  	[sflag:s16] =	ssyncadd.s32 $0xFFFFF800  }
0x2f: {  	[bflag:$0x0] =	sbarrier.arrive $0xFFFF  }
0x30: {  	[tilespmem:s21], [sflag:$0x1] =	stream.indirect.gather [hbm4b:s11+s20], $0x40, s4, s20, $0xb8;
	[tilespmem:$0x1F000] =	vst v63  }
0x31: {  	_ = 	snop  }
0x32: {  	[tilespmem:s22], [sflag:$0x2] =	stream.indirect.gather [hbm4b:s11+s20], $0x40, s20, s20, $0xb8;
	[tilespmem:$0x1F000] =	vst v63  }
0x33: {  	_ =	swait.ge [sflag:s23], $0x2000  }
0x34: {  	[sflag:s23] =	ssyncset.done $0x0  }
0x35: {  	[sflag:s23] =	ssyncadd.s32 $0xFFFFE000  }
0x36: {  	[spmem:s1] =	stream.indirect.scatter.add.f32 [tilespmem:s21], [sflag:$0x5], $0x40, s8, s20, $0xb8;
	[tilespmem:$0x1F000] =	vst v63  }
0x37: {  	s6 =	simm.s32 @p1 $0x80;
	s9 =	simm.s32 @p1 $0xE000;
	s8 =	simm.s32 @p1 $0x100  }
0x38: {  	[tilespmem:s9], [sflag:$0x3] =	stream.indirect.gather @p1 [hbm4b:s11+s6], $0x40, s8, s6, $0xb8;
	[tilespmem:$0x1F000] =	vst v63  }
0x39: {  	s8 =	simm.s32 @p1 $0x2  }
0x3a: {  	_ =	swait.ge @p1 [sflag:s8], $0x2000  }
0x3b: {  	[sflag:s8] =	ssyncset.done @p1 $0x0  }
0x3c: {  	s9 =	simm.s32 @p1 $0xC000;
	[sflag:s8] =	ssyncadd.s32 @p1 $0xFFFFE000;
	s8 =	simm.s32 @p1 $0x5080  }
0x3d: {  	[spmem:s1] =	stream.indirect.scatter.add.f32 @p1 [tilespmem:s9], [sflag:$0x6], $0x40, s8, s6, $0xb8;
	[tilespmem:$0x1F000] =	vst v63  }
0x3e: {  	s10 =	simm.s32 @!p1 $0x12000;
	s8 =	simm.s32 @!p1 $0x80;
	s9 =	simm.s32 @!p1 $0x5000  }
0x3f: {  	[spmem:s3] =	stream.indirect.scatter.add.f32 @!p1 [tilespmem:s10], [sflag:$0x9], $0x10, s9, s8, $0xb8;
	[tilespmem:$0x1F000] =	vst v63  }
0x40: {  	s12 =	simm.s32 @!p1 $0xE000;
	s9 =	simm.s32 @!p1 $0x100  }
0x41: {  	[tilespmem:s12], [sflag:$0x3] =	stream.indirect.gather @!p1 [hbm4b:s11+s8], $0x40, s9, s8, $0xb8;
	[tilespmem:$0x1F000] =	vst v63  }
0x42: {  	s9 =	simm.s32 @!p1 $0x2  }
0x43: {  	_ =	swait.ge @!p1 [sflag:s9], $0x2000  }
0x44: {  	[sflag:s9] =	ssyncset.done @!p1 $0x0  }
0x45: {  	s12 =	simm.s32 @!p1 $0xC000;
	[sflag:s9] =	ssyncadd.s32 @!p1 $0xFFFFE000;
	s9 =	simm.s32 @!p1 $0x5080  }
0x46: {  	[spmem:s1] =	stream.indirect.scatter.add.f32 @!p1 [tilespmem:s12], [sflag:$0x6], $0x40, s9, s8, $0xb8;
	[tilespmem:$0x1F000] =	vst v63  }
0x47: {  	_ = 	snop  }
0x48: {  	[spmem:s3] =	stream.indirect.scatter.add.f32 @!p1 [tilespmem:s10], [sflag:$0x9], $0x10, s9, s8, $0xb8;
	[tilespmem:$0x1F000] =	vst v63  }
0x49: {  	s13 =	simm.s32 $0x180  }
0x4a: {  	[tilespmem:s25], [sflag:$0x4] =	stream.indirect.gather [hbm4b:s11+s20], $0x40, s13, s20, $0xb8;
	[tilespmem:$0x1F000] =	vst v63  }
0x4b: {  	_ =	swait.ge [sflag:s26], $0x2000  }
0x4c: {  	[sflag:s26] =	ssyncset.done $0x0  }
0x4d: {  	s14 =	simm.s32 $0x5100;
	s9 =	simm.s32 @p1 $0x5;
	[sflag:s26] =	ssyncadd.s32 $0xFFFFE000  }
0x4e: {  	[spmem:s1] =	stream.indirect.scatter.add.f32 [tilespmem:s29], [sflag:$0x7], $0x40, s14, s20, $0xb8;
	[tilespmem:$0x1F000] =	vst v63  }
0x4f: {  	_ =	swait.ge @p1 [sflag:s9], $0x2000  }
0x50: {  	[sflag:s9] =	ssyncset.done @p1 $0x0  }
0x51: {  	s12 =	simm.s32 @p1 $0xA000;
	[sflag:s9] =	ssyncadd.s32 @p1 $0xFFFFE000;
	s9 =	simm.s32 @p1 $0x200  }
0x52: {  	[tilespmem:s12], [sflag:$0x1] =	stream.indirect.gather @p1 [hbm4b:s11+s6], $0x40, s9, s6, $0xb8;
	[tilespmem:$0x1F000] =	vst v63  }
0x53: {  	s9 =	simm.s32 @p1 $0x4  }
0x54: {  	_ =	swait.ge @p1 [sflag:s9], $0x2000  }
0x55: {  	[sflag:s9] =	ssyncset.done @p1 $0x0  }
0x56: {  	s12 =	simm.s32 @p1 $0x10000;
	[sflag:s9] =	ssyncadd.s32 @p1 $0xFFFFE000;
	s9 =	simm.s32 @p1 $0x5180  }
0x57: {  	[spmem:s1] =	stream.indirect.scatter.add.f32 @p1 [tilespmem:s12], [sflag:$0x8], $0x40, s9, s6, $0xb8;
	[tilespmem:$0x1F000] =	vst v63  }
0x58: {  	s6 =	simm.s32 @!p1 $0x5100  }
0x59: {  	[spmem:s3] =	stream.indirect.scatter.add.f32 @!p1 [tilespmem:s10], [sflag:$0x9], $0x10, s6, s8, $0xb8;
	[tilespmem:$0x1F000] =	vst v63  }
0x5a: {  	s6 =	simm.s32 @!p1 $0x5  }
0x5b: {  	_ =	swait.ge @!p1 [sflag:s6], $0x2000  }
0x5c: {  	[sflag:s6] =	ssyncset.done @!p1 $0x0  }
0x5d: {  	s9 =	simm.s32 @!p1 $0xA000;
	[sflag:s6] =	ssyncadd.s32 @!p1 $0xFFFFE000;
	s6 =	simm.s32 @!p1 $0x200  }
0x5e: {  	[tilespmem:s9], [sflag:$0x1] =	stream.indirect.gather @!p1 [hbm4b:s11+s8], $0x40, s6, s8, $0xb8;
	[tilespmem:$0x1F000] =	vst v63  }
0x5f: {  	s6 =	simm.s32 @!p1 $0x4  }
0x60: {  	_ =	swait.ge @!p1 [sflag:s6], $0x2000  }
0x61: {  	[sflag:s6] =	ssyncset.done @!p1 $0x0  }
0x62: {  	s9 =	simm.s32 @!p1 $0x10000;
	[sflag:s6] =	ssyncadd.s32 @!p1 $0xFFFFE000;
	s6 =	simm.s32 @!p1 $0x5180  }
0x63: {  	[spmem:s1] =	stream.indirect.scatter.add.f32 @!p1 [tilespmem:s9], [sflag:$0x8], $0x40, s6, s8, $0xb8;
	[tilespmem:$0x1F000] =	vst v63  }
0x64: {  	_ = 	snop  }
0x65: {  	[spmem:s3] =	stream.indirect.scatter.add.f32 @!p1 [tilespmem:s10], [sflag:$0x9], $0x10, s6, s8, $0xb8;
	[tilespmem:$0x1F000] =	vst v63  }
0x66: {  	_ =	swait.ge [sflag:s30], $0x2000  }
0x67: {  	s18 =	simm.s32 $0x280;
	[sflag:s30] =	ssyncset.done $0x0  }
0x68: {  	s6 =	simm.s32 $0x0;
	s8 =	simm.s32 $0x1;
	[sflag:s30] =	ssyncadd.s32 $0xFFFFE000  }
0x69: {  	[tilespmem:s22], [sflag:$0x2] =	stream.indirect.gather [hbm4b:s11+s20], $0x40, s18, s20, $0xb8;
	[tilespmem:$0x1F000] =	vst v63  }
.LBB2_2:
0x6a: {  	_ =	swait.ge [sflag:s23], $0x2000;
	s9 =	sshra.s32 s6, $0x2  }
0x6b: {  	p3 =	slt.u32 s8, $0x14;
	p4 =	sgt.u32 s8, $0x13;
	[sflag:s23] =	ssyncset.done $0x0  }
0x6c: {  	s10 =	sadd.s32 $0x5200, s9;
	p3 =	por !p2, !p3;
	p4 =	por !p4, !p0  }
0x6d: {  	[sflag:s23] =	ssyncadd.s32 $0xFFFFE000;
	p3 =	por !p3, !p3;
	p4 =	por !p4, !p4  }
0x6e: {  	[spmem:s1] =	stream.indirect.scatter.add.f32 [tilespmem:s21], [sflag:$0x5], $0x40, s10, s20, $0xb8;
	[tilespmem:$0x1F000] =	vst v63  }
0x6f: {  	p3 =	por p3, p4  }
0x70: {  	s12 =	simm.s32 @p3 $0x80;
	s13 =	simm.s32 @p3 $0x12000  }
0x71: {  	[spmem:s3] =	stream.indirect.scatter.add.f32 @p3 [tilespmem:s13], [sflag:$0x9], $0x10, s10, s12, $0xb8;
	[tilespmem:$0x1F000] =	vst v63  }
0x72: {  	_ =	swait.ge [sflag:s0], $0x2000  }
0x73: {  	[sflag:s0] =	ssyncset.done $0x0  }
0x74: {  	s14 =	sadd.s32 $0x300, s9;
	[sflag:s0] =	ssyncadd.s32 $0xFFFFE000  }
0x75: {  	[tilespmem:s29], [sflag:$0x3] =	stream.indirect.gather [hbm4b:s11+s20], $0x40, s14, s20, $0xb8;
	[tilespmem:$0x1F000] =	vst v63  }
0x76: {  	_ =	swait.ge [sflag:s2], $0x2000  }
0x77: {  	[sflag:s2] =	ssyncset.done $0x0  }
0x78: {  	s10 =	sadd.s32 $0x5280, s9;
	[sflag:s2] =	ssyncadd.s32 $0xFFFFE000  }
0x79: {  	[spmem:s1] =	stream.indirect.scatter.add.f32 [tilespmem:s22], [sflag:$0x6], $0x40, s10, s20, $0xb8;
	[tilespmem:$0x1F000] =	vst v63  }
0x7a: {  	_ = 	snop  }
0x7b: {  	[spmem:s3] =	stream.indirect.scatter.add.f32 @p3 [tilespmem:s13], [sflag:$0x9], $0x10, s10, s12, $0xb8;
	[tilespmem:$0x1F000] =	vst v63  }
0x7c: {  	_ =	swait.ge [sflag:s19], $0x2000  }
0x7d: {  	[sflag:s19] =	ssyncset.done $0x0  }
0x7e: {  	s18 =	sadd.s32 $0x380, s9;
	[sflag:s19] =	ssyncadd.s32 $0xFFFFE000  }
0x7f: {  	[tilespmem:s25], [sflag:$0x4] =	stream.indirect.gather [hbm4b:s11+s20], $0x40, s18, s20, $0xb8;
	[tilespmem:$0x1F000] =	vst v63  }
0x80: {  	_ =	swait.ge [sflag:s26], $0x2000  }
0x81: {  	[sflag:s26] =	ssyncset.done $0x0  }
0x82: {  	s10 =	sadd.s32 $0x5300, s9;
	[sflag:s26] =	ssyncadd.s32 $0xFFFFE000  }
0x83: {  	[spmem:s1] =	stream.indirect.scatter.add.f32 [tilespmem:s29], [sflag:$0x7], $0x40, s10, s20, $0xb8;
	[tilespmem:$0x1F000] =	vst v63  }
0x84: {  	_ = 	snop  }
0x85: {  	[spmem:s3] =	stream.indirect.scatter.add.f32 @p3 [tilespmem:s13], [sflag:$0x9], $0x10, s10, s12, $0xb8;
	[tilespmem:$0x1F000] =	vst v63  }
0x86: {  	p4 =	seq.s32 s6, $0x13000;
	_ =	swait.ge [sflag:s24], $0x2000  }
0x87: {  	s14 =	simm.s32 @!p4 $0x80;
	s10 =	sshra.s32 @!p4 s6, $0x2;
	[sflag:s24] =	ssyncset.done $0x0  }
0x88: {  	s18 =	simm.s32 @!p4 $0xA000;
	s10 =	sadd.s32 @!p4 $0x400, s10;
	[sflag:s24] =	ssyncadd.s32 $0xFFFFE000  }
0x89: {  	[tilespmem:s18], [sflag:$0x1] =	stream.indirect.gather @!p4 [hbm4b:s11+s14], $0x40, s10, s14, $0xb8;
	[tilespmem:$0x1F000] =	vst v63  }
0x8a: {  	_ =	swait.ge [sflag:s28], $0x2000  }
0x8b: {  	[sflag:s28] =	ssyncset.done $0x0  }
0x8c: {  	s10 =	sadd.s32 $0x5380, s9;
	[sflag:s28] =	ssyncadd.s32 $0xFFFFE000  }
0x8d: {  	[spmem:s1] =	stream.indirect.scatter.add.f32 [tilespmem:s25], [sflag:$0x8], $0x40, s10, s20, $0xb8;
	[tilespmem:$0x1F000] =	vst v63  }
.Ltmp0:
0x8e: {  	_ = 	snop;
	(pc) =	sbr.rel @p4 .LBB2_4-.Ltmp0, $4  }
0x8f: {  	[spmem:s3] =	stream.indirect.scatter.add.f32 @p3 [tilespmem:s13], [sflag:$0x9], $0x10, s10, s12, $0xb8;
	[tilespmem:$0x1F000] =	vst v63  }
0x90: {  	_ =	swait.ge [sflag:s30], $0x2000  }
0x91: {  	[sflag:s30] =	ssyncset.done $0x0  }
0x92: {  	[sflag:s30] =	ssyncadd.s32 $0xFFFFE000  }
.Ltmp1:
0x93: {  	(pc) =	sbr.rel .LBB2_2-.Ltmp1, $3  }
0x94: {  	_ =	sdelay $0x1  }
0x95: {  	s9 =	sadd.s32 $0x480, s9;
	s8 =	sadd.s32 $0x1, s8;
	s6 =	sadd.s32 $0x800, s6  }
0x96: {  	[tilespmem:s22], [sflag:$0x2] =	stream.indirect.gather [hbm4b:s11+s20], $0x40, s9, s20, $0xb8;
	[tilespmem:$0x1F000] =	vst v63  }
.LBB2_4:
0x97: {  	_ =	swait.ge [sflag:s0], $0x2000  }
0x98: {  	[sflag:s0] =	ssyncset.done $0x0  }
0x99: {  	[sflag:s0] =	ssyncadd.s32 $0xFFFFE000  }
0x9a: {  	_ =	swait.ge [sflag:s19], $0x2000  }
0x9b: {  	[sflag:s19] =	ssyncset.done $0x0  }
0x9c: {  	[sflag:s19] =	ssyncadd.s32 $0xFFFFE000  }
0x9d: {  	_ =	swait.ge [sflag:s31], $0x800  }
0x9e: {  	s6 =	simm.s32 $0x4F;
	[sflag:s31] =	ssyncset.done $0x0  }
.LBB2_5:
0x9f: {  	p3 =	sne.s32 s6, $0x1;
	s6 =	sadd.s32 $0xFFFFFFFF, s6;
	[sflag:s31] =	ssyncadd.s32 $0xFFFFF800  }
.Ltmp2:
0xa0: {  	(pc) =	sbr.rel @p3 .LBB2_5-.Ltmp2, $3  }
0xa1: {  	_ =	sdelay $0x1  }
0xa2: {  	_ =	swait.ge [sflag:s31], $0x800  }
0xa3: {  	[sflag:s31] =	ssyncset.done $0x0  }
0xa4: {  	[sflag:s31] =	ssyncadd.s32 $0xFFFFF800  }
0xa5: {  	[bflag:$0x0] =	sbarrier.arrive $0xFFFF  }
0xa6: {  	s6 =	rddreg [dreg:$0x9]  }
0xa7: {  	[hbm:s6], [sflag:s7] =	dma.local [spmem:s15], $0x1400  }
0xa8: {  	_ =	swait.ge [sflag:s16], $0x1400  }
0xa9: {  	[sflag:s16] =	ssyncset.done $0x0  }
0xaa: {  	s14 =	rddreg [dreg:$0xa];
	[sflag:s16] =	ssyncadd.s32 $0xFFFFEC00  }
0xab: {  	[hbm:s14], [sflag:s7] =	dma.local [spmem:s17], $0x500  }
0xac: {  	_ =	swait.ge [sflag:s16], $0x500  }
0xad: {  	s5 =	sadd.s32 $0x1, s5;
	s18 =	rddreg [dreg:$0xb]  }
0xae: {  	p3 =	sne.s32 s5, s18  }
.Ltmp3:
0xaf: {  	_ = 	snop;
	(pc) =	sbr.rel @p3 .LBB2_1-.Ltmp3, $3  }
0xb0: {  	_ =	sdelay $0x1  }
0xb1: {  	[sflag:s16] =	ssyncset.done $0x0  }
0xb2: {  	[sflag:s16] =	ssyncadd.s32 $0xFFFFFB00  }
0xb3: {  	_ =	sfence.sel $0x180000  }
0xb4: {  	[bflag:$0x0] =	sbarrier.arrive $0xFFFF  }
0xb5: {  	_ =	strace $0x90000047  }
0xb6: {  	s0 =	stileid.u32;
	[bflag:$0x2] =	sbarrier.arrive $0xFFFF  }
0xb7: {  	p0 =	sne.s32 s0, $0x0;
	s0 =	rddreg [dreg:$0x3]  }
0xb8: {  	s0 =	sadd.s32 @!p0 $0x100000, s0  }
0xb9: {  	[sflag:s0] =	ssyncadd.tile.s32 @!p0 $0x1;
	_ =	shalt  }
.Lfunc_end2:
_tile_overlayer_lowered:
.L_overlay_start_2:
0xba: {  	(tag) =	ssettag $0x2  }
0xbb: {  	s0 =	rddreg [dreg:$0x0];
	s2 =	stileid.u32  }
0xbc: {  	s1 =	rddreg [dreg:$0x1];
	p0 =	sne.s32 s2, $0x0  }
0xbd: {  	s3 =	rddreg [dreg:$0x2];
	[bflag:$0x3] =	sbarrier.arrive $0xFFFF;
	s2 =	simm.s32 @!p0 $0x1C0A  }
0xbe: {  	[timem:s3], [sflag:s2] =	dma.local @!p0 [hbm:s0], s1  }
0xbf: {  	s0 =	simm.s32 @!p0 $0xA  }
0xc0: {  	_ =	swait.ge @!p0 [sflag:s0], s1  }
0xc1: {  	s1 =	ssub.s32 @!p0 $0x0, s1;
	[sflag:s0] =	ssyncset.done @!p0 $0x0  }
0xc2: {  	[sflag:s0] =	ssyncadd.s32 @!p0 s1  }
0xc3: {  	[bflag:$0x3] =	sbarrier.arrive $0xFFFF  }
0xc4: {  	_ =	shalt  }

// kernel: kernel.9.cloned.1.call-start
scs
__scs_entry_jumppad:
0x0: {  	(pc) =	sbr.rel $0x88, $3  }
0x1: {  	(tag) =	ssettag $0x0;
	lr =	simm.s32 $0x1  }
0x2: {  	[smem:$0x3F90] =	sst lr;
	_ =	strace $0xD0000000  }
0x3: {  	_ = 	snop  }
0x4: {  	_ = 	snop  }
0x5: {  	_ = 	snop  }
0x6: {  	_ = 	snop  }
0x7: {  	_ = 	snop  }
__scs_overlays_trampoline_lowered:
0x8: {  	[smem:$0x3F9F] =	sst s0  }
0x9: {  	[smem:$0x3FA0] =	sst s1  }
0xa: {  	[smem:$0x3FA1] =	sst s2  }
0xb: {  	[smem:$0x3FA2] =	sst s3  }
0xc: {  	[smem:$0x3FA3] =	sst s4  }
0xd: {  	[smem:$0x3FA4] =	sst s5  }
0xe: {  	[smem:$0x3FA5] =	sst s6  }
0xf: {  	[smem:$0x3FA6] =	sst s7  }
0x10: {  	[smem:$0x3FA7] =	sst s8  }
0x11: {  	[smem:$0x3FA8] =	sst s9;
	s0 =	simm.s32 @!p0 $0x0  }
0x12: {  	s1 =	sld [smem:$0x3F8E];
	s0 =	simm.s32 @p0 $0x1  }
0x13: {  	[smem:$0x3FA9] =	sst s0;
	s0 =	simm.s32 @!p1 $0x0  }
0x14: {  	s2 =	sld [smem:$0x3F8D];
	s0 =	simm.s32 @p1 $0x1  }
0x15: {  	[smem:$0x3FAA] =	sst s0;
	s0 =	simm.s32 @!p2 $0x0  }
0x16: {  	s3 =	sld [smem:$0x3FDB];
	s0 =	simm.s32 @p2 $0x1  }
0x17: {  	s4 =	simm.s32 $0x1BF5;
	[smem:$0x3FAC] =	sst s0  }
0x18: {  	s0 =	sld [smem:$0x3F8F];
	_ =	swait.ge [sflag:s4], $0x0  }
0x19: {  	s7 =	sld [smem:$0x3F90]  }
0x1a: {  	s8 =	sadd.s32 $0xFFFFE003, lr  }
0x1b: {  	s9 =	sadd.s32 $0xFFFFFEF7, lr;
	s5 =	simm.s32 $0xFFFFFFFF;
	p2 =	slt.u32 s8, $0xFFFFF086  }
0x1c: {  	p1 =	slt.u32 s9, $0xF7A;
	s5 =	simm.s32 @!p2 $0x0  }
0x1d: {  	s5 =	simm.s32 @p1 $0x1;
	p0 =	seq.s32 s7, s2  }
0x1e: {  	s7 =	smul.u32 @!p0 $0xF7A, s2;
	p2 =	seq.s32 @!p0 s5, $0x0  }
0x1f: {  	s9 =	smul.u32 $0xF7A, s1;
	s8 =	simm.s32 @!p0 $0x1BF5;
	p2 =	por !p2, p0  }
0x20: {  	[sflag:s8] =	ssyncset.s32 @!p0 $0xFFFFF086;
	s6 =	sadd.s32 @!p0 s3, s7;
	s7 =	simm.s32 @!p0 $0x108  }
0x21: {  	s3 =	sadd.s32 s3, s9;
	s6 =	sadd.s32 @!p0 $0x88, s6;
	s7 =	simm.s32 @p2 $0x1082  }
0x22: {  	[simem:s7], [sflag:s8] =	dma.local @!p0 [hbm:s6], $0xF7A  }
0x23: {  	s9 =	sor.u32 $0xD0000000, s2;
	s6 =	simm.s32 $0x108;
	_ =	swait.ge @!p0 [sflag:s8], $0x0  }
0x24: {  	s3 =	sadd.s32 $0x88, s3;
	s6 =	simm.s32 @!p1 $0x1082;
	[sflag:s4] =	ssyncset.s32 $0xFFFFF086  }
0x25: {  	[simem:s6], [sflag:s4] =	dma.local [hbm:s3], $0xF7A  }
0x26: {  	[smem:$0x3F90] =	sst s1;
	(tag) =	ssettag s2;
	_ =	strace s9  }
0x27: {  	s1 =	sld [smem:$0x3FA0]  }
0x28: {  	s2 =	sld [smem:$0x3FA1]  }
0x29: {  	s4 =	sld [smem:$0x3FA3]  }
0x2a: {  	p0 =	seq.s32 s5, $0x0;
	s5 =	sld [smem:$0x3FA4]  }
0x2b: {  	s6 =	sld [smem:$0x3FA5]  }
0x2c: {  	s7 =	sld [smem:$0x3FA6]  }
0x2d: {  	s3 =	simm.s32 $0x108;
	s8 =	sld [smem:$0x3FA7]  }
0x2e: {  	s3 =	simm.s32 @!p0 $0x1082;
	s9 =	sld [smem:$0x3FA8]  }
0x2f: {  	lr =	sadd.s32 s0, s3;
	s0 =	sld [smem:$0x3F9F]  }
0x30: {  	s3 =	sld [smem:$0x3FA2]  }
0x31: {  	[smem:$0x3FAB] =	sst s10  }
0x32: {  	s10 =	sld [smem:$0x3FA9];
	_ =	sdelay $0x3  }
0x33: {  	p0 =	seq.s32 s10, $0x1;
	s10 =	sld [smem:$0x3FAB];
	_ =	sdelay $0x3  }
0x34: {  	[smem:$0x3FAB] =	sst s10  }
0x35: {  	s10 =	sld [smem:$0x3FAA];
	_ =	sdelay $0x3  }
0x36: {  	p1 =	seq.s32 s10, $0x1;
	s10 =	sld [smem:$0x3FAB];
	_ =	sdelay $0x3  }
0x37: {  	[smem:$0x3FAB] =	sst s10  }
0x38: {  	s10 =	sld [smem:$0x3FAC]  }
0x39: {  	_ = 	snop;
	(pc) =	sbr.ind lr, $3  }
0x3a: {  	_ = 	snop  }
0x3b: {  	_ = 	snop  }
0x3c: {  	p2 =	seq.s32 s10, $0x1;
	s10 =	sld [smem:$0x3FAB]  }
0x3d: {  	_ =	shalt  }
0x3e: {  	_ =	shalt  }
0x3f: {  	_ =	shalt  }
0x40: {  	_ =	shalt  }
0x41: {  	_ =	shalt  }
0x42: {  	_ =	shalt  }
0x43: {  	_ =	shalt  }
0x44: {  	_ =	shalt  }
0x45: {  	_ =	shalt  }
0x46: {  	_ =	shalt  }
0x47: {  	_ =	shalt  }
0x48: {  	_ =	shalt  }
0x49: {  	_ =	shalt  }
0x4a: {  	_ =	shalt  }
0x4b: {  	_ =	shalt  }
0x4c: {  	_ =	shalt  }
0x4d: {  	_ =	shalt  }
0x4e: {  	_ =	shalt  }
0x4f: {  	_ =	shalt  }
0x50: {  	_ =	shalt  }
0x51: {  	_ =	shalt  }
0x52: {  	_ =	shalt  }
0x53: {  	_ =	shalt  }
0x54: {  	_ =	shalt  }
0x55: {  	_ =	shalt  }
0x56: {  	_ =	shalt  }
0x57: {  	_ =	shalt  }
0x58: {  	_ =	shalt  }
0x59: {  	_ =	shalt  }
0x5a: {  	_ =	shalt  }
0x5b: {  	_ =	shalt  }
0x5c: {  	_ =	shalt  }
0x5d: {  	_ =	shalt  }
0x5e: {  	_ =	shalt  }
0x5f: {  	_ =	shalt  }
0x60: {  	_ =	shalt  }
0x61: {  	_ =	shalt  }
0x62: {  	_ =	shalt  }
0x63: {  	_ =	shalt  }
0x64: {  	_ =	shalt  }
0x65: {  	_ =	shalt  }
0x66: {  	_ =	shalt  }
0x67: {  	_ =	shalt  }
0x68: {  	_ =	shalt  }
0x69: {  	_ =	shalt  }
0x6a: {  	_ =	shalt  }
0x6b: {  	_ =	shalt  }
0x6c: {  	_ =	shalt  }
0x6d: {  	_ =	shalt  }
0x6e: {  	_ =	shalt  }
0x6f: {  	_ =	shalt  }
0x70: {  	_ =	shalt  }
0x71: {  	_ =	shalt  }
0x72: {  	_ =	shalt  }
0x73: {  	_ =	shalt  }
0x74: {  	_ =	shalt  }
0x75: {  	_ =	shalt  }
0x76: {  	_ =	shalt  }
0x77: {  	_ =	shalt  }
0x78: {  	_ =	shalt  }
0x79: {  	_ =	shalt  }
0x7a: {  	_ =	shalt  }
0x7b: {  	_ =	shalt  }
0x7c: {  	_ =	shalt  }
0x7d: {  	_ =	shalt  }
0x7e: {  	_ =	shalt  }
0x7f: {  	_ =	shalt  }
0x80: {  	_ =	shalt  }
0x81: {  	_ =	shalt  }
0x82: {  	_ =	shalt  }
0x83: {  	_ =	shalt  }
0x84: {  	_ =	shalt  }
0x85: {  	_ =	shalt  }
0x86: {  	_ =	shalt  }
0x87: {  	_ =	shalt  }
.Lfunc_end0:
.L_simem_size_0:
called_computation.1_lowered:
.L_overlay_start_0:
0x88: {  	s2 =	sld [smem:$0x3FD9]  }
0x89: {  	s3 =	sld [smem:$0x3FFE];
	_ =	sdelay $0x1  }
0x8a: {  	s1 =	srdreg.scid  }
0x8b: {  	s0 =	sand.u32 $0x1, s1  }
0x8c: {  	s16 =	sshll.u32 s0, $0xA;
	s2 =	sadd.s32 s3, s2  }
0x8d: {  	s2 =	sadd.s32 s2, s16  }
0x8e: {  	[smem:$0x3FB7] =	sst s2  }
0x8f: {  	_ = 	snop  }
0x90: {  	(tm) =	ssettm $0x1  }
0x91: {  	s17 =	sld [smem:$0x3FFB];
	_ =	sdelay $0x3  }
0x92: {  	_ =	strace s17  }
0x93: {  	s2 =	sld [smem:$0x3FFC];
	_ =	sdelay $0x3  }
0x94: {  	_ =	strace s2  }
0x95: {  	s2 =	sld [smem:$0x3FFD];
	_ =	sdelay $0x3  }
0x96: {  	_ =	strace s2  }
0x97: {  	_ =	strace $0x8FFFFFFF  }
0x98: {  	s18 =	sld [smem:$0x3FDB];
	_ =	sdelay $0x1  }
0x99: {  	s19 =	simm.s32 $_scs_section_size  }
0x9a: {  	s4 =	simm.s32 $_size__tile_overlayer_lowered;
	s5 =	simm.s32 $_tile_overlayer_lowered  }
0x9b: {  	s22 =	simm.s32 $0x1BFF;
	s21 =	sshll.u32 s5, $0x1;
	s2 =	sadd.s32 s19, s18  }
0x9c: {  	s6 =	simm.s32 $0x0;
	s20 =	sshll.u32 s4, $0x1;
	s4 =	sadd.s32 s21, s2  }
0x9d: {  	[timem:s6], [sflag:s22] =	dma.local [hbm:s4], s20  }
0x9e: {  	_ =	swait.ge [sflag:s22], s20  }
0x9f: {  	s3 =	ssub.s32 $0x0, s20;
	[sflag:s22] =	ssyncset.done $0x0  }
0xa0: {  	[sflag:s22] =	ssyncadd.s32 s3;
	_ =	sdelay $0x1  }
0xa1: {  	s23 =	simm.s32 $0x1B8B  }
0xa2: {  	_ =	swait.ge [sflag:s23], $0x1  }
0xa3: {  	[sflag:s23] =	ssyncset.done $0x0  }
0xa4: {  	s25 =	simm.s32 $0x1B8E;
	s24 =	sld [smem:$0x3FFE];
	[sflag:s23] =	ssyncadd.s32 $0xFFFFFFFF  }
0xa5: {  	s26 =	simm.s32 $execute0_lowered;
	[smem:$0x3FD2] =	sst s25  }
0xa6: {  	s4 =	sshll.u32 s26, $0x1;
	_ =	strace $0x80000049;
	[dreg:$0x1] =	wrdreg $0xFFFFFFFF  }
0xa7: {  	s28 =	simm.s32 $_size_execute0_lowered;
	s2 =	sadd.s32 s2, s4;
	[dreg:$0x0] =	wrdreg $0x0  }
0xa8: {  	s4 =	sshll.u32 s28, $0x1;
	[dreg:$0x2] =	wrdreg s2  }
0xa9: {  	[dreg:$0x3] =	wrdreg s4  }
0xaa: {  	[dreg:$0x4] =	wrdreg $0xC0  }
0xab: {  	_ =	task [dreg:s6], $0x5FFFF  }
0xac: {  	[dreg:$0x1] =	wrdreg $0xFFFFFFFF  }
0xad: {  	[dreg:$0x0] =	wrdreg $0x60  }
0xae: {  	[dreg:$0x2] =	wrdreg s24  }
0xaf: {  	[dreg:$0x3] =	wrdreg $0xD0000  }
0xb0: {  	[dreg:$0x4] =	wrdreg $0x9  }
0xb1: {  	_ =	task.clear_ibuf [dreg:s6], $0x5FFFF;
	_ =	strace $0x90000049  }
0xb2: {  	s29 =	simm.s32 $0x9;
	_ =	strace $0x8000004B  }
0xb3: {  	_ =	swait.ge [sflag:s29], $0x1  }
0xb4: {  	[sflag:s29] =	ssyncadd.s32 $0xFFFFFFFF  }
0xb5: {  	_ =	strace $0x9000004B  }
0xb6: {  	_ =	sfence  }
0xb7: {  	s30 =	sld [smem:$0x0];
	_ =	sdelay $0x2  }
0xb8: {  	s31 =	sshll.u32 s1, $0xD;
	s1 =	sshrl.u32 s1, $0x2  }
0xb9: {  	s3 =	sand.u32 $0x4000, s31;
	s1 =	sadd.s32 s1, s30  }
0xba: {  	s0 =	sor.u32 s3, s0;
	s1 =	sshll.u32 s1, $0x11  }
0xbb: {  	s0 =	sor.u32 s1, s0  }
0xbc: {  	s0 =	sadd.s32 $0x8F2B, s0  }
0xbd: {  	[sflag:s0] =	ssyncadd.remote.s32 $0x1  }
0xbe: {  	_ =	sfence.sel $0xFFFF  }
0xbf: {  	[dreg:$0x0] =	wrdreg $0xFFFFFFFF;
	(pc) =	sbr.abs _section_cstart, $3  }
0xc0: {  	[dreg:$0x1] =	wrdreg $0xFFFFFFFF  }
0xc1: {  	_ =	task.clear_ibuf [dreg:s6], $0x2FFFF;
	_ =	strace $0x9FFFFFFF  }
0xc2: {  	(tm) =	ssettm $0x7FFFFFFF  }
0xc3: {  	_ =	shalt  }
tec
execute0_lowered:
.L_overlay_start_1:
0x0: {  	(tag) =	ssettag $0x1  }
0x1: {  	s0 =	srdreg.scid;
	s5 =	rddreg [dreg:$0x0]  }
0x2: {  	s10 =	stileid.u32;
	s2 =	rddreg [dreg:$0x1];
	s3 =	simm.s32 $0x0  }
0x3: {  	s12 =	simm.s32 $0x9;
	s13 =	simm.s32 $0x2800;
	s14 =	simm.s32 $0x80  }
0x4: {  	s15 =	simm.s32 $0x5000;
	s16 =	simm.s32 $0x7000;
	s17 =	simm.s32 $0x1  }
0x5: {  	s19 =	simm.s32 $0x9000;
	s20 =	simm.s32 $0x2;
	s23 =	simm.s32 $0xB000  }
0x6: {  	s24 =	simm.s32 $0x3;
	s26 =	simm.s32 $0x5;
	s29 =	simm.s32 $0x4  }
0x7: {  	s31 =	simm.s32 $0x6;
	s18 =	simm.s32 $0x8;
	s21 =	simm.s32 $0x0  }
0x8: {  	s0 =	sand.u32 $0x1, s0;
	s1 =	sshll.u32 s10, $0x1;
	s6 =	smul.u32 $0xA000, s10  }
0x9: {  	[smem:$0x7FF] =	sst s3;
	s4 =	sadd.s32 $0x53200, s5;
	s30 =	sshll.u32 s10, $0x6  }
0xa: {  	s1 =	sor.u32 s0, s1;
	s7 =	smul.u32 $0xA0000, s0;
	_ =	strace $0x8000004A  }
0xb: {  	s0 =	ssub.s32 $0x2, s0;
	s1 =	smul.u32 $0x500, s1;
	s8 =	sshrl.u32 s6, $0x3  }
0xc: {  	s28 =	sshrl.u32 s0, $0x1;
	s11 =	sadd.s32 s6, s2;
	s7 =	sadd.s32 s6, s7  }
.Ltmp0:
0xd: {  	s8 =	sadd.s32 s8, s5;
	s0 =	ssub.s32 s0, s28;
	(pc) =	sbr.rel .LBB2_1-.Ltmp0, $4  }
0xe: {  	s6 =	sor.u32 $0x1C09, s30;
	s11 =	sshrl.u32 s11, $0x3;
	s1 =	sadd.s32 s1, s5  }
0xf: {  	s7 =	sshrl.u32 s7, $0x3;
	s10 =	smax.u32 s0, $0x1;
	s0 =	simm.s32 $0x7  }
0x10: {  	s9 =	sadd.s32 s7, s5;
	s5 =	sadd.s32 $0x3F200, s8;
	s7 =	sadd.s32 $0x94400, s1  }
0x11: {  	s8 =	sadd.s32 $0x8A400, s1;
	s1 =	simm.s32 $0x280;
	s9 =	sadd.s32 $0x3200, s9  }
.LBB2_4:
0x12: {  	_ =	swait.ge [sflag:s29], $0x2000  }
0x13: {  	[sflag:s29] =	ssyncset.done $0x0  }
0x14: {  	[sflag:s29] =	ssyncadd.s32 $0xFFFFE000  }
0x15: {  	[spmem:s2] =	stream.indirect.scatter.add.f32 [tilespmem:s23], [sflag:$0x8], $0x40, s28, s14, $0xb8;
	[tilespmem:$0x17000] =	vst v63  }
0x16: {  	_ =	swait.ge [sflag:s31], $0x2000  }
0x17: {  	[sflag:s31] =	ssyncset.done $0x0  }
0x18: {  	[sflag:s31] =	ssyncadd.s32 $0xFFFFE000  }
0x19: {  	_ =	swait.ge [sflag:s0], $0x2000  }
0x1a: {  	[sflag:s0] =	ssyncset.done $0x0  }
0x1b: {  	[sflag:s0] =	ssyncadd.s32 $0xFFFFE000  }
0x1c: {  	_ =	swait.ge [sflag:s18], $0x2000  }
0x1d: {  	s21 =	sadd.s32 $0x1, s21;
	[sflag:s18] =	ssyncset.done $0x0  }
0x1e: {  	p0 =	sne.s32 s21, s10;
	[sflag:s18] =	ssyncadd.s32 $0xFFFFE000  }
.Ltmp1:
0x1f: {  	[bflag:$0x0] =	sbarrier.arrive $0xFFFF;
	(pc) =	sbr.rel @!p0 .LBB2_5-.Ltmp1, $4  }
0x20: {  	[hbm:s9], [sflag:s6] =	dma.local [spmem:s11], $0x1400  }
0x21: {  	_ =	swait.ge [sflag:s12], $0x1400  }
0x22: {  	[sflag:s12] =	ssyncset.done $0x0  }
0x23: {  	[sflag:s12] =	ssyncadd.s32 $0xFFFFEC00  }
.LBB2_1:
0x24: {  	[spmem:s11], [sflag:s6] =	dma.local [hbm:s5], $0x1400  }
0x25: {  	_ =	swait.ge [sflag:s12], $0x1400  }
0x26: {  	[sflag:s12] =	ssyncset.done $0x0  }
0x27: {  	[sflag:s12] =	ssyncadd.s32 $0xFFFFEC00  }
0x28: {  	[tilespmem:s3], [sflag:$0x9] =	stream.linear.gather [hbm4b:s7+s3], $0x2800, $0x38;
	[tilespmem:$0x17000] =	vst v63  }
0x29: {  	_ =	swait.ge [sflag:s12], $0x2800  }
0x2a: {  	[sflag:s12] =	ssyncset.done $0x0  }
0x2b: {  	[sflag:s12] =	ssyncadd.s32 $0xFFFFD800  }
0x2c: {  	[tilespmem:s13], [sflag:$0x9] =	stream.linear.gather [hbm4b:s8+s3], $0x2800, $0x38;
	[tilespmem:$0x17000] =	vst v63  }
0x2d: {  	_ =	swait.ge [sflag:s12], $0x2800  }
0x2e: {  	[sflag:s12] =	ssyncset.done $0x0  }
0x2f: {  	[sflag:s12] =	ssyncadd.s32 $0xFFFFD800  }
0x30: {  	[bflag:$0x0] =	sbarrier.arrive $0xFFFF  }
0x31: {  	[tilespmem:s15], [sflag:$0x1] =	stream.indirect.gather [hbm4b:s4+s14], $0x40, s3, s14, $0xb8;
	[tilespmem:$0x17000] =	vst v63  }
0x32: {  	_ = 	snop  }
0x33: {  	[tilespmem:s16], [sflag:$0x2] =	stream.indirect.gather [hbm4b:s4+s14], $0x40, s14, s14, $0xb8;
	[tilespmem:$0x17000] =	vst v63  }
0x34: {  	_ =	swait.ge [sflag:s17], $0x2000  }
0x35: {  	[sflag:s17] =	ssyncset.done $0x0  }
0x36: {  	[sflag:s17] =	ssyncadd.s32 $0xFFFFE000  }
0x37: {  	[spmem:s2] =	stream.indirect.scatter.add.f32 [tilespmem:s15], [sflag:$0x5], $0x40, s13, s14, $0xb8;
	[tilespmem:$0x17000] =	vst v63  }
0x38: {  	s22 =	simm.s32 $0x100  }
0x39: {  	[tilespmem:s19], [sflag:$0x3] =	stream.indirect.gather [hbm4b:s4+s14], $0x40, s22, s14, $0xb8;
	[tilespmem:$0x17000] =	vst v63  }
0x3a: {  	_ =	swait.ge [sflag:s20], $0x2000  }
0x3b: {  	[sflag:s20] =	ssyncset.done $0x0  }
0x3c: {  	s28 =	simm.s32 $0x2880;
	[sflag:s20] =	ssyncadd.s32 $0xFFFFE000  }
0x3d: {  	[spmem:s2] =	stream.indirect.scatter.add.f32 [tilespmem:s16], [sflag:$0x6], $0x40, s28, s14, $0xb8;
	[tilespmem:$0x17000] =	vst v63  }
0x3e: {  	s30 =	simm.s32 $0x180  }
0x3f: {  	[tilespmem:s23], [sflag:$0x4] =	stream.indirect.gather [hbm4b:s4+s14], $0x40, s30, s14, $0xb8;
	[tilespmem:$0x17000] =	vst v63  }
0x40: {  	_ =	swait.ge [sflag:s24], $0x2000  }
0x41: {  	[sflag:s24] =	ssyncset.done $0x0  }
0x42: {  	s25 =	simm.s32 $0x2900;
	[sflag:s24] =	ssyncadd.s32 $0xFFFFE000  }
0x43: {  	[spmem:s2] =	stream.indirect.scatter.add.f32 [tilespmem:s19], [sflag:$0x7], $0x40, s25, s14, $0xb8;
	[tilespmem:$0x17000] =	vst v63  }
0x44: {  	_ =	swait.ge [sflag:s26], $0x2000  }
0x45: {  	[sflag:s26] =	ssyncset.done $0x0  }
0x46: {  	s28 =	simm.s32 $0x200;
	[sflag:s26] =	ssyncadd.s32 $0xFFFFE000  }
0x47: {  	[tilespmem:s15], [sflag:$0x1] =	stream.indirect.gather [hbm4b:s4+s14], $0x40, s28, s14, $0xb8;
	[tilespmem:$0x17000] =	vst v63  }
0x48: {  	_ =	swait.ge [sflag:s29], $0x2000  }
0x49: {  	[sflag:s29] =	ssyncset.done $0x0  }
0x4a: {  	s30 =	simm.s32 $0x2980;
	[sflag:s29] =	ssyncadd.s32 $0xFFFFE000  }
0x4b: {  	[spmem:s2] =	stream.indirect.scatter.add.f32 [tilespmem:s23], [sflag:$0x8], $0x40, s30, s14, $0xb8;
	[tilespmem:$0x17000] =	vst v63  }
0x4c: {  	_ =	swait.ge [sflag:s31], $0x2000  }
0x4d: {  	[sflag:s31] =	ssyncset.done $0x0  }
0x4e: {  	s22 =	simm.s32 $0x0;
	[sflag:s31] =	ssyncadd.s32 $0xFFFFE000  }
0x4f: {  	[tilespmem:s16], [sflag:$0x2] =	stream.indirect.gather [hbm4b:s4+s14], $0x40, s1, s14, $0xb8;
	[tilespmem:$0x17000] =	vst v63  }
.LBB2_2:
0x50: {  	_ =	swait.ge [sflag:s17], $0x2000  }
0x51: {  	s25 =	sshra.s32 s22, $0x2;
	[sflag:s17] =	ssyncset.done $0x0  }
0x52: {  	s28 =	sadd.s32 $0x2A00, s25;
	[sflag:s17] =	ssyncadd.s32 $0xFFFFE000  }
0x53: {  	[spmem:s2] =	stream.indirect.scatter.add.f32 [tilespmem:s15], [sflag:$0x5], $0x40, s28, s14, $0xb8;
	[tilespmem:$0x17000] =	vst v63  }
0x54: {  	_ =	swait.ge [sflag:s0], $0x2000  }
0x55: {  	[sflag:s0] =	ssyncset.done $0x0  }
0x56: {  	s28 =	sadd.s32 $0x300, s25;
	[sflag:s0] =	ssyncadd.s32 $0xFFFFE000  }
0x57: {  	[tilespmem:s19], [sflag:$0x3] =	stream.indirect.gather [hbm4b:s4+s14], $0x40, s28, s14, $0xb8;
	[tilespmem:$0x17000] =	vst v63  }
0x58: {  	_ =	swait.ge [sflag:s20], $0x2000  }
0x59: {  	[sflag:s20] =	ssyncset.done $0x0  }
0x5a: {  	s28 =	sadd.s32 $0x2A80, s25;
	[sflag:s20] =	ssyncadd.s32 $0xFFFFE000  }
0x5b: {  	[spmem:s2] =	stream.indirect.scatter.add.f32 [tilespmem:s16], [sflag:$0x6], $0x40, s28, s14, $0xb8;
	[tilespmem:$0x17000] =	vst v63  }
0x5c: {  	_ =	swait.ge [sflag:s18], $0x2000  }
0x5d: {  	[sflag:s18] =	ssyncset.done $0x0  }
0x5e: {  	s28 =	sadd.s32 $0x380, s25;
	[sflag:s18] =	ssyncadd.s32 $0xFFFFE000  }
0x5f: {  	[tilespmem:s23], [sflag:$0x4] =	stream.indirect.gather [hbm4b:s4+s14], $0x40, s28, s14, $0xb8;
	[tilespmem:$0x17000] =	vst v63  }
0x60: {  	_ =	swait.ge [sflag:s24], $0x2000  }
0x61: {  	p0 =	seq.s32 s22, $0x9000;
	[sflag:s24] =	ssyncset.done $0x0  }
.Ltmp2:
0x62: {  	s28 =	sadd.s32 $0x2B00, s25;
	[sflag:s24] =	ssyncadd.s32 $0xFFFFE000;
	(pc) =	sbr.rel @p0 .LBB2_4-.Ltmp2, $4  }
0x63: {  	[spmem:s2] =	stream.indirect.scatter.add.f32 [tilespmem:s19], [sflag:$0x7], $0x40, s28, s14, $0xb8;
	[tilespmem:$0x17000] =	vst v63  }
0x64: {  	_ =	swait.ge [sflag:s26], $0x2000  }
0x65: {  	[sflag:s26] =	ssyncset.done $0x0  }
0x66: {  	s28 =	sadd.s32 $0x2B80, s25;
	[sflag:s26] =	ssyncadd.s32 $0xFFFFE000  }
0x67: {  	s30 =	sadd.s32 $0x400, s25  }
0x68: {  	[tilespmem:s15], [sflag:$0x1] =	stream.indirect.gather [hbm4b:s4+s14], $0x40, s30, s14, $0xb8;
	[tilespmem:$0x17000] =	vst v63  }
0x69: {  	_ =	swait.ge [sflag:s29], $0x2000  }
0x6a: {  	[sflag:s29] =	ssyncset.done $0x0  }
0x6b: {  	[sflag:s29] =	ssyncadd.s32 $0xFFFFE000  }
0x6c: {  	[spmem:s2] =	stream.indirect.scatter.add.f32 [tilespmem:s23], [sflag:$0x8], $0x40, s28, s14, $0xb8;
	[tilespmem:$0x17000] =	vst v63  }
.Ltmp3:
0x6d: {  	_ = 	snop;
	(pc) =	sbr.rel .LBB2_2-.Ltmp3, $4  }
0x6e: {  	_ =	swait.ge [sflag:s31], $0x2000  }
0x6f: {  	[sflag:s31] =	ssyncset.done $0x0  }
0x70: {  	s22 =	sadd.s32 $0x800, s22;
	s30 =	sadd.s32 $0x480, s25;
	[sflag:s31] =	ssyncadd.s32 $0xFFFFE000  }
0x71: {  	[tilespmem:s16], [sflag:$0x2] =	stream.indirect.gather [hbm4b:s4+s14], $0x40, s30, s14, $0xb8;
	[tilespmem:$0x17000] =	vst v63  }
.LBB2_5:
0x72: {  	_ =	sfence.sel $0x180000  }
0x73: {  	[bflag:$0x0] =	sbarrier.arrive $0xFFFF  }
0x74: {  	_ =	strace $0x9000004A  }
0x75: {  	s0 =	stileid.u32;
	[bflag:$0x2] =	sbarrier.arrive $0xFFFF  }
0x76: {  	p0 =	sne.s32 s0, $0x0;
	s0 =	rddreg [dreg:$0x2]  }
0x77: {  	s0 =	sadd.s32 @!p0 $0x100000, s0  }
0x78: {  	[sflag:s0] =	ssyncadd.tile.s32 @!p0 $0x1;
	_ =	shalt  }
.Lfunc_end2:
_tile_overlayer_lowered:
.L_overlay_start_2:
0x79: {  	(tag) =	ssettag $0x2  }
0x7a: {  	s0 =	rddreg [dreg:$0x0];
	s2 =	stileid.u32  }
0x7b: {  	s1 =	rddreg [dreg:$0x1];
	p0 =	sne.s32 s2, $0x0  }
0x7c: {  	s3 =	rddreg [dreg:$0x2];
	[bflag:$0x3] =	sbarrier.arrive $0xFFFF;
	s2 =	simm.s32 @!p0 $0x1C09  }
0x7d: {  	[timem:s3], [sflag:s2] =	dma.local @!p0 [hbm:s0], s1  }
0x7e: {  	s0 =	simm.s32 @!p0 $0x9  }
0x7f: {  	_ =	swait.ge @!p0 [sflag:s0], s1  }
0x80: {  	s1 =	ssub.s32 @!p0 $0x0, s1;
	[sflag:s0] =	ssyncset.done @!p0 $0x0  }
0x81: {  	[sflag:s0] =	ssyncadd.s32 @!p0 s1  }
0x82: {  	[bflag:$0x3] =	sbarrier.arrive $0xFFFF  }
0x83: {  	_ =	shalt  }

</sc_bundles>
